<compile_context>
chip_gen: v7x
topology: tpu7x:2x2x1
jax: 0.10.2.dev20260603
libtpu: 0.0.44.dev20260713+nightly
codegen_flags: <defaults>
</compile_context>

<pallas_src>
import functools

import jax
import jax.numpy as jnp
from jax import lax
from jax.experimental import pallas as pl
from jax.experimental.pallas import tpu as pltpu
from jax.experimental.pallas import tpu_sc as plsc

N = 10000
E = 320000
D = 128
G = 64

NC = 2
NS = 16
NW = NC * NS
CH = 128
ET = E // NW
NCHA = ET // CH
TAIL = ET - NCHA * CH
NPAD = 10240
RPT = NPAD // NS
NBUF = 2

_mesh = plsc.VectorSubcoreMesh(core_axis_name="c", subcore_axis_name="s")


@functools.partial(
    pl.kernel,
    out_type=jax.ShapeDtypeStruct((NC, NPAD, D), jnp.float32),
    mesh=_mesh,
    scratch_types=[
        [pltpu.VMEM((CH,), jnp.int32)] * NBUF,
        pltpu.VMEM((CH,), jnp.int32),
        pltpu.VMEM((TAIL,), jnp.int32),
        [pltpu.VMEM((CH, D), jnp.float32)] * NBUF,
        pltpu.VMEM((TAIL, D), jnp.float32),
        pltpu.VMEM_SHARED((NPAD, D), jnp.float32),
        [pltpu.SemaphoreType.DMA] * NBUF,
        pltpu.SemaphoreType.DMA,
    ],
)
def _sc_aggregate(h_hbm, src_hbm, dst_hbm, zeros_hbm, out_hbm,
                  sidx_f, didx_f, tidx, rows, rows_t, acc, sems, tsem):
    c = lax.axis_index("c")
    s = lax.axis_index("s")
    w = c * NS + s
    row0 = s * RPT
    base = w * ET

    def zinit(k, _):
        pltpu.sync_copy(zeros_hbm, acc.at[pl.ds(row0 + k * CH, CH)])
        return 0
    lax.fori_loop(0, RPT // CH, zinit, 0)
    plsc.subcore_barrier()

    def fire(ch, b):
        pltpu.sync_copy(src_hbm.at[pl.ds(base + ch * CH, CH)], sidx_f[b])
        pltpu.async_copy(h_hbm.at[sidx_f[b]], rows[b], sems[b])

    def drain(ch, b):
        pltpu.make_async_copy(h_hbm.at[sidx_f[b]], rows[b], sems[b]).wait()

    def scat(ch, b):
        pltpu.sync_copy(dst_hbm.at[pl.ds(base + ch * CH, CH)], didx_f)
        pltpu.sync_copy(rows[b], acc.at[didx_f], add=True)

    for b in range(NBUF):
        fire(b, b)

    def step(i, _):
        bs = i * NBUF
        for b in range(NBUF):
            ch = bs + b
            drain(ch, b)
            scat(ch, b)
            fire(ch + NBUF, b)
        return 0
    lax.fori_loop(0, NCHA // NBUF - 2, step, 0)
    bs = NCHA - 2 * NBUF
    for b in range(NBUF):
        ch = bs + b
        drain(ch, b)
        scat(ch, b)
        fire(ch + NBUF, b)
    for b in range(NBUF):
        ch = NCHA - NBUF + b
        drain(ch, b)
        scat(ch, b)

    toff = base + NCHA * CH
    pltpu.sync_copy(src_hbm.at[pl.ds(toff, TAIL)], tidx)
    pltpu.async_copy(h_hbm.at[tidx], rows_t, tsem).wait()
    pltpu.sync_copy(dst_hbm.at[pl.ds(toff, TAIL)], tidx)
    pltpu.sync_copy(rows_t, acc.at[tidx], add=True)

    plsc.subcore_barrier()
    pltpu.sync_copy(acc.at[pl.ds(row0, RPT)], out_hbm.at[c, pl.ds(row0, RPT)])



def _mm_body(x_ref, w_ref, o_ref):
    o_ref[...] = jnp.dot(x_ref[...], w_ref[...],
                         preferred_element_type=jnp.float32)


def _tc_matmul(x, w):
    return pl.pallas_call(
        _mm_body,
        out_shape=jax.ShapeDtypeStruct((x.shape[0], w.shape[1]), jnp.float32),
    )(x, w)


def _scale_body(dp_ref, xw_ref, dis_ref, h1p_ref):
    deg = dp_ref[0, 0:N, 0:1] + dp_ref[1, 0:N, 0:1] + 1.0
    dis = lax.rsqrt(deg)
    dis_ref[...] = dis
    h1p_ref[...] = xw_ref[...] * dis


def _tc_scale(deg_partials, xw):
    return pl.pallas_call(
        _scale_body,
        out_shape=[
            jax.ShapeDtypeStruct((N, 1), jnp.float32),
            jax.ShapeDtypeStruct((N, D), jnp.float32),
        ],
    )(deg_partials, xw)


def _layer_body(ap_ref, hp_ref, dis_ref, b_ref, w_ref, o_ref):
    dis = dis_ref[...]
    t = (ap_ref[0, 0:N] + ap_ref[1, 0:N] + hp_ref[...]) * dis + b_ref[...]
    h = jnp.maximum(t, 0.0)
    o_ref[...] = jnp.dot(h, w_ref[...], preferred_element_type=jnp.float32) * dis


def _tc_layer(agg_partials, hp, dis, b2d, w):
    return pl.pallas_call(
        _layer_body,
        out_shape=jax.ShapeDtypeStruct((N, D), jnp.float32),
    )(agg_partials, hp, dis, b2d, w)


def _final_body(ap_ref, hp_ref, dis_ref, b_ref, batch_ref, wl_ref, bl_ref, o_ref):
    h3 = (ap_ref[0, 0:N] + ap_ref[1, 0:N] + hp_ref[...]) * dis_ref[...] + b_ref[...]
    gids = lax.broadcasted_iota(jnp.int32, (N, G), 1)
    onehot = (batch_ref[...] == gids).astype(jnp.float32)
    pooled = lax.dot_general(onehot, h3, (((0,), (0,)), ((), ())),
                             preferred_element_type=jnp.float32)
    cnt = jnp.sum(onehot, axis=0)[:, None]
    g = pooled / jnp.maximum(cnt, 1.0)
    z = jnp.dot(g, wl_ref[...], preferred_element_type=jnp.float32) + bl_ref[...]
    o_ref[...] = 1.0 / (1.0 + jnp.exp(-z))


def _tc_final(agg_partials, hp, dis, b2d, batch2d, wl, bl2d):
    return pl.pallas_call(
        _final_body,
        out_shape=jax.ShapeDtypeStruct((G, 1), jnp.float32),
    )(agg_partials, hp, dis, b2d, batch2d, wl, bl2d)


def kernel(x, edge_index, batch, W1, b1, W2, b2, W3, b3, Wl, bl):
    src1d = edge_index[0]
    dst1d = edge_index[1]
    batch2d = batch.reshape(N, 1)
    zerosD = jnp.zeros((CH, D), jnp.float32)
    onesND = jnp.ones((N, D), jnp.float32)

    deg_partials = _sc_aggregate(onesND, src1d, dst1d, zerosD)
    xw = _tc_matmul(x, W1)
    dis, hp = _tc_scale(deg_partials, xw)

    agg = _sc_aggregate(hp, src1d, dst1d, zerosD)
    hp = _tc_layer(agg, hp, dis, b1.reshape(1, D), W2)
    agg = _sc_aggregate(hp, src1d, dst1d, zerosD)
    hp = _tc_layer(agg, hp, dis, b2.reshape(1, D), W3)
    agg = _sc_aggregate(hp, src1d, dst1d, zerosD)
    return _tc_final(agg, hp, dis, b3.reshape(1, D), batch2d, Wl,
                     bl.reshape(1, 1))

# --- scband reference (transcript-rebuilt; emitter-appended) ---
"""Pipeline reference for scband-gcn-40467181863493 (READ-ONLY COPY).

The authoritative reference and input builder live on the scoring server;
editing this copy changes nothing except your own understanding.
"""

import jax, jax.numpy as jnp
import numpy as np

N_NODES = 10000
N_EDGES = 320000
N_GRAPHS = 64
D = 128
N_CLS = 1


def gcn_conv(x, W, b, src, dst, num_nodes):
    # GCNConv: add self-loops, symmetric normalization D^-1/2 A_hat D^-1/2 X W + b
    loop = jnp.arange(num_nodes, dtype=src.dtype)
    s = jnp.concatenate([src, loop])
    d = jnp.concatenate([dst, loop])
    h = x @ W
    ones = jnp.ones(s.shape[0], dtype=h.dtype)
    deg = jnp.zeros(num_nodes, dtype=h.dtype).at[d].add(ones)
    dis = jnp.where(deg > 0, 1.0 / jnp.sqrt(deg), 0.0)
    norm = dis[s] * dis[d]
    msg = h[s] * norm[:, None]
    out = jnp.zeros((num_nodes, h.shape[1]), dtype=h.dtype).at[d].add(msg)
    return out + b


def global_mean_pool(x, batch, num_graphs):
    s = jax.ops.segment_sum(x, batch, num_segments=num_graphs)
    cnt = jax.ops.segment_sum(jnp.ones((x.shape[0], 1), dtype=x.dtype), batch, num_segments=num_graphs)
    return s / jnp.maximum(cnt, 1.0)


def setup_inputs(seed: int = 0) -> dict:
    key = jax.random.key(seed)
    ks = jax.random.split(key, 12)
    x = jax.random.normal(ks[0], (N_NODES, D), dtype=jnp.float32)
    edge_index = jax.random.randint(ks[1], (2, N_EDGES), 0, N_NODES)
    batch = jnp.sort(jax.random.randint(ks[2], (N_NODES,), 0, N_GRAPHS))
    sc = 1.0 / np.sqrt(D)
    W1 = jax.random.normal(ks[3], (D, D), dtype=jnp.float32) * sc
    b1 = jnp.zeros((D,), dtype=jnp.float32)
    W2 = jax.random.normal(ks[4], (D, D), dtype=jnp.float32) * sc
    b2 = jnp.zeros((D,), dtype=jnp.float32)
    W3 = jax.random.normal(ks[5], (D, D), dtype=jnp.float32) * sc
    b3 = jnp.zeros((D,), dtype=jnp.float32)
    Wl = jax.random.normal(ks[6], (D, N_CLS), dtype=jnp.float32) * sc
    bl = jnp.zeros((N_CLS,), dtype=jnp.float32)
    return {"x": x, "edge_index": edge_index, "batch": batch,
            "W1": W1, "b1": b1, "W2": W2, "b2": b2, "W3": W3, "b3": b3,
            "Wl": Wl, "bl": bl}


def reference(x, edge_index, batch, W1, b1, W2, b2, W3, b3, Wl, bl):
    src, dst = edge_index[0], edge_index[1]
    h = jax.nn.relu(gcn_conv(x, W1, b1, src, dst, N_NODES))
    h = jax.nn.relu(gcn_conv(h, W2, b2, src, dst, N_NODES))
    h = gcn_conv(h, W3, b3, src, dst, N_NODES)
    g = global_mean_pool(h, batch, N_GRAPHS)
    # dropout is identity in eval mode (training=False)
    out = g @ Wl + bl
    return jax.nn.sigmoid(out)

if __name__ == "__main__":
    import jax
    _d = setup_inputs()
    print(jax.jit(kernel)(*tuple(_d.values())))

</pallas_src>

<mosaic_0001>
#map = affine_map<(d0, d1) -> (0, 0)>
#map1 = affine_map<(d0, d1) -> (0)>
#map2 = affine_map<(d0, d1) -> (0, 0, 0)>
module attributes {stable_mosaic.version = 14 : i64} {
  func.func @_sc_aggregate(%arg0: i32, %arg1: i32, %arg2: memref<10000x128xf32, #tpu.memory_space<hbm>>, %arg3: memref<320000xi32, #tpu.memory_space<hbm>>, %arg4: memref<320000xi32, #tpu.memory_space<hbm>>, %arg5: memref<128x128xf32, #tpu.memory_space<hbm>>, %arg6: memref<2x10240x128xf32, #tpu.memory_space<hbm>>, %arg7: memref<128xi32, #tpu.memory_space<vmem>>, %arg8: memref<128xi32, #tpu.memory_space<vmem>>, %arg9: memref<128xi32, #tpu.memory_space<vmem>>, %arg10: memref<16xi32, #tpu.memory_space<vmem>>, %arg11: memref<128x128xf32, #tpu.memory_space<vmem>>, %arg12: memref<128x128xf32, #tpu.memory_space<vmem>>, %arg13: memref<16x128xf32, #tpu.memory_space<vmem>>, %arg14: memref<10240x128xf32, #tpu.memory_space<vmem_shared>>, %arg15: memref<!tpu.dma_semaphore, #tpu.memory_space<semaphore_mem>>, %arg16: memref<!tpu.dma_semaphore, #tpu.memory_space<semaphore_mem>>, %arg17: memref<!tpu.dma_semaphore, #tpu.memory_space<semaphore_mem>>) attributes {dimension_semantics = [#tpu.dimension_semantics<core_parallel>, #tpu.dimension_semantics<subcore_parallel>], iteration_bounds = array<i64: 2, 16>, scalar_prefetch = 0 : i64, scratch_operands = 11 : i64, tpu.core_type = #tpu.core_type<sc_vector_subcore>, window_params = [{transform_indices = #map}, {transform_indices = #map1}, {transform_indices = #map1}, {transform_indices = #map}, {transform_indices = #map2}]} {
    %mul3A = arith.constant 16 : i32
    %mul3A_0 = arith.muli %arg0, %mul3A : i32
    %add3A = arith.addi %mul3A_0, %arg1 : i32
    %mul3A_1 = arith.constant 640 : i32
    %mul3A_2 = arith.muli %arg1, %mul3A_1 : i32
    %mul3A_3 = arith.constant 10000 : i32
    %mul3A_4 = arith.muli %add3A, %mul3A_3 : i32
    %scan3A = arith.constant 0 : i32
    %scan3A_5 = arith.constant 0 : i32
    %scan3A_6 = arith.constant 5 : i32
    %scan3A_7 = arith.addi %scan3A_5, %scan3A_6 : i32
    %scan3A_8 = arith.constant 1 : i32
    %scan3A_9 = scf.for %scan3A_65 = %scan3A_5 to %scan3A_7 step %scan3A_8 iter_args(%scan3A_66 = %scan3A) -> (i32)  : i32 {
      %mul3A_67 = arith.constant 128 : i32
      %mul3A_68 = arith.muli %scan3A_65, %mul3A_67 : i32
      %add3A_69 = arith.addi %mul3A_2, %mul3A_68 : i32
      "tpu.region"() ({
        %run_scoped3A = tpu.sem_alloc : memref<!tpu.dma_semaphore, #tpu.memory_space<semaphore_mem>>
        %dma_start3A_71 = arith.constant 0 : i32
        %dma_start3A_72 = tpu.memref_slice %arg14[%add3A_69, %dma_start3A_71] : memref<10240x128xf32, #tpu.memory_space<vmem_shared>> -> memref<128x128xf32, #tpu.memory_space<vmem_shared>>
        tpu.enqueue_dma source(%arg5 : memref<128x128xf32, #tpu.memory_space<hbm>>) target(%dma_start3A_72 : memref<128x128xf32, #tpu.memory_space<vmem_shared>>) target_semaphore(%run_scoped3A : memref<!tpu.dma_semaphore, #tpu.memory_space<semaphore_mem>>)
        %dma_wait3A_73 = arith.constant 0 : i32
        %dma_wait3A_74 = tpu.memref_slice %arg14[%add3A_69, %dma_wait3A_73] : memref<10240x128xf32, #tpu.memory_space<vmem_shared>> -> memref<128x128xf32, #tpu.memory_space<vmem_shared>>
        tpu.wait_dma2 semaphore(%run_scoped3A : memref<!tpu.dma_semaphore, #tpu.memory_space<semaphore_mem>>) src(%arg5 : memref<128x128xf32, #tpu.memory_space<hbm>>) dst(%dma_wait3A_74 : memref<128x128xf32, #tpu.memory_space<vmem_shared>>)
        tpu.yield
      }) : () -> ()
      %scan3A_70 = arith.constant 0 : i32
      scf.yield %scan3A_70 : i32
    }
    %scan3A_10 = arith.constant 5 : i32
    %barrier3A = arith.constant 0 : index
    tpu.barrier barrier_id(%barrier3A)
    %add3A_11 = arith.constant 0 : i32
    %add3A_12 = arith.addi %mul3A_4, %add3A_11 : i32
    "tpu.region"() ({
      %run_scoped3A = tpu.sem_alloc : memref<!tpu.dma_semaphore, #tpu.memory_space<semaphore_mem>>
      %dma_start3A_65 = tpu.memref_slice %arg3[%add3A_12] : memref<320000xi32, #tpu.memory_space<hbm>> -> memref<128xi32, #tpu.memory_space<hbm>>
      %dma_start3A_66 = tpu.memref_slice %arg3[%add3A_12] : memref<320000xi32, #tpu.memory_space<hbm>> -> memref<128xi32, #tpu.memory_space<hbm>>
      tpu.enqueue_dma source(%dma_start3A_66 : memref<128xi32, #tpu.memory_space<hbm>>) target(%arg7 : memref<128xi32, #tpu.memory_space<vmem>>) target_semaphore(%run_scoped3A : memref<!tpu.dma_semaphore, #tpu.memory_space<semaphore_mem>>)
      %dma_wait3A_67 = tpu.memref_slice %arg3[%add3A_12] : memref<320000xi32, #tpu.memory_space<hbm>> -> memref<128xi32, #tpu.memory_space<hbm>>
      %dma_wait3A_68 = tpu.memref_slice %arg3[%add3A_12] : memref<320000xi32, #tpu.memory_space<hbm>> -> memref<128xi32, #tpu.memory_space<hbm>>
      tpu.wait_dma2 semaphore(%run_scoped3A : memref<!tpu.dma_semaphore, #tpu.memory_space<semaphore_mem>>) src(%dma_wait3A_68 : memref<128xi32, #tpu.memory_space<hbm>>) dst(%arg7 : memref<128xi32, #tpu.memory_space<vmem>>)
      tpu.yield
    }) : () -> ()
    %dma_start3A = arith.constant 0 : i32
    %dma_start3A_13 = arith.constant 0 : i32
    %dma_start3A_14 = tpu.memref_slice %arg2[%dma_start3A, %dma_start3A_13] : memref<10000x128xf32, #tpu.memory_space<hbm>> -> memref<10000x128xf32, #tpu.memory_space<hbm>>
    tpu.enqueue_indirect_dma source(%dma_start3A_14 : memref<10000x128xf32, #tpu.memory_space<hbm>>) target(%arg11 : memref<128x128xf32, #tpu.memory_space<vmem>>) offsets(%arg7 : memref<128xi32, #tpu.memory_space<vmem>>) semaphore(%arg15 : memref<!tpu.dma_semaphore, #tpu.memory_space<semaphore_mem>>)
    %add3A_15 = arith.constant 128 : i32
    %add3A_16 = arith.addi %mul3A_4, %add3A_15 : i32
    "tpu.region"() ({
      %run_scoped3A = tpu.sem_alloc : memref<!tpu.dma_semaphore, #tpu.memory_space<semaphore_mem>>
      %dma_start3A_65 = tpu.memref_slice %arg3[%add3A_16] : memref<320000xi32, #tpu.memory_space<hbm>> -> memref<128xi32, #tpu.memory_space<hbm>>
      %dma_start3A_66 = tpu.memref_slice %arg3[%add3A_16] : memref<320000xi32, #tpu.memory_space<hbm>> -> memref<128xi32, #tpu.memory_space<hbm>>
      tpu.enqueue_dma source(%dma_start3A_66 : memref<128xi32, #tpu.memory_space<hbm>>) target(%arg8 : memref<128xi32, #tpu.memory_space<vmem>>) target_semaphore(%run_scoped3A : memref<!tpu.dma_semaphore, #tpu.memory_space<semaphore_mem>>)
      %dma_wait3A_67 = tpu.memref_slice %arg3[%add3A_16] : memref<320000xi32, #tpu.memory_space<hbm>> -> memref<128xi32, #tpu.memory_space<hbm>>
      %dma_wait3A_68 = tpu.memref_slice %arg3[%add3A_16] : memref<320000xi32, #tpu.memory_space<hbm>> -> memref<128xi32, #tpu.memory_space<hbm>>
      tpu.wait_dma2 semaphore(%run_scoped3A : memref<!tpu.dma_semaphore, #tpu.memory_space<semaphore_mem>>) src(%dma_wait3A_68 : memref<128xi32, #tpu.memory_space<hbm>>) dst(%arg8 : memref<128xi32, #tpu.memory_space<vmem>>)
      tpu.yield
    }) : () -> ()
    %dma_start3A_17 = arith.constant 0 : i32
    %dma_start3A_18 = arith.constant 0 : i32
    %dma_start3A_19 = tpu.memref_slice %arg2[%dma_start3A_17, %dma_start3A_18] : memref<10000x128xf32, #tpu.memory_space<hbm>> -> memref<10000x128xf32, #tpu.memory_space<hbm>>
    tpu.enqueue_indirect_dma source(%dma_start3A_19 : memref<10000x128xf32, #tpu.memory_space<hbm>>) target(%arg12 : memref<128x128xf32, #tpu.memory_space<vmem>>) offsets(%arg8 : memref<128xi32, #tpu.memory_space<vmem>>) semaphore(%arg16 : memref<!tpu.dma_semaphore, #tpu.memory_space<semaphore_mem>>)
    %scan3A_20 = arith.constant 0 : i32
    %scan3A_21 = arith.constant 0 : i32
    %scan3A_22 = arith.constant 37 : i32
    %scan3A_23 = arith.addi %scan3A_21, %scan3A_22 : i32
    %scan3A_24 = arith.constant 1 : i32
    %scan3A_25 = scf.for %scan3A_65 = %scan3A_21 to %scan3A_23 step %scan3A_24 iter_args(%scan3A_66 = %scan3A_20) -> (i32)  : i32 {
      %mul3A_67 = arith.constant 2 : i32
      %mul3A_68 = arith.muli %scan3A_65, %mul3A_67 : i32
      %add3A_69 = arith.constant 0 : i32
      %add3A_70 = arith.addi %mul3A_68, %add3A_69 : i32
      %dma_wait3A_71 = arith.constant 0 : i32
      %dma_wait3A_72 = arith.constant 0 : i32
      %dma_wait3A_73 = tpu.memref_slice %arg2[%dma_wait3A_71, %dma_wait3A_72] : memref<10000x128xf32, #tpu.memory_space<hbm>> -> memref<10000x128xf32, #tpu.memory_space<hbm>>
      tpu.wait_indirect_dma semaphore(%arg15 : memref<!tpu.dma_semaphore, #tpu.memory_space<semaphore_mem>>) src(%dma_wait3A_73 : memref<10000x128xf32, #tpu.memory_space<hbm>>) dst(%arg11 : memref<128x128xf32, #tpu.memory_space<vmem>>)
      %mul3A_74 = arith.constant 128 : i32
      %mul3A_75 = arith.muli %add3A_70, %mul3A_74 : i32
      %add3A_76 = arith.addi %mul3A_4, %mul3A_75 : i32
      "tpu.region"() ({
        %run_scoped3A = tpu.sem_alloc : memref<!tpu.dma_semaphore, #tpu.memory_space<semaphore_mem>>
        %dma_start3A_102 = tpu.memref_slice %arg4[%add3A_76] : memref<320000xi32, #tpu.memory_space<hbm>> -> memref<128xi32, #tpu.memory_space<hbm>>
        %dma_start3A_103 = tpu.memref_slice %arg4[%add3A_76] : memref<320000xi32, #tpu.memory_space<hbm>> -> memref<128xi32, #tpu.memory_space<hbm>>
        tpu.enqueue_dma source(%dma_start3A_103 : memref<128xi32, #tpu.memory_space<hbm>>) target(%arg9 : memref<128xi32, #tpu.memory_space<vmem>>) target_semaphore(%run_scoped3A : memref<!tpu.dma_semaphore, #tpu.memory_space<semaphore_mem>>)
        %dma_wait3A_104 = tpu.memref_slice %arg4[%add3A_76] : memref<320000xi32, #tpu.memory_space<hbm>> -> memref<128xi32, #tpu.memory_space<hbm>>
        %dma_wait3A_105 = tpu.memref_slice %arg4[%add3A_76] : memref<320000xi32, #tpu.memory_space<hbm>> -> memref<128xi32, #tpu.memory_space<hbm>>
        tpu.wait_dma2 semaphore(%run_scoped3A : memref<!tpu.dma_semaphore, #tpu.memory_space<semaphore_mem>>) src(%dma_wait3A_105 : memref<128xi32, #tpu.memory_space<hbm>>) dst(%arg9 : memref<128xi32, #tpu.memory_space<vmem>>)
        tpu.yield
      }) : () -> ()
      "tpu.region"() ({
        %run_scoped3A = tpu.sem_alloc : memref<!tpu.dma_semaphore, #tpu.memory_space<semaphore_mem>>
        %dma_start3A_102 = arith.constant 0 : i32
        %dma_start3A_103 = arith.constant 0 : i32
        %dma_start3A_104 = tpu.memref_slice %arg14[%dma_start3A_102, %dma_start3A_103] : memref<10240x128xf32, #tpu.memory_space<vmem_shared>> -> memref<10240x128xf32, #tpu.memory_space<vmem_shared>>
        tpu.enqueue_indirect_dma source(%arg11 : memref<128x128xf32, #tpu.memory_space<vmem>>) target(%dma_start3A_104 : memref<10240x128xf32, #tpu.memory_space<vmem_shared>>) offsets(%arg9 : memref<128xi32, #tpu.memory_space<vmem>>) semaphore(%run_scoped3A : memref<!tpu.dma_semaphore, #tpu.memory_space<semaphore_mem>>) {add = true}
        %dma_wait3A_105 = arith.constant 0 : i32
        %dma_wait3A_106 = arith.constant 0 : i32
        %dma_wait3A_107 = tpu.memref_slice %arg14[%dma_wait3A_105, %dma_wait3A_106] : memref<10240x128xf32, #tpu.memory_space<vmem_shared>> -> memref<10240x128xf32, #tpu.memory_space<vmem_shared>>
        tpu.wait_indirect_dma semaphore(%run_scoped3A : memref<!tpu.dma_semaphore, #tpu.memory_space<semaphore_mem>>) src(%arg11 : memref<128x128xf32, #tpu.memory_space<vmem>>) dst(%dma_wait3A_107 : memref<10240x128xf32, #tpu.memory_space<vmem_shared>>)
        tpu.yield
      }) : () -> ()
      %add3A_77 = arith.constant 2 : i32
      %add3A_78 = arith.addi %add3A_70, %add3A_77 : i32
      %mul3A_79 = arith.constant 128 : i32
      %mul3A_80 = arith.muli %add3A_78, %mul3A_79 : i32
      %add3A_81 = arith.addi %mul3A_4, %mul3A_80 : i32
      "tpu.region"() ({
        %run_scoped3A = tpu.sem_alloc : memref<!tpu.dma_semaphore, #tpu.memory_space<semaphore_mem>>
        %dma_start3A_102 = tpu.memref_slice %arg3[%add3A_81] : memref<320000xi32, #tpu.memory_space<hbm>> -> memref<128xi32, #tpu.memory_space<hbm>>
        %dma_start3A_103 = tpu.memref_slice %arg3[%add3A_81] : memref<320000xi32, #tpu.memory_space<hbm>> -> memref<128xi32, #tpu.memory_space<hbm>>
        tpu.enqueue_dma source(%dma_start3A_103 : memref<128xi32, #tpu.memory_space<hbm>>) target(%arg7 : memref<128xi32, #tpu.memory_space<vmem>>) target_semaphore(%run_scoped3A : memref<!tpu.dma_semaphore, #tpu.memory_space<semaphore_mem>>)
        %dma_wait3A_104 = tpu.memref_slice %arg3[%add3A_81] : memref<320000xi32, #tpu.memory_space<hbm>> -> memref<128xi32, #tpu.memory_space<hbm>>
        %dma_wait3A_105 = tpu.memref_slice %arg3[%add3A_81] : memref<320000xi32, #tpu.memory_space<hbm>> -> memref<128xi32, #tpu.memory_space<hbm>>
        tpu.wait_dma2 semaphore(%run_scoped3A : memref<!tpu.dma_semaphore, #tpu.memory_space<semaphore_mem>>) src(%dma_wait3A_105 : memref<128xi32, #tpu.memory_space<hbm>>) dst(%arg7 : memref<128xi32, #tpu.memory_space<vmem>>)
        tpu.yield
      }) : () -> ()
      %dma_start3A_82 = arith.constant 0 : i32
      %dma_start3A_83 = arith.constant 0 : i32
      %dma_start3A_84 = tpu.memref_slice %arg2[%dma_start3A_82, %dma_start3A_83] : memref<10000x128xf32, #tpu.memory_space<hbm>> -> memref<10000x128xf32, #tpu.memory_space<hbm>>
      tpu.enqueue_indirect_dma source(%dma_start3A_84 : memref<10000x128xf32, #tpu.memory_space<hbm>>) target(%arg11 : memref<128x128xf32, #tpu.memory_space<vmem>>) offsets(%arg7 : memref<128xi32, #tpu.memory_space<vmem>>) semaphore(%arg15 : memref<!tpu.dma_semaphore, #tpu.memory_space<semaphore_mem>>)
      %add3A_85 = arith.constant 1 : i32
      %add3A_86 = arith.addi %mul3A_68, %add3A_85 : i32
      %dma_wait3A_87 = arith.constant 0 : i32
      %dma_wait3A_88 = arith.constant 0 : i32
      %dma_wait3A_89 = tpu.memref_slice %arg2[%dma_wait3A_87, %dma_wait3A_88] : memref<10000x128xf32, #tpu.memory_space<hbm>> -> memref<10000x128xf32, #tpu.memory_space<hbm>>
      tpu.wait_indirect_dma semaphore(%arg16 : memref<!tpu.dma_semaphore, #tpu.memory_space<semaphore_mem>>) src(%dma_wait3A_89 : memref<10000x128xf32, #tpu.memory_space<hbm>>) dst(%arg12 : memref<128x128xf32, #tpu.memory_space<vmem>>)
      %mul3A_90 = arith.constant 128 : i32
      %mul3A_91 = arith.muli %add3A_86, %mul3A_90 : i32
      %add3A_92 = arith.addi %mul3A_4, %mul3A_91 : i32
      "tpu.region"() ({
        %run_scoped3A = tpu.sem_alloc : memref<!tpu.dma_semaphore, #tpu.memory_space<semaphore_mem>>
        %dma_start3A_102 = tpu.memref_slice %arg4[%add3A_92] : memref<320000xi32, #tpu.memory_space<hbm>> -> memref<128xi32, #tpu.memory_space<hbm>>
        %dma_start3A_103 = tpu.memref_slice %arg4[%add3A_92] : memref<320000xi32, #tpu.memory_space<hbm>> -> memref<128xi32, #tpu.memory_space<hbm>>
        tpu.enqueue_dma source(%dma_start3A_103 : memref<128xi32, #tpu.memory_space<hbm>>) target(%arg9 : memref<128xi32, #tpu.memory_space<vmem>>) target_semaphore(%run_scoped3A : memref<!tpu.dma_semaphore, #tpu.memory_space<semaphore_mem>>)
        %dma_wait3A_104 = tpu.memref_slice %arg4[%add3A_92] : memref<320000xi32, #tpu.memory_space<hbm>> -> memref<128xi32, #tpu.memory_space<hbm>>
        %dma_wait3A_105 = tpu.memref_slice %arg4[%add3A_92] : memref<320000xi32, #tpu.memory_space<hbm>> -> memref<128xi32, #tpu.memory_space<hbm>>
        tpu.wait_dma2 semaphore(%run_scoped3A : memref<!tpu.dma_semaphore, #tpu.memory_space<semaphore_mem>>) src(%dma_wait3A_105 : memref<128xi32, #tpu.memory_space<hbm>>) dst(%arg9 : memref<128xi32, #tpu.memory_space<vmem>>)
        tpu.yield
      }) : () -> ()
      "tpu.region"() ({
        %run_scoped3A = tpu.sem_alloc : memref<!tpu.dma_semaphore, #tpu.memory_space<semaphore_mem>>
        %dma_start3A_102 = arith.constant 0 : i32
        %dma_start3A_103 = arith.constant 0 : i32
        %dma_start3A_104 = tpu.memref_slice %arg14[%dma_start3A_102, %dma_start3A_103] : memref<10240x128xf32, #tpu.memory_space<vmem_shared>> -> memref<10240x128xf32, #tpu.memory_space<vmem_shared>>
        tpu.enqueue_indirect_dma source(%arg12 : memref<128x128xf32, #tpu.memory_space<vmem>>) target(%dma_start3A_104 : memref<10240x128xf32, #tpu.memory_space<vmem_shared>>) offsets(%arg9 : memref<128xi32, #tpu.memory_space<vmem>>) semaphore(%run_scoped3A : memref<!tpu.dma_semaphore, #tpu.memory_space<semaphore_mem>>) {add = true}
        %dma_wait3A_105 = arith.constant 0 : i32
        %dma_wait3A_106 = arith.constant 0 : i32
        %dma_wait3A_107 = tpu.memref_slice %arg14[%dma_wait3A_105, %dma_wait3A_106] : memref<10240x128xf32, #tpu.memory_space<vmem_shared>> -> memref<10240x128xf32, #tpu.memory_space<vmem_shared>>
        tpu.wait_indirect_dma semaphore(%run_scoped3A : memref<!tpu.dma_semaphore, #tpu.memory_space<semaphore_mem>>) src(%arg12 : memref<128x128xf32, #tpu.memory_space<vmem>>) dst(%dma_wait3A_107 : memref<10240x128xf32, #tpu.memory_space<vmem_shared>>)
        tpu.yield
      }) : () -> ()
      %add3A_93 = arith.constant 2 : i32
      %add3A_94 = arith.addi %add3A_86, %add3A_93 : i32
      %mul3A_95 = arith.constant 128 : i32
      %mul3A_96 = arith.muli %add3A_94, %mul3A_95 : i32
      %add3A_97 = arith.addi %mul3A_4, %mul3A_96 : i32
      "tpu.region"() ({
        %run_scoped3A = tpu.sem_alloc : memref<!tpu.dma_semaphore, #tpu.memory_space<semaphore_mem>>
        %dma_start3A_102 = tpu.memref_slice %arg3[%add3A_97] : memref<320000xi32, #tpu.memory_space<hbm>> -> memref<128xi32, #tpu.memory_space<hbm>>
        %dma_start3A_103 = tpu.memref_slice %arg3[%add3A_97] : memref<320000xi32, #tpu.memory_space<hbm>> -> memref<128xi32, #tpu.memory_space<hbm>>
        tpu.enqueue_dma source(%dma_start3A_103 : memref<128xi32, #tpu.memory_space<hbm>>) target(%arg8 : memref<128xi32, #tpu.memory_space<vmem>>) target_semaphore(%run_scoped3A : memref<!tpu.dma_semaphore, #tpu.memory_space<semaphore_mem>>)
        %dma_wait3A_104 = tpu.memref_slice %arg3[%add3A_97] : memref<320000xi32, #tpu.memory_space<hbm>> -> memref<128xi32, #tpu.memory_space<hbm>>
        %dma_wait3A_105 = tpu.memref_slice %arg3[%add3A_97] : memref<320000xi32, #tpu.memory_space<hbm>> -> memref<128xi32, #tpu.memory_space<hbm>>
        tpu.wait_dma2 semaphore(%run_scoped3A : memref<!tpu.dma_semaphore, #tpu.memory_space<semaphore_mem>>) src(%dma_wait3A_105 : memref<128xi32, #tpu.memory_space<hbm>>) dst(%arg8 : memref<128xi32, #tpu.memory_space<vmem>>)
        tpu.yield
      }) : () -> ()
      %dma_start3A_98 = arith.constant 0 : i32
      %dma_start3A_99 = arith.constant 0 : i32
      %dma_start3A_100 = tpu.memref_slice %arg2[%dma_start3A_98, %dma_start3A_99] : memref<10000x128xf32, #tpu.memory_space<hbm>> -> memref<10000x128xf32, #tpu.memory_space<hbm>>
      tpu.enqueue_indirect_dma source(%dma_start3A_100 : memref<10000x128xf32, #tpu.memory_space<hbm>>) target(%arg12 : memref<128x128xf32, #tpu.memory_space<vmem>>) offsets(%arg8 : memref<128xi32, #tpu.memory_space<vmem>>) semaphore(%arg16 : memref<!tpu.dma_semaphore, #tpu.memory_space<semaphore_mem>>)
      %scan3A_101 = arith.constant 0 : i32
      scf.yield %scan3A_101 : i32
    }
    %scan3A_26 = arith.constant 37 : i32
    %dma_wait3A = arith.constant 0 : i32
    %dma_wait3A_27 = arith.constant 0 : i32
    %dma_wait3A_28 = tpu.memref_slice %arg2[%dma_wait3A, %dma_wait3A_27] : memref<10000x128xf32, #tpu.memory_space<hbm>> -> memref<10000x128xf32, #tpu.memory_space<hbm>>
    tpu.wait_indirect_dma semaphore(%arg15 : memref<!tpu.dma_semaphore, #tpu.memory_space<semaphore_mem>>) src(%dma_wait3A_28 : memref<10000x128xf32, #tpu.memory_space<hbm>>) dst(%arg11 : memref<128x128xf32, #tpu.memory_space<vmem>>)
    %add3A_29 = arith.constant 9472 : i32
    %add3A_30 = arith.addi %mul3A_4, %add3A_29 : i32
    "tpu.region"() ({
      %run_scoped3A = tpu.sem_alloc : memref<!tpu.dma_semaphore, #tpu.memory_space<semaphore_mem>>
      %dma_start3A_65 = tpu.memref_slice %arg4[%add3A_30] : memref<320000xi32, #tpu.memory_space<hbm>> -> memref<128xi32, #tpu.memory_space<hbm>>
      %dma_start3A_66 = tpu.memref_slice %arg4[%add3A_30] : memref<320000xi32, #tpu.memory_space<hbm>> -> memref<128xi32, #tpu.memory_space<hbm>>
      tpu.enqueue_dma source(%dma_start3A_66 : memref<128xi32, #tpu.memory_space<hbm>>) target(%arg9 : memref<128xi32, #tpu.memory_space<vmem>>) target_semaphore(%run_scoped3A : memref<!tpu.dma_semaphore, #tpu.memory_space<semaphore_mem>>)
      %dma_wait3A_67 = tpu.memref_slice %arg4[%add3A_30] : memref<320000xi32, #tpu.memory_space<hbm>> -> memref<128xi32, #tpu.memory_space<hbm>>
      %dma_wait3A_68 = tpu.memref_slice %arg4[%add3A_30] : memref<320000xi32, #tpu.memory_space<hbm>> -> memref<128xi32, #tpu.memory_space<hbm>>
      tpu.wait_dma2 semaphore(%run_scoped3A : memref<!tpu.dma_semaphore, #tpu.memory_space<semaphore_mem>>) src(%dma_wait3A_68 : memref<128xi32, #tpu.memory_space<hbm>>) dst(%arg9 : memref<128xi32, #tpu.memory_space<vmem>>)
      tpu.yield
    }) : () -> ()
    "tpu.region"() ({
      %run_scoped3A = tpu.sem_alloc : memref<!tpu.dma_semaphore, #tpu.memory_space<semaphore_mem>>
      %dma_start3A_65 = arith.constant 0 : i32
      %dma_start3A_66 = arith.constant 0 : i32
      %dma_start3A_67 = tpu.memref_slice %arg14[%dma_start3A_65, %dma_start3A_66] : memref<10240x128xf32, #tpu.memory_space<vmem_shared>> -> memref<10240x128xf32, #tpu.memory_space<vmem_shared>>
      tpu.enqueue_indirect_dma source(%arg11 : memref<128x128xf32, #tpu.memory_space<vmem>>) target(%dma_start3A_67 : memref<10240x128xf32, #tpu.memory_space<vmem_shared>>) offsets(%arg9 : memref<128xi32, #tpu.memory_space<vmem>>) semaphore(%run_scoped3A : memref<!tpu.dma_semaphore, #tpu.memory_space<semaphore_mem>>) {add = true}
      %dma_wait3A_68 = arith.constant 0 : i32
      %dma_wait3A_69 = arith.constant 0 : i32
      %dma_wait3A_70 = tpu.memref_slice %arg14[%dma_wait3A_68, %dma_wait3A_69] : memref<10240x128xf32, #tpu.memory_space<vmem_shared>> -> memref<10240x128xf32, #tpu.memory_space<vmem_shared>>
      tpu.wait_indirect_dma semaphore(%run_scoped3A : memref<!tpu.dma_semaphore, #tpu.memory_space<semaphore_mem>>) src(%arg11 : memref<128x128xf32, #tpu.memory_space<vmem>>) dst(%dma_wait3A_70 : memref<10240x128xf32, #tpu.memory_space<vmem_shared>>)
      tpu.yield
    }) : () -> ()
    %add3A_31 = arith.constant 9728 : i32
    %add3A_32 = arith.addi %mul3A_4, %add3A_31 : i32
    "tpu.region"() ({
      %run_scoped3A = tpu.sem_alloc : memref<!tpu.dma_semaphore, #tpu.memory_space<semaphore_mem>>
      %dma_start3A_65 = tpu.memref_slice %arg3[%add3A_32] : memref<320000xi32, #tpu.memory_space<hbm>> -> memref<128xi32, #tpu.memory_space<hbm>>
      %dma_start3A_66 = tpu.memref_slice %arg3[%add3A_32] : memref<320000xi32, #tpu.memory_space<hbm>> -> memref<128xi32, #tpu.memory_space<hbm>>
      tpu.enqueue_dma source(%dma_start3A_66 : memref<128xi32, #tpu.memory_space<hbm>>) target(%arg7 : memref<128xi32, #tpu.memory_space<vmem>>) target_semaphore(%run_scoped3A : memref<!tpu.dma_semaphore, #tpu.memory_space<semaphore_mem>>)
      %dma_wait3A_67 = tpu.memref_slice %arg3[%add3A_32] : memref<320000xi32, #tpu.memory_space<hbm>> -> memref<128xi32, #tpu.memory_space<hbm>>
      %dma_wait3A_68 = tpu.memref_slice %arg3[%add3A_32] : memref<320000xi32, #tpu.memory_space<hbm>> -> memref<128xi32, #tpu.memory_space<hbm>>
      tpu.wait_dma2 semaphore(%run_scoped3A : memref<!tpu.dma_semaphore, #tpu.memory_space<semaphore_mem>>) src(%dma_wait3A_68 : memref<128xi32, #tpu.memory_space<hbm>>) dst(%arg7 : memref<128xi32, #tpu.memory_space<vmem>>)
      tpu.yield
    }) : () -> ()
    %dma_start3A_33 = arith.constant 0 : i32
    %dma_start3A_34 = arith.constant 0 : i32
    %dma_start3A_35 = tpu.memref_slice %arg2[%dma_start3A_33, %dma_start3A_34] : memref<10000x128xf32, #tpu.memory_space<hbm>> -> memref<10000x128xf32, #tpu.memory_space<hbm>>
    tpu.enqueue_indirect_dma source(%dma_start3A_35 : memref<10000x128xf32, #tpu.memory_space<hbm>>) target(%arg11 : memref<128x128xf32, #tpu.memory_space<vmem>>) offsets(%arg7 : memref<128xi32, #tpu.memory_space<vmem>>) semaphore(%arg15 : memref<!tpu.dma_semaphore, #tpu.memory_space<semaphore_mem>>)
    %dma_wait3A_36 = arith.constant 0 : i32
    %dma_wait3A_37 = arith.constant 0 : i32
    %dma_wait3A_38 = tpu.memref_slice %arg2[%dma_wait3A_36, %dma_wait3A_37] : memref<10000x128xf32, #tpu.memory_space<hbm>> -> memref<10000x128xf32, #tpu.memory_space<hbm>>
    tpu.wait_indirect_dma semaphore(%arg16 : memref<!tpu.dma_semaphore, #tpu.memory_space<semaphore_mem>>) src(%dma_wait3A_38 : memref<10000x128xf32, #tpu.memory_space<hbm>>) dst(%arg12 : memref<128x128xf32, #tpu.memory_space<vmem>>)
    %add3A_39 = arith.constant 9600 : i32
    %add3A_40 = arith.addi %mul3A_4, %add3A_39 : i32
    "tpu.region"() ({
      %run_scoped3A = tpu.sem_alloc : memref<!tpu.dma_semaphore, #tpu.memory_space<semaphore_mem>>
      %dma_start3A_65 = tpu.memref_slice %arg4[%add3A_40] : memref<320000xi32, #tpu.memory_space<hbm>> -> memref<128xi32, #tpu.memory_space<hbm>>
      %dma_start3A_66 = tpu.memref_slice %arg4[%add3A_40] : memref<320000xi32, #tpu.memory_space<hbm>> -> memref<128xi32, #tpu.memory_space<hbm>>
      tpu.enqueue_dma source(%dma_start3A_66 : memref<128xi32, #tpu.memory_space<hbm>>) target(%arg9 : memref<128xi32, #tpu.memory_space<vmem>>) target_semaphore(%run_scoped3A : memref<!tpu.dma_semaphore, #tpu.memory_space<semaphore_mem>>)
      %dma_wait3A_67 = tpu.memref_slice %arg4[%add3A_40] : memref<320000xi32, #tpu.memory_space<hbm>> -> memref<128xi32, #tpu.memory_space<hbm>>
      %dma_wait3A_68 = tpu.memref_slice %arg4[%add3A_40] : memref<320000xi32, #tpu.memory_space<hbm>> -> memref<128xi32, #tpu.memory_space<hbm>>
      tpu.wait_dma2 semaphore(%run_scoped3A : memref<!tpu.dma_semaphore, #tpu.memory_space<semaphore_mem>>) src(%dma_wait3A_68 : memref<128xi32, #tpu.memory_space<hbm>>) dst(%arg9 : memref<128xi32, #tpu.memory_space<vmem>>)
      tpu.yield
    }) : () -> ()
    "tpu.region"() ({
      %run_scoped3A = tpu.sem_alloc : memref<!tpu.dma_semaphore, #tpu.memory_space<semaphore_mem>>
      %dma_start3A_65 = arith.constant 0 : i32
      %dma_start3A_66 = arith.constant 0 : i32
      %dma_start3A_67 = tpu.memref_slice %arg14[%dma_start3A_65, %dma_start3A_66] : memref<10240x128xf32, #tpu.memory_space<vmem_shared>> -> memref<10240x128xf32, #tpu.memory_space<vmem_shared>>
      tpu.enqueue_indirect_dma source(%arg12 : memref<128x128xf32, #tpu.memory_space<vmem>>) target(%dma_start3A_67 : memref<10240x128xf32, #tpu.memory_space<vmem_shared>>) offsets(%arg9 : memref<128xi32, #tpu.memory_space<vmem>>) semaphore(%run_scoped3A : memref<!tpu.dma_semaphore, #tpu.memory_space<semaphore_mem>>) {add = true}
      %dma_wait3A_68 = arith.constant 0 : i32
      %dma_wait3A_69 = arith.constant 0 : i32
      %dma_wait3A_70 = tpu.memref_slice %arg14[%dma_wait3A_68, %dma_wait3A_69] : memref<10240x128xf32, #tpu.memory_space<vmem_shared>> -> memref<10240x128xf32, #tpu.memory_space<vmem_shared>>
      tpu.wait_indirect_dma semaphore(%run_scoped3A : memref<!tpu.dma_semaphore, #tpu.memory_space<semaphore_mem>>) src(%arg12 : memref<128x128xf32, #tpu.memory_space<vmem>>) dst(%dma_wait3A_70 : memref<10240x128xf32, #tpu.memory_space<vmem_shared>>)
      tpu.yield
    }) : () -> ()
    %add3A_41 = arith.constant 9856 : i32
    %add3A_42 = arith.addi %mul3A_4, %add3A_41 : i32
    "tpu.region"() ({
      %run_scoped3A = tpu.sem_alloc : memref<!tpu.dma_semaphore, #tpu.memory_space<semaphore_mem>>
      %dma_start3A_65 = tpu.memref_slice %arg3[%add3A_42] : memref<320000xi32, #tpu.memory_space<hbm>> -> memref<128xi32, #tpu.memory_space<hbm>>
      %dma_start3A_66 = tpu.memref_slice %arg3[%add3A_42] : memref<320000xi32, #tpu.memory_space<hbm>> -> memref<128xi32, #tpu.memory_space<hbm>>
      tpu.enqueue_dma source(%dma_start3A_66 : memref<128xi32, #tpu.memory_space<hbm>>) target(%arg8 : memref<128xi32, #tpu.memory_space<vmem>>) target_semaphore(%run_scoped3A : memref<!tpu.dma_semaphore, #tpu.memory_space<semaphore_mem>>)
      %dma_wait3A_67 = tpu.memref_slice %arg3[%add3A_42] : memref<320000xi32, #tpu.memory_space<hbm>> -> memref<128xi32, #tpu.memory_space<hbm>>
      %dma_wait3A_68 = tpu.memref_slice %arg3[%add3A_42] : memref<320000xi32, #tpu.memory_space<hbm>> -> memref<128xi32, #tpu.memory_space<hbm>>
      tpu.wait_dma2 semaphore(%run_scoped3A : memref<!tpu.dma_semaphore, #tpu.memory_space<semaphore_mem>>) src(%dma_wait3A_68 : memref<128xi32, #tpu.memory_space<hbm>>) dst(%arg8 : memref<128xi32, #tpu.memory_space<vmem>>)
      tpu.yield
    }) : () -> ()
    %dma_start3A_43 = arith.constant 0 : i32
    %dma_start3A_44 = arith.constant 0 : i32
    %dma_start3A_45 = tpu.memref_slice %arg2[%dma_start3A_43, %dma_start3A_44] : memref<10000x128xf32, #tpu.memory_space<hbm>> -> memref<10000x128xf32, #tpu.memory_space<hbm>>
    tpu.enqueue_indirect_dma source(%dma_start3A_45 : memref<10000x128xf32, #tpu.memory_space<hbm>>) target(%arg12 : memref<128x128xf32, #tpu.memory_space<vmem>>) offsets(%arg8 : memref<128xi32, #tpu.memory_space<vmem>>) semaphore(%arg16 : memref<!tpu.dma_semaphore, #tpu.memory_space<semaphore_mem>>)
    %dma_wait3A_46 = arith.constant 0 : i32
    %dma_wait3A_47 = arith.constant 0 : i32
    %dma_wait3A_48 = tpu.memref_slice %arg2[%dma_wait3A_46, %dma_wait3A_47] : memref<10000x128xf32, #tpu.memory_space<hbm>> -> memref<10000x128xf32, #tpu.memory_space<hbm>>
    tpu.wait_indirect_dma semaphore(%arg15 : memref<!tpu.dma_semaphore, #tpu.memory_space<semaphore_mem>>) src(%dma_wait3A_48 : memref<10000x128xf32, #tpu.memory_space<hbm>>) dst(%arg11 : memref<128x128xf32, #tpu.memory_space<vmem>>)
    %add3A_49 = arith.constant 9728 : i32
    %add3A_50 = arith.addi %mul3A_4, %add3A_49 : i32
    "tpu.region"() ({
      %run_scoped3A = tpu.sem_alloc : memref<!tpu.dma_semaphore, #tpu.memory_space<semaphore_mem>>
      %dma_start3A_65 = tpu.memref_slice %arg4[%add3A_50] : memref<320000xi32, #tpu.memory_space<hbm>> -> memref<128xi32, #tpu.memory_space<hbm>>
      %dma_start3A_66 = tpu.memref_slice %arg4[%add3A_50] : memref<320000xi32, #tpu.memory_space<hbm>> -> memref<128xi32, #tpu.memory_space<hbm>>
      tpu.enqueue_dma source(%dma_start3A_66 : memref<128xi32, #tpu.memory_space<hbm>>) target(%arg9 : memref<128xi32, #tpu.memory_space<vmem>>) target_semaphore(%run_scoped3A : memref<!tpu.dma_semaphore, #tpu.memory_space<semaphore_mem>>)
      %dma_wait3A_67 = tpu.memref_slice %arg4[%add3A_50] : memref<320000xi32, #tpu.memory_space<hbm>> -> memref<128xi32, #tpu.memory_space<hbm>>
      %dma_wait3A_68 = tpu.memref_slice %arg4[%add3A_50] : memref<320000xi32, #tpu.memory_space<hbm>> -> memref<128xi32, #tpu.memory_space<hbm>>
      tpu.wait_dma2 semaphore(%run_scoped3A : memref<!tpu.dma_semaphore, #tpu.memory_space<semaphore_mem>>) src(%dma_wait3A_68 : memref<128xi32, #tpu.memory_space<hbm>>) dst(%arg9 : memref<128xi32, #tpu.memory_space<vmem>>)
      tpu.yield
    }) : () -> ()
    "tpu.region"() ({
      %run_scoped3A = tpu.sem_alloc : memref<!tpu.dma_semaphore, #tpu.memory_space<semaphore_mem>>
      %dma_start3A_65 = arith.constant 0 : i32
      %dma_start3A_66 = arith.constant 0 : i32
      %dma_start3A_67 = tpu.memref_slice %arg14[%dma_start3A_65, %dma_start3A_66] : memref<10240x128xf32, #tpu.memory_space<vmem_shared>> -> memref<10240x128xf32, #tpu.memory_space<vmem_shared>>
      tpu.enqueue_indirect_dma source(%arg11 : memref<128x128xf32, #tpu.memory_space<vmem>>) target(%dma_start3A_67 : memref<10240x128xf32, #tpu.memory_space<vmem_shared>>) offsets(%arg9 : memref<128xi32, #tpu.memory_space<vmem>>) semaphore(%run_scoped3A : memref<!tpu.dma_semaphore, #tpu.memory_space<semaphore_mem>>) {add = true}
      %dma_wait3A_68 = arith.constant 0 : i32
      %dma_wait3A_69 = arith.constant 0 : i32
      %dma_wait3A_70 = tpu.memref_slice %arg14[%dma_wait3A_68, %dma_wait3A_69] : memref<10240x128xf32, #tpu.memory_space<vmem_shared>> -> memref<10240x128xf32, #tpu.memory_space<vmem_shared>>
      tpu.wait_indirect_dma semaphore(%run_scoped3A : memref<!tpu.dma_semaphore, #tpu.memory_space<semaphore_mem>>) src(%arg11 : memref<128x128xf32, #tpu.memory_space<vmem>>) dst(%dma_wait3A_70 : memref<10240x128xf32, #tpu.memory_space<vmem_shared>>)
      tpu.yield
    }) : () -> ()
    %dma_wait3A_51 = arith.constant 0 : i32
    %dma_wait3A_52 = arith.constant 0 : i32
    %dma_wait3A_53 = tpu.memref_slice %arg2[%dma_wait3A_51, %dma_wait3A_52] : memref<10000x128xf32, #tpu.memory_space<hbm>> -> memref<10000x128xf32, #tpu.memory_space<hbm>>
    tpu.wait_indirect_dma semaphore(%arg16 : memref<!tpu.dma_semaphore, #tpu.memory_space<semaphore_mem>>) src(%dma_wait3A_53 : memref<10000x128xf32, #tpu.memory_space<hbm>>) dst(%arg12 : memref<128x128xf32, #tpu.memory_space<vmem>>)
    %add3A_54 = arith.constant 9856 : i32
    %add3A_55 = arith.addi %mul3A_4, %add3A_54 : i32
    "tpu.region"() ({
      %run_scoped3A = tpu.sem_alloc : memref<!tpu.dma_semaphore, #tpu.memory_space<semaphore_mem>>
      %dma_start3A_65 = tpu.memref_slice %arg4[%add3A_55] : memref<320000xi32, #tpu.memory_space<hbm>> -> memref<128xi32, #tpu.memory_space<hbm>>
      %dma_start3A_66 = tpu.memref_slice %arg4[%add3A_55] : memref<320000xi32, #tpu.memory_space<hbm>> -> memref<128xi32, #tpu.memory_space<hbm>>
      tpu.enqueue_dma source(%dma_start3A_66 : memref<128xi32, #tpu.memory_space<hbm>>) target(%arg9 : memref<128xi32, #tpu.memory_space<vmem>>) target_semaphore(%run_scoped3A : memref<!tpu.dma_semaphore, #tpu.memory_space<semaphore_mem>>)
      %dma_wait3A_67 = tpu.memref_slice %arg4[%add3A_55] : memref<320000xi32, #tpu.memory_space<hbm>> -> memref<128xi32, #tpu.memory_space<hbm>>
      %dma_wait3A_68 = tpu.memref_slice %arg4[%add3A_55] : memref<320000xi32, #tpu.memory_space<hbm>> -> memref<128xi32, #tpu.memory_space<hbm>>
      tpu.wait_dma2 semaphore(%run_scoped3A : memref<!tpu.dma_semaphore, #tpu.memory_space<semaphore_mem>>) src(%dma_wait3A_68 : memref<128xi32, #tpu.memory_space<hbm>>) dst(%arg9 : memref<128xi32, #tpu.memory_space<vmem>>)
      tpu.yield
    }) : () -> ()
    "tpu.region"() ({
      %run_scoped3A = tpu.sem_alloc : memref<!tpu.dma_semaphore, #tpu.memory_space<semaphore_mem>>
      %dma_start3A_65 = arith.constant 0 : i32
      %dma_start3A_66 = arith.constant 0 : i32
      %dma_start3A_67 = tpu.memref_slice %arg14[%dma_start3A_65, %dma_start3A_66] : memref<10240x128xf32, #tpu.memory_space<vmem_shared>> -> memref<10240x128xf32, #tpu.memory_space<vmem_shared>>
      tpu.enqueue_indirect_dma source(%arg12 : memref<128x128xf32, #tpu.memory_space<vmem>>) target(%dma_start3A_67 : memref<10240x128xf32, #tpu.memory_space<vmem_shared>>) offsets(%arg9 : memref<128xi32, #tpu.memory_space<vmem>>) semaphore(%run_scoped3A : memref<!tpu.dma_semaphore, #tpu.memory_space<semaphore_mem>>) {add = true}
      %dma_wait3A_68 = arith.constant 0 : i32
      %dma_wait3A_69 = arith.constant 0 : i32
      %dma_wait3A_70 = tpu.memref_slice %arg14[%dma_wait3A_68, %dma_wait3A_69] : memref<10240x128xf32, #tpu.memory_space<vmem_shared>> -> memref<10240x128xf32, #tpu.memory_space<vmem_shared>>
      tpu.wait_indirect_dma semaphore(%run_scoped3A : memref<!tpu.dma_semaphore, #tpu.memory_space<semaphore_mem>>) src(%arg12 : memref<128x128xf32, #tpu.memory_space<vmem>>) dst(%dma_wait3A_70 : memref<10240x128xf32, #tpu.memory_space<vmem_shared>>)
      tpu.yield
    }) : () -> ()
    %add3A_56 = arith.constant 9984 : i32
    %add3A_57 = arith.addi %mul3A_4, %add3A_56 : i32
    "tpu.region"() ({
      %run_scoped3A = tpu.sem_alloc : memref<!tpu.dma_semaphore, #tpu.memory_space<semaphore_mem>>
      %dma_start3A_65 = tpu.memref_slice %arg3[%add3A_57] : memref<320000xi32, #tpu.memory_space<hbm>> -> memref<16xi32, #tpu.memory_space<hbm>>
      %dma_start3A_66 = tpu.memref_slice %arg3[%add3A_57] : memref<320000xi32, #tpu.memory_space<hbm>> -> memref<16xi32, #tpu.memory_space<hbm>>
      tpu.enqueue_dma source(%dma_start3A_66 : memref<16xi32, #tpu.memory_space<hbm>>) target(%arg10 : memref<16xi32, #tpu.memory_space<vmem>>) target_semaphore(%run_scoped3A : memref<!tpu.dma_semaphore, #tpu.memory_space<semaphore_mem>>)
      %dma_wait3A_67 = tpu.memref_slice %arg3[%add3A_57] : memref<320000xi32, #tpu.memory_space<hbm>> -> memref<16xi32, #tpu.memory_space<hbm>>
      %dma_wait3A_68 = tpu.memref_slice %arg3[%add3A_57] : memref<320000xi32, #tpu.memory_space<hbm>> -> memref<16xi32, #tpu.memory_space<hbm>>
      tpu.wait_dma2 semaphore(%run_scoped3A : memref<!tpu.dma_semaphore, #tpu.memory_space<semaphore_mem>>) src(%dma_wait3A_68 : memref<16xi32, #tpu.memory_space<hbm>>) dst(%arg10 : memref<16xi32, #tpu.memory_space<vmem>>)
      tpu.yield
    }) : () -> ()
    %dma_start3A_58 = arith.constant 0 : i32
    %dma_start3A_59 = arith.constant 0 : i32
    %dma_start3A_60 = tpu.memref_slice %arg2[%dma_start3A_58, %dma_start3A_59] : memref<10000x128xf32, #tpu.memory_space<hbm>> -> memref<10000x128xf32, #tpu.memory_space<hbm>>
    tpu.enqueue_indirect_dma source(%dma_start3A_60 : memref<10000x128xf32, #tpu.memory_space<hbm>>) target(%arg13 : memref<16x128xf32, #tpu.memory_space<vmem>>) offsets(%arg10 : memref<16xi32, #tpu.memory_space<vmem>>) semaphore(%arg17 : memref<!tpu.dma_semaphore, #tpu.memory_space<semaphore_mem>>)
    %dma_wait3A_61 = arith.constant 0 : i32
    %dma_wait3A_62 = arith.constant 0 : i32
    %dma_wait3A_63 = tpu.memref_slice %arg2[%dma_wait3A_61, %dma_wait3A_62] : memref<10000x128xf32, #tpu.memory_space<hbm>> -> memref<10000x128xf32, #tpu.memory_space<hbm>>
    tpu.wait_indirect_dma semaphore(%arg17 : memref<!tpu.dma_semaphore, #tpu.memory_space<semaphore_mem>>) src(%dma_wait3A_63 : memref<10000x128xf32, #tpu.memory_space<hbm>>) dst(%arg13 : memref<16x128xf32, #tpu.memory_space<vmem>>)
    "tpu.region"() ({
      %run_scoped3A = tpu.sem_alloc : memref<!tpu.dma_semaphore, #tpu.memory_space<semaphore_mem>>
      %dma_start3A_65 = tpu.memref_slice %arg4[%add3A_57] : memref<320000xi32, #tpu.memory_space<hbm>> -> memref<16xi32, #tpu.memory_space<hbm>>
      %dma_start3A_66 = tpu.memref_slice %arg4[%add3A_57] : memref<320000xi32, #tpu.memory_space<hbm>> -> memref<16xi32, #tpu.memory_space<hbm>>
      tpu.enqueue_dma source(%dma_start3A_66 : memref<16xi32, #tpu.memory_space<hbm>>) target(%arg10 : memref<16xi32, #tpu.memory_space<vmem>>) target_semaphore(%run_scoped3A : memref<!tpu.dma_semaphore, #tpu.memory_space<semaphore_mem>>)
      %dma_wait3A_67 = tpu.memref_slice %arg4[%add3A_57] : memref<320000xi32, #tpu.memory_space<hbm>> -> memref<16xi32, #tpu.memory_space<hbm>>
      %dma_wait3A_68 = tpu.memref_slice %arg4[%add3A_57] : memref<320000xi32, #tpu.memory_space<hbm>> -> memref<16xi32, #tpu.memory_space<hbm>>
      tpu.wait_dma2 semaphore(%run_scoped3A : memref<!tpu.dma_semaphore, #tpu.memory_space<semaphore_mem>>) src(%dma_wait3A_68 : memref<16xi32, #tpu.memory_space<hbm>>) dst(%arg10 : memref<16xi32, #tpu.memory_space<vmem>>)
      tpu.yield
    }) : () -> ()
    "tpu.region"() ({
      %run_scoped3A = tpu.sem_alloc : memref<!tpu.dma_semaphore, #tpu.memory_space<semaphore_mem>>
      %dma_start3A_65 = arith.constant 0 : i32
      %dma_start3A_66 = arith.constant 0 : i32
      %dma_start3A_67 = tpu.memref_slice %arg14[%dma_start3A_65, %dma_start3A_66] : memref<10240x128xf32, #tpu.memory_space<vmem_shared>> -> memref<10240x128xf32, #tpu.memory_space<vmem_shared>>
      tpu.enqueue_indirect_dma source(%arg13 : memref<16x128xf32, #tpu.memory_space<vmem>>) target(%dma_start3A_67 : memref<10240x128xf32, #tpu.memory_space<vmem_shared>>) offsets(%arg10 : memref<16xi32, #tpu.memory_space<vmem>>) semaphore(%run_scoped3A : memref<!tpu.dma_semaphore, #tpu.memory_space<semaphore_mem>>) {add = true}
      %dma_wait3A_68 = arith.constant 0 : i32
      %dma_wait3A_69 = arith.constant 0 : i32
      %dma_wait3A_70 = tpu.memref_slice %arg14[%dma_wait3A_68, %dma_wait3A_69] : memref<10240x128xf32, #tpu.memory_space<vmem_shared>> -> memref<10240x128xf32, #tpu.memory_space<vmem_shared>>
      tpu.wait_indirect_dma semaphore(%run_scoped3A : memref<!tpu.dma_semaphore, #tpu.memory_space<semaphore_mem>>) src(%arg13 : memref<16x128xf32, #tpu.memory_space<vmem>>) dst(%dma_wait3A_70 : memref<10240x128xf32, #tpu.memory_space<vmem_shared>>)
      tpu.yield
    }) : () -> ()
    %barrier3A_64 = arith.constant 0 : index
    tpu.barrier barrier_id(%barrier3A_64)
    "tpu.region"() ({
      %run_scoped3A = tpu.sem_alloc : memref<!tpu.dma_semaphore, #tpu.memory_space<semaphore_mem>>
      %dma_start3A_65 = arith.constant 0 : i32
      %dma_start3A_66 = tpu.memref_slice %arg6[%arg0, %mul3A_2, %dma_start3A_65] : memref<2x10240x128xf32, #tpu.memory_space<hbm>> -> memref<1x640x128xf32, #tpu.memory_space<hbm>>
      %dma_start3A_67 = tpu.memref_squeeze %dma_start3A_66 : memref<1x640x128xf32, #tpu.memory_space<hbm>> -> memref<640x128xf32, #tpu.memory_space<hbm>>
      %dma_start3A_68 = arith.constant 0 : i32
      %dma_start3A_69 = tpu.memref_slice %arg14[%mul3A_2, %dma_start3A_68] : memref<10240x128xf32, #tpu.memory_space<vmem_shared>> -> memref<640x128xf32, #tpu.memory_space<vmem_shared>>
      tpu.enqueue_dma source(%dma_start3A_69 : memref<640x128xf32, #tpu.memory_space<vmem_shared>>) target(%dma_start3A_67 : memref<640x128xf32, #tpu.memory_space<hbm>>) target_semaphore(%run_scoped3A : memref<!tpu.dma_semaphore, #tpu.memory_space<semaphore_mem>>)
      %dma_wait3A_70 = arith.constant 0 : i32
      %dma_wait3A_71 = tpu.memref_slice %arg6[%arg0, %mul3A_2, %dma_wait3A_70] : memref<2x10240x128xf32, #tpu.memory_space<hbm>> -> memref<1x640x128xf32, #tpu.memory_space<hbm>>
      %dma_wait3A_72 = tpu.memref_squeeze %dma_wait3A_71 : memref<1x640x128xf32, #tpu.memory_space<hbm>> -> memref<640x128xf32, #tpu.memory_space<hbm>>
      %dma_wait3A_73 = arith.constant 0 : i32
      %dma_wait3A_74 = tpu.memref_slice %arg14[%mul3A_2, %dma_wait3A_73] : memref<10240x128xf32, #tpu.memory_space<vmem_shared>> -> memref<640x128xf32, #tpu.memory_space<vmem_shared>>
      tpu.wait_dma2 semaphore(%run_scoped3A : memref<!tpu.dma_semaphore, #tpu.memory_space<semaphore_mem>>) src(%dma_wait3A_74 : memref<640x128xf32, #tpu.memory_space<vmem_shared>>) dst(%dma_wait3A_72 : memref<640x128xf32, #tpu.memory_space<hbm>>)
      tpu.yield
    }) : () -> ()
    return
  }
}

#map = affine_map<(d0, d1) -> (0, 0)>
#map1 = affine_map<(d0, d1) -> (0)>
#map2 = affine_map<(d0, d1) -> (0, 0, 0)>
module attributes {stable_mosaic.version = 14 : i64} {
  func.func @_sc_aggregate(%arg0: i32, %arg1: i32, %arg2: memref<10000x128xf32, #tpu.memory_space<hbm>>, %arg3: memref<320000xi32, #tpu.memory_space<hbm>>, %arg4: memref<320000xi32, #tpu.memory_space<hbm>>, %arg5: memref<128x128xf32, #tpu.memory_space<hbm>>, %arg6: memref<2x10240x128xf32, #tpu.memory_space<hbm>>, %arg7: memref<128xi32, #tpu.memory_space<vmem>>, %arg8: memref<128xi32, #tpu.memory_space<vmem>>, %arg9: memref<128xi32, #tpu.memory_space<vmem>>, %arg10: memref<16xi32, #tpu.memory_space<vmem>>, %arg11: memref<128x128xf32, #tpu.memory_space<vmem>>, %arg12: memref<128x128xf32, #tpu.memory_space<vmem>>, %arg13: memref<16x128xf32, #tpu.memory_space<vmem>>, %arg14: memref<10240x128xf32, #tpu.memory_space<vmem_shared>>, %arg15: memref<!tpu.dma_semaphore, #tpu.memory_space<semaphore_mem>>, %arg16: memref<!tpu.dma_semaphore, #tpu.memory_space<semaphore_mem>>, %arg17: memref<!tpu.dma_semaphore, #tpu.memory_space<semaphore_mem>>) attributes {dimension_semantics = [#tpu.dimension_semantics<core_parallel>, #tpu.dimension_semantics<subcore_parallel>], iteration_bounds = array<i64: 2, 16>, scalar_prefetch = 0 : i64, scratch_operands = 11 : i64, tpu.core_type = #tpu.core_type<sc_vector_subcore>, window_params = [{transform_indices = #map}, {transform_indices = #map1}, {transform_indices = #map1}, {transform_indices = #map}, {transform_indices = #map2}]} {
    %mul3A = arith.constant 16 : i32
    %mul3A_0 = arith.muli %arg0, %mul3A : i32
    %add3A = arith.addi %mul3A_0, %arg1 : i32
    %mul3A_1 = arith.constant 640 : i32
    %mul3A_2 = arith.muli %arg1, %mul3A_1 : i32
    %mul3A_3 = arith.constant 10000 : i32
    %mul3A_4 = arith.muli %add3A, %mul3A_3 : i32
    %scan3A = arith.constant 0 : i32
    %scan3A_5 = arith.constant 0 : i32
    %scan3A_6 = arith.constant 5 : i32
    %scan3A_7 = arith.addi %scan3A_5, %scan3A_6 : i32
    %scan3A_8 = arith.constant 1 : i32
    %scan3A_9 = scf.for %scan3A_65 = %scan3A_5 to %scan3A_7 step %scan3A_8 iter_args(%scan3A_66 = %scan3A) -> (i32)  : i32 {
      %mul3A_67 = arith.constant 128 : i32
      %mul3A_68 = arith.muli %scan3A_65, %mul3A_67 : i32
      %add3A_69 = arith.addi %mul3A_2, %mul3A_68 : i32
      "tpu.region"() ({
        %run_scoped3A = tpu.sem_alloc : memref<!tpu.dma_semaphore, #tpu.memory_space<semaphore_mem>>
        %dma_start3A_71 = arith.constant 0 : i32
        %dma_start3A_72 = tpu.memref_slice %arg14[%add3A_69, %dma_start3A_71] : memref<10240x128xf32, #tpu.memory_space<vmem_shared>> -> memref<128x128xf32, #tpu.memory_space<vmem_shared>>
        tpu.enqueue_dma source(%arg5 : memref<128x128xf32, #tpu.memory_space<hbm>>) target(%dma_start3A_72 : memref<128x128xf32, #tpu.memory_space<vmem_shared>>) target_semaphore(%run_scoped3A : memref<!tpu.dma_semaphore, #tpu.memory_space<semaphore_mem>>)
        %dma_wait3A_73 = arith.constant 0 : i32
        %dma_wait3A_74 = tpu.memref_slice %arg14[%add3A_69, %dma_wait3A_73] : memref<10240x128xf32, #tpu.memory_space<vmem_shared>> -> memref<128x128xf32, #tpu.memory_space<vmem_shared>>
        tpu.wait_dma2 semaphore(%run_scoped3A : memref<!tpu.dma_semaphore, #tpu.memory_space<semaphore_mem>>) src(%arg5 : memref<128x128xf32, #tpu.memory_space<hbm>>) dst(%dma_wait3A_74 : memref<128x128xf32, #tpu.memory_space<vmem_shared>>)
        tpu.yield
      }) : () -> ()
      %scan3A_70 = arith.constant 0 : i32
      scf.yield %scan3A_70 : i32
    }
    %scan3A_10 = arith.constant 5 : i32
    %barrier3A = arith.constant 0 : index
    tpu.barrier barrier_id(%barrier3A)
    %add3A_11 = arith.constant 0 : i32
    %add3A_12 = arith.addi %mul3A_4, %add3A_11 : i32
    "tpu.region"() ({
      %run_scoped3A = tpu.sem_alloc : memref<!tpu.dma_semaphore, #tpu.memory_space<semaphore_mem>>
      %dma_start3A_65 = tpu.memref_slice %arg3[%add3A_12] : memref<320000xi32, #tpu.memory_space<hbm>> -> memref<128xi32, #tpu.memory_space<hbm>>
      %dma_start3A_66 = tpu.memref_slice %arg3[%add3A_12] : memref<320000xi32, #tpu.memory_space<hbm>> -> memref<128xi32, #tpu.memory_space<hbm>>
      tpu.enqueue_dma source(%dma_start3A_66 : memref<128xi32, #tpu.memory_space<hbm>>) target(%arg7 : memref<128xi32, #tpu.memory_space<vmem>>) target_semaphore(%run_scoped3A : memref<!tpu.dma_semaphore, #tpu.memory_space<semaphore_mem>>)
      %dma_wait3A_67 = tpu.memref_slice %arg3[%add3A_12] : memref<320000xi32, #tpu.memory_space<hbm>> -> memref<128xi32, #tpu.memory_space<hbm>>
      %dma_wait3A_68 = tpu.memref_slice %arg3[%add3A_12] : memref<320000xi32, #tpu.memory_space<hbm>> -> memref<128xi32, #tpu.memory_space<hbm>>
      tpu.wait_dma2 semaphore(%run_scoped3A : memref<!tpu.dma_semaphore, #tpu.memory_space<semaphore_mem>>) src(%dma_wait3A_68 : memref<128xi32, #tpu.memory_space<hbm>>) dst(%arg7 : memref<128xi32, #tpu.memory_space<vmem>>)
      tpu.yield
    }) : () -> ()
    %dma_start3A = arith.constant 0 : i32
    %dma_start3A_13 = arith.constant 0 : i32
    %dma_start3A_14 = tpu.memref_slice %arg2[%dma_start3A, %dma_start3A_13] : memref<10000x128xf32, #tpu.memory_space<hbm>> -> memref<10000x128xf32, #tpu.memory_space<hbm>>
    tpu.enqueue_indirect_dma source(%dma_start3A_14 : memref<10000x128xf32, #tpu.memory_space<hbm>>) target(%arg11 : memref<128x128xf32, #tpu.memory_space<vmem>>) offsets(%arg7 : memref<128xi32, #tpu.memory_space<vmem>>) semaphore(%arg15 : memref<!tpu.dma_semaphore, #tpu.memory_space<semaphore_mem>>)
    %add3A_15 = arith.constant 128 : i32
    %add3A_16 = arith.addi %mul3A_4, %add3A_15 : i32
    "tpu.region"() ({
      %run_scoped3A = tpu.sem_alloc : memref<!tpu.dma_semaphore, #tpu.memory_space<semaphore_mem>>
      %dma_start3A_65 = tpu.memref_slice %arg3[%add3A_16] : memref<320000xi32, #tpu.memory_space<hbm>> -> memref<128xi32, #tpu.memory_space<hbm>>
      %dma_start3A_66 = tpu.memref_slice %arg3[%add3A_16] : memref<320000xi32, #tpu.memory_space<hbm>> -> memref<128xi32, #tpu.memory_space<hbm>>
      tpu.enqueue_dma source(%dma_start3A_66 : memref<128xi32, #tpu.memory_space<hbm>>) target(%arg8 : memref<128xi32, #tpu.memory_space<vmem>>) target_semaphore(%run_scoped3A : memref<!tpu.dma_semaphore, #tpu.memory_space<semaphore_mem>>)
      %dma_wait3A_67 = tpu.memref_slice %arg3[%add3A_16] : memref<320000xi32, #tpu.memory_space<hbm>> -> memref<128xi32, #tpu.memory_space<hbm>>
      %dma_wait3A_68 = tpu.memref_slice %arg3[%add3A_16] : memref<320000xi32, #tpu.memory_space<hbm>> -> memref<128xi32, #tpu.memory_space<hbm>>
      tpu.wait_dma2 semaphore(%run_scoped3A : memref<!tpu.dma_semaphore, #tpu.memory_space<semaphore_mem>>) src(%dma_wait3A_68 : memref<128xi32, #tpu.memory_space<hbm>>) dst(%arg8 : memref<128xi32, #tpu.memory_space<vmem>>)
      tpu.yield
    }) : () -> ()
    %dma_start3A_17 = arith.constant 0 : i32
    %dma_start3A_18 = arith.constant 0 : i32
    %dma_start3A_19 = tpu.memref_slice %arg2[%dma_start3A_17, %dma_start3A_18] : memref<10000x128xf32, #tpu.memory_space<hbm>> -> memref<10000x128xf32, #tpu.memory_space<hbm>>
    tpu.enqueue_indirect_dma source(%dma_start3A_19 : memref<10000x128xf32, #tpu.memory_space<hbm>>) target(%arg12 : memref<128x128xf32, #tpu.memory_space<vmem>>) offsets(%arg8 : memref<128xi32, #tpu.memory_space<vmem>>) semaphore(%arg16 : memref<!tpu.dma_semaphore, #tpu.memory_space<semaphore_mem>>)
    %scan3A_20 = arith.constant 0 : i32
    %scan3A_21 = arith.constant 0 : i32
    %scan3A_22 = arith.constant 37 : i32
    %scan3A_23 = arith.addi %scan3A_21, %scan3A_22 : i32
    %scan3A_24 = arith.constant 1 : i32
    %scan3A_25 = scf.for %scan3A_65 = %scan3A_21 to %scan3A_23 step %scan3A_24 iter_args(%scan3A_66 = %scan3A_20) -> (i32)  : i32 {
      %mul3A_67 = arith.constant 2 : i32
      %mul3A_68 = arith.muli %scan3A_65, %mul3A_67 : i32
      %add3A_69 = arith.constant 0 : i32
      %add3A_70 = arith.addi %mul3A_68, %add3A_69 : i32
      %dma_wait3A_71 = arith.constant 0 : i32
      %dma_wait3A_72 = arith.constant 0 : i32
      %dma_wait3A_73 = tpu.memref_slice %arg2[%dma_wait3A_71, %dma_wait3A_72] : memref<10000x128xf32, #tpu.memory_space<hbm>> -> memref<10000x128xf32, #tpu.memory_space<hbm>>
      tpu.wait_indirect_dma semaphore(%arg15 : memref<!tpu.dma_semaphore, #tpu.memory_space<semaphore_mem>>) src(%dma_wait3A_73 : memref<10000x128xf32, #tpu.memory_space<hbm>>) dst(%arg11 : memref<128x128xf32, #tpu.memory_space<vmem>>)
      %mul3A_74 = arith.constant 128 : i32
      %mul3A_75 = arith.muli %add3A_70, %mul3A_74 : i32
      %add3A_76 = arith.addi %mul3A_4, %mul3A_75 : i32
      "tpu.region"() ({
        %run_scoped3A = tpu.sem_alloc : memref<!tpu.dma_semaphore, #tpu.memory_space<semaphore_mem>>
        %dma_start3A_102 = tpu.memref_slice %arg4[%add3A_76] : memref<320000xi32, #tpu.memory_space<hbm>> -> memref<128xi32, #tpu.memory_space<hbm>>
        %dma_start3A_103 = tpu.memref_slice %arg4[%add3A_76] : memref<320000xi32, #tpu.memory_space<hbm>> -> memref<128xi32, #tpu.memory_space<hbm>>
        tpu.enqueue_dma source(%dma_start3A_103 : memref<128xi32, #tpu.memory_space<hbm>>) target(%arg9 : memref<128xi32, #tpu.memory_space<vmem>>) target_semaphore(%run_scoped3A : memref<!tpu.dma_semaphore, #tpu.memory_space<semaphore_mem>>)
        %dma_wait3A_104 = tpu.memref_slice %arg4[%add3A_76] : memref<320000xi32, #tpu.memory_space<hbm>> -> memref<128xi32, #tpu.memory_space<hbm>>
        %dma_wait3A_105 = tpu.memref_slice %arg4[%add3A_76] : memref<320000xi32, #tpu.memory_space<hbm>> -> memref<128xi32, #tpu.memory_space<hbm>>
        tpu.wait_dma2 semaphore(%run_scoped3A : memref<!tpu.dma_semaphore, #tpu.memory_space<semaphore_mem>>) src(%dma_wait3A_105 : memref<128xi32, #tpu.memory_space<hbm>>) dst(%arg9 : memref<128xi32, #tpu.memory_space<vmem>>)
        tpu.yield
      }) : () -> ()
      "tpu.region"() ({
        %run_scoped3A = tpu.sem_alloc : memref<!tpu.dma_semaphore, #tpu.memory_space<semaphore_mem>>
        %dma_start3A_102 = arith.constant 0 : i32
        %dma_start3A_103 = arith.constant 0 : i32
        %dma_start3A_104 = tpu.memref_slice %arg14[%dma_start3A_102, %dma_start3A_103] : memref<10240x128xf32, #tpu.memory_space<vmem_shared>> -> memref<10240x128xf32, #tpu.memory_space<vmem_shared>>
        tpu.enqueue_indirect_dma source(%arg11 : memref<128x128xf32, #tpu.memory_space<vmem>>) target(%dma_start3A_104 : memref<10240x128xf32, #tpu.memory_space<vmem_shared>>) offsets(%arg9 : memref<128xi32, #tpu.memory_space<vmem>>) semaphore(%run_scoped3A : memref<!tpu.dma_semaphore, #tpu.memory_space<semaphore_mem>>) {add = true}
        %dma_wait3A_105 = arith.constant 0 : i32
        %dma_wait3A_106 = arith.constant 0 : i32
        %dma_wait3A_107 = tpu.memref_slice %arg14[%dma_wait3A_105, %dma_wait3A_106] : memref<10240x128xf32, #tpu.memory_space<vmem_shared>> -> memref<10240x128xf32, #tpu.memory_space<vmem_shared>>
        tpu.wait_indirect_dma semaphore(%run_scoped3A : memref<!tpu.dma_semaphore, #tpu.memory_space<semaphore_mem>>) src(%arg11 : memref<128x128xf32, #tpu.memory_space<vmem>>) dst(%dma_wait3A_107 : memref<10240x128xf32, #tpu.memory_space<vmem_shared>>)
        tpu.yield
      }) : () -> ()
      %add3A_77 = arith.constant 2 : i32
      %add3A_78 = arith.addi %add3A_70, %add3A_77 : i32
      %mul3A_79 = arith.constant 128 : i32
      %mul3A_80 = arith.muli %add3A_78, %mul3A_79 : i32
      %add3A_81 = arith.addi %mul3A_4, %mul3A_80 : i32
      "tpu.region"() ({
        %run_scoped3A = tpu.sem_alloc : memref<!tpu.dma_semaphore, #tpu.memory_space<semaphore_mem>>
        %dma_start3A_102 = tpu.memref_slice %arg3[%add3A_81] : memref<320000xi32, #tpu.memory_space<hbm>> -> memref<128xi32, #tpu.memory_space<hbm>>
        %dma_start3A_103 = tpu.memref_slice %arg3[%add3A_81] : memref<320000xi32, #tpu.memory_space<hbm>> -> memref<128xi32, #tpu.memory_space<hbm>>
        tpu.enqueue_dma source(%dma_start3A_103 : memref<128xi32, #tpu.memory_space<hbm>>) target(%arg7 : memref<128xi32, #tpu.memory_space<vmem>>) target_semaphore(%run_scoped3A : memref<!tpu.dma_semaphore, #tpu.memory_space<semaphore_mem>>)
        %dma_wait3A_104 = tpu.memref_slice %arg3[%add3A_81] : memref<320000xi32, #tpu.memory_space<hbm>> -> memref<128xi32, #tpu.memory_space<hbm>>
        %dma_wait3A_105 = tpu.memref_slice %arg3[%add3A_81] : memref<320000xi32, #tpu.memory_space<hbm>> -> memref<128xi32, #tpu.memory_space<hbm>>
        tpu.wait_dma2 semaphore(%run_scoped3A : memref<!tpu.dma_semaphore, #tpu.memory_space<semaphore_mem>>) src(%dma_wait3A_105 : memref<128xi32, #tpu.memory_space<hbm>>) dst(%arg7 : memref<128xi32, #tpu.memory_space<vmem>>)
        tpu.yield
      }) : () -> ()
      %dma_start3A_82 = arith.constant 0 : i32
      %dma_start3A_83 = arith.constant 0 : i32
      %dma_start3A_84 = tpu.memref_slice %arg2[%dma_start3A_82, %dma_start3A_83] : memref<10000x128xf32, #tpu.memory_space<hbm>> -> memref<10000x128xf32, #tpu.memory_space<hbm>>
      tpu.enqueue_indirect_dma source(%dma_start3A_84 : memref<10000x128xf32, #tpu.memory_space<hbm>>) target(%arg11 : memref<128x128xf32, #tpu.memory_space<vmem>>) offsets(%arg7 : memref<128xi32, #tpu.memory_space<vmem>>) semaphore(%arg15 : memref<!tpu.dma_semaphore, #tpu.memory_space<semaphore_mem>>)
      %add3A_85 = arith.constant 1 : i32
      %add3A_86 = arith.addi %mul3A_68, %add3A_85 : i32
      %dma_wait3A_87 = arith.constant 0 : i32
      %dma_wait3A_88 = arith.constant 0 : i32
      %dma_wait3A_89 = tpu.memref_slice %arg2[%dma_wait3A_87, %dma_wait3A_88] : memref<10000x128xf32, #tpu.memory_space<hbm>> -> memref<10000x128xf32, #tpu.memory_space<hbm>>
      tpu.wait_indirect_dma semaphore(%arg16 : memref<!tpu.dma_semaphore, #tpu.memory_space<semaphore_mem>>) src(%dma_wait3A_89 : memref<10000x128xf32, #tpu.memory_space<hbm>>) dst(%arg12 : memref<128x128xf32, #tpu.memory_space<vmem>>)
      %mul3A_90 = arith.constant 128 : i32
      %mul3A_91 = arith.muli %add3A_86, %mul3A_90 : i32
      %add3A_92 = arith.addi %mul3A_4, %mul3A_91 : i32
      "tpu.region"() ({
        %run_scoped3A = tpu.sem_alloc : memref<!tpu.dma_semaphore, #tpu.memory_space<semaphore_mem>>
        %dma_start3A_102 = tpu.memref_slice %arg4[%add3A_92] : memref<320000xi32, #tpu.memory_space<hbm>> -> memref<128xi32, #tpu.memory_space<hbm>>
        %dma_start3A_103 = tpu.memref_slice %arg4[%add3A_92] : memref<320000xi32, #tpu.memory_space<hbm>> -> memref<128xi32, #tpu.memory_space<hbm>>
        tpu.enqueue_dma source(%dma_start3A_103 : memref<128xi32, #tpu.memory_space<hbm>>) target(%arg9 : memref<128xi32, #tpu.memory_space<vmem>>) target_semaphore(%run_scoped3A : memref<!tpu.dma_semaphore, #tpu.memory_space<semaphore_mem>>)
        %dma_wait3A_104 = tpu.memref_slice %arg4[%add3A_92] : memref<320000xi32, #tpu.memory_space<hbm>> -> memref<128xi32, #tpu.memory_space<hbm>>
        %dma_wait3A_105 = tpu.memref_slice %arg4[%add3A_92] : memref<320000xi32, #tpu.memory_space<hbm>> -> memref<128xi32, #tpu.memory_space<hbm>>
        tpu.wait_dma2 semaphore(%run_scoped3A : memref<!tpu.dma_semaphore, #tpu.memory_space<semaphore_mem>>) src(%dma_wait3A_105 : memref<128xi32, #tpu.memory_space<hbm>>) dst(%arg9 : memref<128xi32, #tpu.memory_space<vmem>>)
        tpu.yield
      }) : () -> ()
      "tpu.region"() ({
        %run_scoped3A = tpu.sem_alloc : memref<!tpu.dma_semaphore, #tpu.memory_space<semaphore_mem>>
        %dma_start3A_102 = arith.constant 0 : i32
        %dma_start3A_103 = arith.constant 0 : i32
        %dma_start3A_104 = tpu.memref_slice %arg14[%dma_start3A_102, %dma_start3A_103] : memref<10240x128xf32, #tpu.memory_space<vmem_shared>> -> memref<10240x128xf32, #tpu.memory_space<vmem_shared>>
        tpu.enqueue_indirect_dma source(%arg12 : memref<128x128xf32, #tpu.memory_space<vmem>>) target(%dma_start3A_104 : memref<10240x128xf32, #tpu.memory_space<vmem_shared>>) offsets(%arg9 : memref<128xi32, #tpu.memory_space<vmem>>) semaphore(%run_scoped3A : memref<!tpu.dma_semaphore, #tpu.memory_space<semaphore_mem>>) {add = true}
        %dma_wait3A_105 = arith.constant 0 : i32
        %dma_wait3A_106 = arith.constant 0 : i32
        %dma_wait3A_107 = tpu.memref_slice %arg14[%dma_wait3A_105, %dma_wait3A_106] : memref<10240x128xf32, #tpu.memory_space<vmem_shared>> -> memref<10240x128xf32, #tpu.memory_space<vmem_shared>>
        tpu.wait_indirect_dma semaphore(%run_scoped3A : memref<!tpu.dma_semaphore, #tpu.memory_space<semaphore_mem>>) src(%arg12 : memref<128x128xf32, #tpu.memory_space<vmem>>) dst(%dma_wait3A_107 : memref<10240x128xf32, #tpu.memory_space<vmem_shared>>)
        tpu.yield
      }) : () -> ()
      %add3A_93 = arith.constant 2 : i32
      %add3A_94 = arith.addi %add3A_86, %add3A_93 : i32
      %mul3A_95 = arith.constant 128 : i32
      %mul3A_96 = arith.muli %add3A_94, %mul3A_95 : i32
      %add3A_97 = arith.addi %mul3A_4, %mul3A_96 : i32
      "tpu.region"() ({
        %run_scoped3A = tpu.sem_alloc : memref<!tpu.dma_semaphore, #tpu.memory_space<semaphore_mem>>
        %dma_start3A_102 = tpu.memref_slice %arg3[%add3A_97] : memref<320000xi32, #tpu.memory_space<hbm>> -> memref<128xi32, #tpu.memory_space<hbm>>
        %dma_start3A_103 = tpu.memref_slice %arg3[%add3A_97] : memref<320000xi32, #tpu.memory_space<hbm>> -> memref<128xi32, #tpu.memory_space<hbm>>
        tpu.enqueue_dma source(%dma_start3A_103 : memref<128xi32, #tpu.memory_space<hbm>>) target(%arg8 : memref<128xi32, #tpu.memory_space<vmem>>) target_semaphore(%run_scoped3A : memref<!tpu.dma_semaphore, #tpu.memory_space<semaphore_mem>>)
        %dma_wait3A_104 = tpu.memref_slice %arg3[%add3A_97] : memref<320000xi32, #tpu.memory_space<hbm>> -> memref<128xi32, #tpu.memory_space<hbm>>
        %dma_wait3A_105 = tpu.memref_slice %arg3[%add3A_97] : memref<320000xi32, #tpu.memory_space<hbm>> -> memref<128xi32, #tpu.memory_space<hbm>>
        tpu.wait_dma2 semaphore(%run_scoped3A : memref<!tpu.dma_semaphore, #tpu.memory_space<semaphore_mem>>) src(%dma_wait3A_105 : memref<128xi32, #tpu.memory_space<hbm>>) dst(%arg8 : memref<128xi32, #tpu.memory_space<vmem>>)
        tpu.yield
      }) : () -> ()
      %dma_start3A_98 = arith.constant 0 : i32
      %dma_start3A_99 = arith.constant 0 : i32
      %dma_start3A_100 = tpu.memref_slice %arg2[%dma_start3A_98, %dma_start3A_99] : memref<10000x128xf32, #tpu.memory_space<hbm>> -> memref<10000x128xf32, #tpu.memory_space<hbm>>
      tpu.enqueue_indirect_dma source(%dma_start3A_100 : memref<10000x128xf32, #tpu.memory_space<hbm>>) target(%arg12 : memref<128x128xf32, #tpu.memory_space<vmem>>) offsets(%arg8 : memref<128xi32, #tpu.memory_space<vmem>>) semaphore(%arg16 : memref<!tpu.dma_semaphore, #tpu.memory_space<semaphore_mem>>)
      %scan3A_101 = arith.constant 0 : i32
      scf.yield %scan3A_101 : i32
    }
    %scan3A_26 = arith.constant 37 : i32
    %dma_wait3A = arith.constant 0 : i32
    %dma_wait3A_27 = arith.constant 0 : i32
    %dma_wait3A_28 = tpu.memref_slice %arg2[%dma_wait3A, %dma_wait3A_27] : memref<10000x128xf32, #tpu.memory_space<hbm>> -> memref<10000x128xf32, #tpu.memory_space<hbm>>
    tpu.wait_indirect_dma semaphore(%arg15 : memref<!tpu.dma_semaphore, #tpu.memory_space<semaphore_mem>>) src(%dma_wait3A_28 : memref<10000x128xf32, #tpu.memory_space<hbm>>) dst(%arg11 : memref<128x128xf32, #tpu.memory_space<vmem>>)
    %add3A_29 = arith.constant 9472 : i32
    %add3A_30 = arith.addi %mul3A_4, %add3A_29 : i32
    "tpu.region"() ({
      %run_scoped3A = tpu.sem_alloc : memref<!tpu.dma_semaphore, #tpu.memory_space<semaphore_mem>>
      %dma_start3A_65 = tpu.memref_slice %arg4[%add3A_30] : memref<320000xi32, #tpu.memory_space<hbm>> -> memref<128xi32, #tpu.memory_space<hbm>>
      %dma_start3A_66 = tpu.memref_slice %arg4[%add3A_30] : memref<320000xi32, #tpu.memory_space<hbm>> -> memref<128xi32, #tpu.memory_space<hbm>>
      tpu.enqueue_dma source(%dma_start3A_66 : memref<128xi32, #tpu.memory_space<hbm>>) target(%arg9 : memref<128xi32, #tpu.memory_space<vmem>>) target_semaphore(%run_scoped3A : memref<!tpu.dma_semaphore, #tpu.memory_space<semaphore_mem>>)
      %dma_wait3A_67 = tpu.memref_slice %arg4[%add3A_30] : memref<320000xi32, #tpu.memory_space<hbm>> -> memref<128xi32, #tpu.memory_space<hbm>>
      %dma_wait3A_68 = tpu.memref_slice %arg4[%add3A_30] : memref<320000xi32, #tpu.memory_space<hbm>> -> memref<128xi32, #tpu.memory_space<hbm>>
      tpu.wait_dma2 semaphore(%run_scoped3A : memref<!tpu.dma_semaphore, #tpu.memory_space<semaphore_mem>>) src(%dma_wait3A_68 : memref<128xi32, #tpu.memory_space<hbm>>) dst(%arg9 : memref<128xi32, #tpu.memory_space<vmem>>)
      tpu.yield
    }) : () -> ()
    "tpu.region"() ({
      %run_scoped3A = tpu.sem_alloc : memref<!tpu.dma_semaphore, #tpu.memory_space<semaphore_mem>>
      %dma_start3A_65 = arith.constant 0 : i32
      %dma_start3A_66 = arith.constant 0 : i32
      %dma_start3A_67 = tpu.memref_slice %arg14[%dma_start3A_65, %dma_start3A_66] : memref<10240x128xf32, #tpu.memory_space<vmem_shared>> -> memref<10240x128xf32, #tpu.memory_space<vmem_shared>>
      tpu.enqueue_indirect_dma source(%arg11 : memref<128x128xf32, #tpu.memory_space<vmem>>) target(%dma_start3A_67 : memref<10240x128xf32, #tpu.memory_space<vmem_shared>>) offsets(%arg9 : memref<128xi32, #tpu.memory_space<vmem>>) semaphore(%run_scoped3A : memref<!tpu.dma_semaphore, #tpu.memory_space<semaphore_mem>>) {add = true}
      %dma_wait3A_68 = arith.constant 0 : i32
      %dma_wait3A_69 = arith.constant 0 : i32
      %dma_wait3A_70 = tpu.memref_slice %arg14[%dma_wait3A_68, %dma_wait3A_69] : memref<10240x128xf32, #tpu.memory_space<vmem_shared>> -> memref<10240x128xf32, #tpu.memory_space<vmem_shared>>
      tpu.wait_indirect_dma semaphore(%run_scoped3A : memref<!tpu.dma_semaphore, #tpu.memory_space<semaphore_mem>>) src(%arg11 : memref<128x128xf32, #tpu.memory_space<vmem>>) dst(%dma_wait3A_70 : memref<10240x128xf32, #tpu.memory_space<vmem_shared>>)
      tpu.yield
    }) : () -> ()
    %add3A_31 = arith.constant 9728 : i32
    %add3A_32 = arith.addi %mul3A_4, %add3A_31 : i32
    "tpu.region"() ({
      %run_scoped3A = tpu.sem_alloc : memref<!tpu.dma_semaphore, #tpu.memory_space<semaphore_mem>>
      %dma_start3A_65 = tpu.memref_slice %arg3[%add3A_32] : memref<320000xi32, #tpu.memory_space<hbm>> -> memref<128xi32, #tpu.memory_space<hbm>>
      %dma_start3A_66 = tpu.memref_slice %arg3[%add3A_32] : memref<320000xi32, #tpu.memory_space<hbm>> -> memref<128xi32, #tpu.memory_space<hbm>>
      tpu.enqueue_dma source(%dma_start3A_66 : memref<128xi32, #tpu.memory_space<hbm>>) target(%arg7 : memref<128xi32, #tpu.memory_space<vmem>>) target_semaphore(%run_scoped3A : memref<!tpu.dma_semaphore, #tpu.memory_space<semaphore_mem>>)
      %dma_wait3A_67 = tpu.memref_slice %arg3[%add3A_32] : memref<320000xi32, #tpu.memory_space<hbm>> -> memref<128xi32, #tpu.memory_space<hbm>>
      %dma_wait3A_68 = tpu.memref_slice %arg3[%add3A_32] : memref<320000xi32, #tpu.memory_space<hbm>> -> memref<128xi32, #tpu.memory_space<hbm>>
      tpu.wait_dma2 semaphore(%run_scoped3A : memref<!tpu.dma_semaphore, #tpu.memory_space<semaphore_mem>>) src(%dma_wait3A_68 : memref<128xi32, #tpu.memory_space<hbm>>) dst(%arg7 : memref<128xi32, #tpu.memory_space<vmem>>)
      tpu.yield
    }) : () -> ()
    %dma_start3A_33 = arith.constant 0 : i32
    %dma_start3A_34 = arith.constant 0 : i32
    %dma_start3A_35 = tpu.memref_slice %arg2[%dma_start3A_33, %dma_start3A_34] : memref<10000x128xf32, #tpu.memory_space<hbm>> -> memref<10000x128xf32, #tpu.memory_space<hbm>>
    tpu.enqueue_indirect_dma source(%dma_start3A_35 : memref<10000x128xf32, #tpu.memory_space<hbm>>) target(%arg11 : memref<128x128xf32, #tpu.memory_space<vmem>>) offsets(%arg7 : memref<128xi32, #tpu.memory_space<vmem>>) semaphore(%arg15 : memref<!tpu.dma_semaphore, #tpu.memory_space<semaphore_mem>>)
    %dma_wait3A_36 = arith.constant 0 : i32
    %dma_wait3A_37 = arith.constant 0 : i32
    %dma_wait3A_38 = tpu.memref_slice %arg2[%dma_wait3A_36, %dma_wait3A_37] : memref<10000x128xf32, #tpu.memory_space<hbm>> -> memref<10000x128xf32, #tpu.memory_space<hbm>>
    tpu.wait_indirect_dma semaphore(%arg16 : memref<!tpu.dma_semaphore, #tpu.memory_space<semaphore_mem>>) src(%dma_wait3A_38 : memref<10000x128xf32, #tpu.memory_space<hbm>>) dst(%arg12 : memref<128x128xf32, #tpu.memory_space<vmem>>)
    %add3A_39 = arith.constant 9600 : i32
    %add3A_40 = arith.addi %mul3A_4, %add3A_39 : i32
    "tpu.region"() ({
      %run_scoped3A = tpu.sem_alloc : memref<!tpu.dma_semaphore, #tpu.memory_space<semaphore_mem>>
      %dma_start3A_65 = tpu.memref_slice %arg4[%add3A_40] : memref<320000xi32, #tpu.memory_space<hbm>> -> memref<128xi32, #tpu.memory_space<hbm>>
      %dma_start3A_66 = tpu.memref_slice %arg4[%add3A_40] : memref<320000xi32, #tpu.memory_space<hbm>> -> memref<128xi32, #tpu.memory_space<hbm>>
      tpu.enqueue_dma source(%dma_start3A_66 : memref<128xi32, #tpu.memory_space<hbm>>) target(%arg9 : memref<128xi32, #tpu.memory_space<vmem>>) target_semaphore(%run_scoped3A : memref<!tpu.dma_semaphore, #tpu.memory_space<semaphore_mem>>)
      %dma_wait3A_67 = tpu.memref_slice %arg4[%add3A_40] : memref<320000xi32, #tpu.memory_space<hbm>> -> memref<128xi32, #tpu.memory_space<hbm>>
      %dma_wait3A_68 = tpu.memref_slice %arg4[%add3A_40] : memref<320000xi32, #tpu.memory_space<hbm>> -> memref<128xi32, #tpu.memory_space<hbm>>
      tpu.wait_dma2 semaphore(%run_scoped3A : memref<!tpu.dma_semaphore, #tpu.memory_space<semaphore_mem>>) src(%dma_wait3A_68 : memref<128xi32, #tpu.memory_space<hbm>>) dst(%arg9 : memref<128xi32, #tpu.memory_space<vmem>>)
      tpu.yield
    }) : () -> ()
    "tpu.region"() ({
      %run_scoped3A = tpu.sem_alloc : memref<!tpu.dma_semaphore, #tpu.memory_space<semaphore_mem>>
      %dma_start3A_65 = arith.constant 0 : i32
      %dma_start3A_66 = arith.constant 0 : i32
      %dma_start3A_67 = tpu.memref_slice %arg14[%dma_start3A_65, %dma_start3A_66] : memref<10240x128xf32, #tpu.memory_space<vmem_shared>> -> memref<10240x128xf32, #tpu.memory_space<vmem_shared>>
      tpu.enqueue_indirect_dma source(%arg12 : memref<128x128xf32, #tpu.memory_space<vmem>>) target(%dma_start3A_67 : memref<10240x128xf32, #tpu.memory_space<vmem_shared>>) offsets(%arg9 : memref<128xi32, #tpu.memory_space<vmem>>) semaphore(%run_scoped3A : memref<!tpu.dma_semaphore, #tpu.memory_space<semaphore_mem>>) {add = true}
      %dma_wait3A_68 = arith.constant 0 : i32
      %dma_wait3A_69 = arith.constant 0 : i32
      %dma_wait3A_70 = tpu.memref_slice %arg14[%dma_wait3A_68, %dma_wait3A_69] : memref<10240x128xf32, #tpu.memory_space<vmem_shared>> -> memref<10240x128xf32, #tpu.memory_space<vmem_shared>>
      tpu.wait_indirect_dma semaphore(%run_scoped3A : memref<!tpu.dma_semaphore, #tpu.memory_space<semaphore_mem>>) src(%arg12 : memref<128x128xf32, #tpu.memory_space<vmem>>) dst(%dma_wait3A_70 : memref<10240x128xf32, #tpu.memory_space<vmem_shared>>)
      tpu.yield
    }) : () -> ()
    %add3A_41 = arith.constant 9856 : i32
    %add3A_42 = arith.addi %mul3A_4, %add3A_41 : i32
    "tpu.region"() ({
      %run_scoped3A = tpu.sem_alloc : memref<!tpu.dma_semaphore, #tpu.memory_space<semaphore_mem>>
      %dma_start3A_65 = tpu.memref_slice %arg3[%add3A_42] : memref<320000xi32, #tpu.memory_space<hbm>> -> memref<128xi32, #tpu.memory_space<hbm>>
      %dma_start3A_66 = tpu.memref_slice %arg3[%add3A_42] : memref<320000xi32, #tpu.memory_space<hbm>> -> memref<128xi32, #tpu.memory_space<hbm>>
      tpu.enqueue_dma source(%dma_start3A_66 : memref<128xi32, #tpu.memory_space<hbm>>) target(%arg8 : memref<128xi32, #tpu.memory_space<vmem>>) target_semaphore(%run_scoped3A : memref<!tpu.dma_semaphore, #tpu.memory_space<semaphore_mem>>)
      %dma_wait3A_67 = tpu.memref_slice %arg3[%add3A_42] : memref<320000xi32, #tpu.memory_space<hbm>> -> memref<128xi32, #tpu.memory_space<hbm>>
      %dma_wait3A_68 = tpu.memref_slice %arg3[%add3A_42] : memref<320000xi32, #tpu.memory_space<hbm>> -> memref<128xi32, #tpu.memory_space<hbm>>
      tpu.wait_dma2 semaphore(%run_scoped3A : memref<!tpu.dma_semaphore, #tpu.memory_space<semaphore_mem>>) src(%dma_wait3A_68 : memref<128xi32, #tpu.memory_space<hbm>>) dst(%arg8 : memref<128xi32, #tpu.memory_space<vmem>>)
      tpu.yield
    }) : () -> ()
    %dma_start3A_43 = arith.constant 0 : i32
    %dma_start3A_44 = arith.constant 0 : i32
    %dma_start3A_45 = tpu.memref_slice %arg2[%dma_start3A_43, %dma_start3A_44] : memref<10000x128xf32, #tpu.memory_space<hbm>> -> memref<10000x128xf32, #tpu.memory_space<hbm>>
    tpu.enqueue_indirect_dma source(%dma_start3A_45 : memref<10000x128xf32, #tpu.memory_space<hbm>>) target(%arg12 : memref<128x128xf32, #tpu.memory_space<vmem>>) offsets(%arg8 : memref<128xi32, #tpu.memory_space<vmem>>) semaphore(%arg16 : memref<!tpu.dma_semaphore, #tpu.memory_space<semaphore_mem>>)
    %dma_wait3A_46 = arith.constant 0 : i32
    %dma_wait3A_47 = arith.constant 0 : i32
    %dma_wait3A_48 = tpu.memref_slice %arg2[%dma_wait3A_46, %dma_wait3A_47] : memref<10000x128xf32, #tpu.memory_space<hbm>> -> memref<10000x128xf32, #tpu.memory_space<hbm>>
    tpu.wait_indirect_dma semaphore(%arg15 : memref<!tpu.dma_semaphore, #tpu.memory_space<semaphore_mem>>) src(%dma_wait3A_48 : memref<10000x128xf32, #tpu.memory_space<hbm>>) dst(%arg11 : memref<128x128xf32, #tpu.memory_space<vmem>>)
    %add3A_49 = arith.constant 9728 : i32
    %add3A_50 = arith.addi %mul3A_4, %add3A_49 : i32
    "tpu.region"() ({
      %run_scoped3A = tpu.sem_alloc : memref<!tpu.dma_semaphore, #tpu.memory_space<semaphore_mem>>
      %dma_start3A_65 = tpu.memref_slice %arg4[%add3A_50] : memref<320000xi32, #tpu.memory_space<hbm>> -> memref<128xi32, #tpu.memory_space<hbm>>
      %dma_start3A_66 = tpu.memref_slice %arg4[%add3A_50] : memref<320000xi32, #tpu.memory_space<hbm>> -> memref<128xi32, #tpu.memory_space<hbm>>
      tpu.enqueue_dma source(%dma_start3A_66 : memref<128xi32, #tpu.memory_space<hbm>>) target(%arg9 : memref<128xi32, #tpu.memory_space<vmem>>) target_semaphore(%run_scoped3A : memref<!tpu.dma_semaphore, #tpu.memory_space<semaphore_mem>>)
      %dma_wait3A_67 = tpu.memref_slice %arg4[%add3A_50] : memref<320000xi32, #tpu.memory_space<hbm>> -> memref<128xi32, #tpu.memory_space<hbm>>
      %dma_wait3A_68 = tpu.memref_slice %arg4[%add3A_50] : memref<320000xi32, #tpu.memory_space<hbm>> -> memref<128xi32, #tpu.memory_space<hbm>>
      tpu.wait_dma2 semaphore(%run_scoped3A : memref<!tpu.dma_semaphore, #tpu.memory_space<semaphore_mem>>) src(%dma_wait3A_68 : memref<128xi32, #tpu.memory_space<hbm>>) dst(%arg9 : memref<128xi32, #tpu.memory_space<vmem>>)
      tpu.yield
    }) : () -> ()
    "tpu.region"() ({
      %run_scoped3A = tpu.sem_alloc : memref<!tpu.dma_semaphore, #tpu.memory_space<semaphore_mem>>
      %dma_start3A_65 = arith.constant 0 : i32
      %dma_start3A_66 = arith.constant 0 : i32
      %dma_start3A_67 = tpu.memref_slice %arg14[%dma_start3A_65, %dma_start3A_66] : memref<10240x128xf32, #tpu.memory_space<vmem_shared>> -> memref<10240x128xf32, #tpu.memory_space<vmem_shared>>
      tpu.enqueue_indirect_dma source(%arg11 : memref<128x128xf32, #tpu.memory_space<vmem>>) target(%dma_start3A_67 : memref<10240x128xf32, #tpu.memory_space<vmem_shared>>) offsets(%arg9 : memref<128xi32, #tpu.memory_space<vmem>>) semaphore(%run_scoped3A : memref<!tpu.dma_semaphore, #tpu.memory_space<semaphore_mem>>) {add = true}
      %dma_wait3A_68 = arith.constant 0 : i32
      %dma_wait3A_69 = arith.constant 0 : i32
      %dma_wait3A_70 = tpu.memref_slice %arg14[%dma_wait3A_68, %dma_wait3A_69] : memref<10240x128xf32, #tpu.memory_space<vmem_shared>> -> memref<10240x128xf32, #tpu.memory_space<vmem_shared>>
      tpu.wait_indirect_dma semaphore(%run_scoped3A : memref<!tpu.dma_semaphore, #tpu.memory_space<semaphore_mem>>) src(%arg11 : memref<128x128xf32, #tpu.memory_space<vmem>>) dst(%dma_wait3A_70 : memref<10240x128xf32, #tpu.memory_space<vmem_shared>>)
      tpu.yield
    }) : () -> ()
    %dma_wait3A_51 = arith.constant 0 : i32
    %dma_wait3A_52 = arith.constant 0 : i32
    %dma_wait3A_53 = tpu.memref_slice %arg2[%dma_wait3A_51, %dma_wait3A_52] : memref<10000x128xf32, #tpu.memory_space<hbm>> -> memref<10000x128xf32, #tpu.memory_space<hbm>>
    tpu.wait_indirect_dma semaphore(%arg16 : memref<!tpu.dma_semaphore, #tpu.memory_space<semaphore_mem>>) src(%dma_wait3A_53 : memref<10000x128xf32, #tpu.memory_space<hbm>>) dst(%arg12 : memref<128x128xf32, #tpu.memory_space<vmem>>)
    %add3A_54 = arith.constant 9856 : i32
    %add3A_55 = arith.addi %mul3A_4, %add3A_54 : i32
    "tpu.region"() ({
      %run_scoped3A = tpu.sem_alloc : memref<!tpu.dma_semaphore, #tpu.memory_space<semaphore_mem>>
      %dma_start3A_65 = tpu.memref_slice %arg4[%add3A_55] : memref<320000xi32, #tpu.memory_space<hbm>> -> memref<128xi32, #tpu.memory_space<hbm>>
      %dma_start3A_66 = tpu.memref_slice %arg4[%add3A_55] : memref<320000xi32, #tpu.memory_space<hbm>> -> memref<128xi32, #tpu.memory_space<hbm>>
      tpu.enqueue_dma source(%dma_start3A_66 : memref<128xi32, #tpu.memory_space<hbm>>) target(%arg9 : memref<128xi32, #tpu.memory_space<vmem>>) target_semaphore(%run_scoped3A : memref<!tpu.dma_semaphore, #tpu.memory_space<semaphore_mem>>)
      %dma_wait3A_67 = tpu.memref_slice %arg4[%add3A_55] : memref<320000xi32, #tpu.memory_space<hbm>> -> memref<128xi32, #tpu.memory_space<hbm>>
      %dma_wait3A_68 = tpu.memref_slice %arg4[%add3A_55] : memref<320000xi32, #tpu.memory_space<hbm>> -> memref<128xi32, #tpu.memory_space<hbm>>
      tpu.wait_dma2 semaphore(%run_scoped3A : memref<!tpu.dma_semaphore, #tpu.memory_space<semaphore_mem>>) src(%dma_wait3A_68 : memref<128xi32, #tpu.memory_space<hbm>>) dst(%arg9 : memref<128xi32, #tpu.memory_space<vmem>>)
      tpu.yield
    }) : () -> ()
    "tpu.region"() ({
      %run_scoped3A = tpu.sem_alloc : memref<!tpu.dma_semaphore, #tpu.memory_space<semaphore_mem>>
      %dma_start3A_65 = arith.constant 0 : i32
      %dma_start3A_66 = arith.constant 0 : i32
      %dma_start3A_67 = tpu.memref_slice %arg14[%dma_start3A_65, %dma_start3A_66] : memref<10240x128xf32, #tpu.memory_space<vmem_shared>> -> memref<10240x128xf32, #tpu.memory_space<vmem_shared>>
      tpu.enqueue_indirect_dma source(%arg12 : memref<128x128xf32, #tpu.memory_space<vmem>>) target(%dma_start3A_67 : memref<10240x128xf32, #tpu.memory_space<vmem_shared>>) offsets(%arg9 : memref<128xi32, #tpu.memory_space<vmem>>) semaphore(%run_scoped3A : memref<!tpu.dma_semaphore, #tpu.memory_space<semaphore_mem>>) {add = true}
      %dma_wait3A_68 = arith.constant 0 : i32
      %dma_wait3A_69 = arith.constant 0 : i32
      %dma_wait3A_70 = tpu.memref_slice %arg14[%dma_wait3A_68, %dma_wait3A_69] : memref<10240x128xf32, #tpu.memory_space<vmem_shared>> -> memref<10240x128xf32, #tpu.memory_space<vmem_shared>>
      tpu.wait_indirect_dma semaphore(%run_scoped3A : memref<!tpu.dma_semaphore, #tpu.memory_space<semaphore_mem>>) src(%arg12 : memref<128x128xf32, #tpu.memory_space<vmem>>) dst(%dma_wait3A_70 : memref<10240x128xf32, #tpu.memory_space<vmem_shared>>)
      tpu.yield
    }) : () -> ()
    %add3A_56 = arith.constant 9984 : i32
    %add3A_57 = arith.addi %mul3A_4, %add3A_56 : i32
    "tpu.region"() ({
      %run_scoped3A = tpu.sem_alloc : memref<!tpu.dma_semaphore, #tpu.memory_space<semaphore_mem>>
      %dma_start3A_65 = tpu.memref_slice %arg3[%add3A_57] : memref<320000xi32, #tpu.memory_space<hbm>> -> memref<16xi32, #tpu.memory_space<hbm>>
      %dma_start3A_66 = tpu.memref_slice %arg3[%add3A_57] : memref<320000xi32, #tpu.memory_space<hbm>> -> memref<16xi32, #tpu.memory_space<hbm>>
      tpu.enqueue_dma source(%dma_start3A_66 : memref<16xi32, #tpu.memory_space<hbm>>) target(%arg10 : memref<16xi32, #tpu.memory_space<vmem>>) target_semaphore(%run_scoped3A : memref<!tpu.dma_semaphore, #tpu.memory_space<semaphore_mem>>)
      %dma_wait3A_67 = tpu.memref_slice %arg3[%add3A_57] : memref<320000xi32, #tpu.memory_space<hbm>> -> memref<16xi32, #tpu.memory_space<hbm>>
      %dma_wait3A_68 = tpu.memref_slice %arg3[%add3A_57] : memref<320000xi32, #tpu.memory_space<hbm>> -> memref<16xi32, #tpu.memory_space<hbm>>
      tpu.wait_dma2 semaphore(%run_scoped3A : memref<!tpu.dma_semaphore, #tpu.memory_space<semaphore_mem>>) src(%dma_wait3A_68 : memref<16xi32, #tpu.memory_space<hbm>>) dst(%arg10 : memref<16xi32, #tpu.memory_space<vmem>>)
      tpu.yield
    }) : () -> ()
    %dma_start3A_58 = arith.constant 0 : i32
    %dma_start3A_59 = arith.constant 0 : i32
    %dma_start3A_60 = tpu.memref_slice %arg2[%dma_start3A_58, %dma_start3A_59] : memref<10000x128xf32, #tpu.memory_space<hbm>> -> memref<10000x128xf32, #tpu.memory_space<hbm>>
    tpu.enqueue_indirect_dma source(%dma_start3A_60 : memref<10000x128xf32, #tpu.memory_space<hbm>>) target(%arg13 : memref<16x128xf32, #tpu.memory_space<vmem>>) offsets(%arg10 : memref<16xi32, #tpu.memory_space<vmem>>) semaphore(%arg17 : memref<!tpu.dma_semaphore, #tpu.memory_space<semaphore_mem>>)
    %dma_wait3A_61 = arith.constant 0 : i32
    %dma_wait3A_62 = arith.constant 0 : i32
    %dma_wait3A_63 = tpu.memref_slice %arg2[%dma_wait3A_61, %dma_wait3A_62] : memref<10000x128xf32, #tpu.memory_space<hbm>> -> memref<10000x128xf32, #tpu.memory_space<hbm>>
    tpu.wait_indirect_dma semaphore(%arg17 : memref<!tpu.dma_semaphore, #tpu.memory_space<semaphore_mem>>) src(%dma_wait3A_63 : memref<10000x128xf32, #tpu.memory_space<hbm>>) dst(%arg13 : memref<16x128xf32, #tpu.memory_space<vmem>>)
    "tpu.region"() ({
      %run_scoped3A = tpu.sem_alloc : memref<!tpu.dma_semaphore, #tpu.memory_space<semaphore_mem>>
      %dma_start3A_65 = tpu.memref_slice %arg4[%add3A_57] : memref<320000xi32, #tpu.memory_space<hbm>> -> memref<16xi32, #tpu.memory_space<hbm>>
      %dma_start3A_66 = tpu.memref_slice %arg4[%add3A_57] : memref<320000xi32, #tpu.memory_space<hbm>> -> memref<16xi32, #tpu.memory_space<hbm>>
      tpu.enqueue_dma source(%dma_start3A_66 : memref<16xi32, #tpu.memory_space<hbm>>) target(%arg10 : memref<16xi32, #tpu.memory_space<vmem>>) target_semaphore(%run_scoped3A : memref<!tpu.dma_semaphore, #tpu.memory_space<semaphore_mem>>)
      %dma_wait3A_67 = tpu.memref_slice %arg4[%add3A_57] : memref<320000xi32, #tpu.memory_space<hbm>> -> memref<16xi32, #tpu.memory_space<hbm>>
      %dma_wait3A_68 = tpu.memref_slice %arg4[%add3A_57] : memref<320000xi32, #tpu.memory_space<hbm>> -> memref<16xi32, #tpu.memory_space<hbm>>
      tpu.wait_dma2 semaphore(%run_scoped3A : memref<!tpu.dma_semaphore, #tpu.memory_space<semaphore_mem>>) src(%dma_wait3A_68 : memref<16xi32, #tpu.memory_space<hbm>>) dst(%arg10 : memref<16xi32, #tpu.memory_space<vmem>>)
      tpu.yield
    }) : () -> ()
    "tpu.region"() ({
      %run_scoped3A = tpu.sem_alloc : memref<!tpu.dma_semaphore, #tpu.memory_space<semaphore_mem>>
      %dma_start3A_65 = arith.constant 0 : i32
      %dma_start3A_66 = arith.constant 0 : i32
      %dma_start3A_67 = tpu.memref_slice %arg14[%dma_start3A_65, %dma_start3A_66] : memref<10240x128xf32, #tpu.memory_space<vmem_shared>> -> memref<10240x128xf32, #tpu.memory_space<vmem_shared>>
      tpu.enqueue_indirect_dma source(%arg13 : memref<16x128xf32, #tpu.memory_space<vmem>>) target(%dma_start3A_67 : memref<10240x128xf32, #tpu.memory_space<vmem_shared>>) offsets(%arg10 : memref<16xi32, #tpu.memory_space<vmem>>) semaphore(%run_scoped3A : memref<!tpu.dma_semaphore, #tpu.memory_space<semaphore_mem>>) {add = true}
      %dma_wait3A_68 = arith.constant 0 : i32
      %dma_wait3A_69 = arith.constant 0 : i32
      %dma_wait3A_70 = tpu.memref_slice %arg14[%dma_wait3A_68, %dma_wait3A_69] : memref<10240x128xf32, #tpu.memory_space<vmem_shared>> -> memref<10240x128xf32, #tpu.memory_space<vmem_shared>>
      tpu.wait_indirect_dma semaphore(%run_scoped3A : memref<!tpu.dma_semaphore, #tpu.memory_space<semaphore_mem>>) src(%arg13 : memref<16x128xf32, #tpu.memory_space<vmem>>) dst(%dma_wait3A_70 : memref<10240x128xf32, #tpu.memory_space<vmem_shared>>)
      tpu.yield
    }) : () -> ()
    %barrier3A_64 = arith.constant 0 : index
    tpu.barrier barrier_id(%barrier3A_64)
    "tpu.region"() ({
      %run_scoped3A = tpu.sem_alloc : memref<!tpu.dma_semaphore, #tpu.memory_space<semaphore_mem>>
      %dma_start3A_65 = arith.constant 0 : i32
      %dma_start3A_66 = tpu.memref_slice %arg6[%arg0, %mul3A_2, %dma_start3A_65] : memref<2x10240x128xf32, #tpu.memory_space<hbm>> -> memref<1x640x128xf32, #tpu.memory_space<hbm>>
      %dma_start3A_67 = tpu.memref_squeeze %dma_start3A_66 : memref<1x640x128xf32, #tpu.memory_space<hbm>> -> memref<640x128xf32, #tpu.memory_space<hbm>>
      %dma_start3A_68 = arith.constant 0 : i32
      %dma_start3A_69 = tpu.memref_slice %arg14[%mul3A_2, %dma_start3A_68] : memref<10240x128xf32, #tpu.memory_space<vmem_shared>> -> memref<640x128xf32, #tpu.memory_space<vmem_shared>>
      tpu.enqueue_dma source(%dma_start3A_69 : memref<640x128xf32, #tpu.memory_space<vmem_shared>>) target(%dma_start3A_67 : memref<640x128xf32, #tpu.memory_space<hbm>>) target_semaphore(%run_scoped3A : memref<!tpu.dma_semaphore, #tpu.memory_space<semaphore_mem>>)
      %dma_wait3A_70 = arith.constant 0 : i32
      %dma_wait3A_71 = tpu.memref_slice %arg6[%arg0, %mul3A_2, %dma_wait3A_70] : memref<2x10240x128xf32, #tpu.memory_space<hbm>> -> memref<1x640x128xf32, #tpu.memory_space<hbm>>
      %dma_wait3A_72 = tpu.memref_squeeze %dma_wait3A_71 : memref<1x640x128xf32, #tpu.memory_space<hbm>> -> memref<640x128xf32, #tpu.memory_space<hbm>>
      %dma_wait3A_73 = arith.constant 0 : i32
      %dma_wait3A_74 = tpu.memref_slice %arg14[%mul3A_2, %dma_wait3A_73] : memref<10240x128xf32, #tpu.memory_space<vmem_shared>> -> memref<640x128xf32, #tpu.memory_space<vmem_shared>>
      tpu.wait_dma2 semaphore(%run_scoped3A : memref<!tpu.dma_semaphore, #tpu.memory_space<semaphore_mem>>) src(%dma_wait3A_74 : memref<640x128xf32, #tpu.memory_space<vmem_shared>>) dst(%dma_wait3A_72 : memref<640x128xf32, #tpu.memory_space<hbm>>)
      tpu.yield
    }) : () -> ()
    return
  }
}

#map = affine_map<(d0, d1) -> (0, 0)>
#map1 = affine_map<(d0, d1) -> (0)>
#map2 = affine_map<(d0, d1) -> (0, 0, 0)>
module attributes {stable_mosaic.version = 14 : i64} {
  func.func @_sc_aggregate(%arg0: i32, %arg1: i32, %arg2: memref<10000x128xf32, #tpu.memory_space<hbm>>, %arg3: memref<320000xi32, #tpu.memory_space<hbm>>, %arg4: memref<320000xi32, #tpu.memory_space<hbm>>, %arg5: memref<128x128xf32, #tpu.memory_space<hbm>>, %arg6: memref<2x10240x128xf32, #tpu.memory_space<hbm>>, %arg7: memref<128xi32, #tpu.memory_space<vmem>>, %arg8: memref<128xi32, #tpu.memory_space<vmem>>, %arg9: memref<128xi32, #tpu.memory_space<vmem>>, %arg10: memref<16xi32, #tpu.memory_space<vmem>>, %arg11: memref<128x128xf32, #tpu.memory_space<vmem>>, %arg12: memref<128x128xf32, #tpu.memory_space<vmem>>, %arg13: memref<16x128xf32, #tpu.memory_space<vmem>>, %arg14: memref<10240x128xf32, #tpu.memory_space<vmem_shared>>, %arg15: memref<!tpu.dma_semaphore, #tpu.memory_space<semaphore_mem>>, %arg16: memref<!tpu.dma_semaphore, #tpu.memory_space<semaphore_mem>>, %arg17: memref<!tpu.dma_semaphore, #tpu.memory_space<semaphore_mem>>) attributes {dimension_semantics = [#tpu.dimension_semantics<core_parallel>, #tpu.dimension_semantics<subcore_parallel>], iteration_bounds = array<i64: 2, 16>, scalar_prefetch = 0 : i64, scratch_operands = 11 : i64, tpu.core_type = #tpu.core_type<sc_vector_subcore>, window_params = [{transform_indices = #map}, {transform_indices = #map1}, {transform_indices = #map1}, {transform_indices = #map}, {transform_indices = #map2}]} {
    %mul3A = arith.constant 16 : i32
    %mul3A_0 = arith.muli %arg0, %mul3A : i32
    %add3A = arith.addi %mul3A_0, %arg1 : i32
    %mul3A_1 = arith.constant 640 : i32
    %mul3A_2 = arith.muli %arg1, %mul3A_1 : i32
    %mul3A_3 = arith.constant 10000 : i32
    %mul3A_4 = arith.muli %add3A, %mul3A_3 : i32
    %scan3A = arith.constant 0 : i32
    %scan3A_5 = arith.constant 0 : i32
    %scan3A_6 = arith.constant 5 : i32
    %scan3A_7 = arith.addi %scan3A_5, %scan3A_6 : i32
    %scan3A_8 = arith.constant 1 : i32
    %scan3A_9 = scf.for %scan3A_65 = %scan3A_5 to %scan3A_7 step %scan3A_8 iter_args(%scan3A_66 = %scan3A) -> (i32)  : i32 {
      %mul3A_67 = arith.constant 128 : i32
      %mul3A_68 = arith.muli %scan3A_65, %mul3A_67 : i32
      %add3A_69 = arith.addi %mul3A_2, %mul3A_68 : i32
      "tpu.region"() ({
        %run_scoped3A = tpu.sem_alloc : memref<!tpu.dma_semaphore, #tpu.memory_space<semaphore_mem>>
        %dma_start3A_71 = arith.constant 0 : i32
        %dma_start3A_72 = tpu.memref_slice %arg14[%add3A_69, %dma_start3A_71] : memref<10240x128xf32, #tpu.memory_space<vmem_shared>> -> memref<128x128xf32, #tpu.memory_space<vmem_shared>>
        tpu.enqueue_dma source(%arg5 : memref<128x128xf32, #tpu.memory_space<hbm>>) target(%dma_start3A_72 : memref<128x128xf32, #tpu.memory_space<vmem_shared>>) target_semaphore(%run_scoped3A : memref<!tpu.dma_semaphore, #tpu.memory_space<semaphore_mem>>)
        %dma_wait3A_73 = arith.constant 0 : i32
        %dma_wait3A_74 = tpu.memref_slice %arg14[%add3A_69, %dma_wait3A_73] : memref<10240x128xf32, #tpu.memory_space<vmem_shared>> -> memref<128x128xf32, #tpu.memory_space<vmem_shared>>
        tpu.wait_dma2 semaphore(%run_scoped3A : memref<!tpu.dma_semaphore, #tpu.memory_space<semaphore_mem>>) src(%arg5 : memref<128x128xf32, #tpu.memory_space<hbm>>) dst(%dma_wait3A_74 : memref<128x128xf32, #tpu.memory_space<vmem_shared>>)
        tpu.yield
      }) : () -> ()
      %scan3A_70 = arith.constant 0 : i32
      scf.yield %scan3A_70 : i32
    }
    %scan3A_10 = arith.constant 5 : i32
    %barrier3A = arith.constant 0 : index
    tpu.barrier barrier_id(%barrier3A)
    %add3A_11 = arith.constant 0 : i32
    %add3A_12 = arith.addi %mul3A_4, %add3A_11 : i32
    "tpu.region"() ({
      %run_scoped3A = tpu.sem_alloc : memref<!tpu.dma_semaphore, #tpu.memory_space<semaphore_mem>>
      %dma_start3A_65 = tpu.memref_slice %arg3[%add3A_12] : memref<320000xi32, #tpu.memory_space<hbm>> -> memref<128xi32, #tpu.memory_space<hbm>>
      %dma_start3A_66 = tpu.memref_slice %arg3[%add3A_12] : memref<320000xi32, #tpu.memory_space<hbm>> -> memref<128xi32, #tpu.memory_space<hbm>>
      tpu.enqueue_dma source(%dma_start3A_66 : memref<128xi32, #tpu.memory_space<hbm>>) target(%arg7 : memref<128xi32, #tpu.memory_space<vmem>>) target_semaphore(%run_scoped3A : memref<!tpu.dma_semaphore, #tpu.memory_space<semaphore_mem>>)
      %dma_wait3A_67 = tpu.memref_slice %arg3[%add3A_12] : memref<320000xi32, #tpu.memory_space<hbm>> -> memref<128xi32, #tpu.memory_space<hbm>>
      %dma_wait3A_68 = tpu.memref_slice %arg3[%add3A_12] : memref<320000xi32, #tpu.memory_space<hbm>> -> memref<128xi32, #tpu.memory_space<hbm>>
      tpu.wait_dma2 semaphore(%run_scoped3A : memref<!tpu.dma_semaphore, #tpu.memory_space<semaphore_mem>>) src(%dma_wait3A_68 : memref<128xi32, #tpu.memory_space<hbm>>) dst(%arg7 : memref<128xi32, #tpu.memory_space<vmem>>)
      tpu.yield
    }) : () -> ()
    %dma_start3A = arith.constant 0 : i32
    %dma_start3A_13 = arith.constant 0 : i32
    %dma_start3A_14 = tpu.memref_slice %arg2[%dma_start3A, %dma_start3A_13] : memref<10000x128xf32, #tpu.memory_space<hbm>> -> memref<10000x128xf32, #tpu.memory_space<hbm>>
    tpu.enqueue_indirect_dma source(%dma_start3A_14 : memref<10000x128xf32, #tpu.memory_space<hbm>>) target(%arg11 : memref<128x128xf32, #tpu.memory_space<vmem>>) offsets(%arg7 : memref<128xi32, #tpu.memory_space<vmem>>) semaphore(%arg15 : memref<!tpu.dma_semaphore, #tpu.memory_space<semaphore_mem>>)
    %add3A_15 = arith.constant 128 : i32
    %add3A_16 = arith.addi %mul3A_4, %add3A_15 : i32
    "tpu.region"() ({
      %run_scoped3A = tpu.sem_alloc : memref<!tpu.dma_semaphore, #tpu.memory_space<semaphore_mem>>
      %dma_start3A_65 = tpu.memref_slice %arg3[%add3A_16] : memref<320000xi32, #tpu.memory_space<hbm>> -> memref<128xi32, #tpu.memory_space<hbm>>
      %dma_start3A_66 = tpu.memref_slice %arg3[%add3A_16] : memref<320000xi32, #tpu.memory_space<hbm>> -> memref<128xi32, #tpu.memory_space<hbm>>
      tpu.enqueue_dma source(%dma_start3A_66 : memref<128xi32, #tpu.memory_space<hbm>>) target(%arg8 : memref<128xi32, #tpu.memory_space<vmem>>) target_semaphore(%run_scoped3A : memref<!tpu.dma_semaphore, #tpu.memory_space<semaphore_mem>>)
      %dma_wait3A_67 = tpu.memref_slice %arg3[%add3A_16] : memref<320000xi32, #tpu.memory_space<hbm>> -> memref<128xi32, #tpu.memory_space<hbm>>
      %dma_wait3A_68 = tpu.memref_slice %arg3[%add3A_16] : memref<320000xi32, #tpu.memory_space<hbm>> -> memref<128xi32, #tpu.memory_space<hbm>>
      tpu.wait_dma2 semaphore(%run_scoped3A : memref<!tpu.dma_semaphore, #tpu.memory_space<semaphore_mem>>) src(%dma_wait3A_68 : memref<128xi32, #tpu.memory_space<hbm>>) dst(%arg8 : memref<128xi32, #tpu.memory_space<vmem>>)
      tpu.yield
    }) : () -> ()
    %dma_start3A_17 = arith.constant 0 : i32
    %dma_start3A_18 = arith.constant 0 : i32
    %dma_start3A_19 = tpu.memref_slice %arg2[%dma_start3A_17, %dma_start3A_18] : memref<10000x128xf32, #tpu.memory_space<hbm>> -> memref<10000x128xf32, #tpu.memory_space<hbm>>
    tpu.enqueue_indirect_dma source(%dma_start3A_19 : memref<10000x128xf32, #tpu.memory_space<hbm>>) target(%arg12 : memref<128x128xf32, #tpu.memory_space<vmem>>) offsets(%arg8 : memref<128xi32, #tpu.memory_space<vmem>>) semaphore(%arg16 : memref<!tpu.dma_semaphore, #tpu.memory_space<semaphore_mem>>)
    %scan3A_20 = arith.constant 0 : i32
    %scan3A_21 = arith.constant 0 : i32
    %scan3A_22 = arith.constant 37 : i32
    %scan3A_23 = arith.addi %scan3A_21, %scan3A_22 : i32
    %scan3A_24 = arith.constant 1 : i32
    %scan3A_25 = scf.for %scan3A_65 = %scan3A_21 to %scan3A_23 step %scan3A_24 iter_args(%scan3A_66 = %scan3A_20) -> (i32)  : i32 {
      %mul3A_67 = arith.constant 2 : i32
      %mul3A_68 = arith.muli %scan3A_65, %mul3A_67 : i32
      %add3A_69 = arith.constant 0 : i32
      %add3A_70 = arith.addi %mul3A_68, %add3A_69 : i32
      %dma_wait3A_71 = arith.constant 0 : i32
      %dma_wait3A_72 = arith.constant 0 : i32
      %dma_wait3A_73 = tpu.memref_slice %arg2[%dma_wait3A_71, %dma_wait3A_72] : memref<10000x128xf32, #tpu.memory_space<hbm>> -> memref<10000x128xf32, #tpu.memory_space<hbm>>
      tpu.wait_indirect_dma semaphore(%arg15 : memref<!tpu.dma_semaphore, #tpu.memory_space<semaphore_mem>>) src(%dma_wait3A_73 : memref<10000x128xf32, #tpu.memory_space<hbm>>) dst(%arg11 : memref<128x128xf32, #tpu.memory_space<vmem>>)
      %mul3A_74 = arith.constant 128 : i32
      %mul3A_75 = arith.muli %add3A_70, %mul3A_74 : i32
      %add3A_76 = arith.addi %mul3A_4, %mul3A_75 : i32
      "tpu.region"() ({
        %run_scoped3A = tpu.sem_alloc : memref<!tpu.dma_semaphore, #tpu.memory_space<semaphore_mem>>
        %dma_start3A_102 = tpu.memref_slice %arg4[%add3A_76] : memref<320000xi32, #tpu.memory_space<hbm>> -> memref<128xi32, #tpu.memory_space<hbm>>
        %dma_start3A_103 = tpu.memref_slice %arg4[%add3A_76] : memref<320000xi32, #tpu.memory_space<hbm>> -> memref<128xi32, #tpu.memory_space<hbm>>
        tpu.enqueue_dma source(%dma_start3A_103 : memref<128xi32, #tpu.memory_space<hbm>>) target(%arg9 : memref<128xi32, #tpu.memory_space<vmem>>) target_semaphore(%run_scoped3A : memref<!tpu.dma_semaphore, #tpu.memory_space<semaphore_mem>>)
        %dma_wait3A_104 = tpu.memref_slice %arg4[%add3A_76] : memref<320000xi32, #tpu.memory_space<hbm>> -> memref<128xi32, #tpu.memory_space<hbm>>
        %dma_wait3A_105 = tpu.memref_slice %arg4[%add3A_76] : memref<320000xi32, #tpu.memory_space<hbm>> -> memref<128xi32, #tpu.memory_space<hbm>>
        tpu.wait_dma2 semaphore(%run_scoped3A : memref<!tpu.dma_semaphore, #tpu.memory_space<semaphore_mem>>) src(%dma_wait3A_105 : memref<128xi32, #tpu.memory_space<hbm>>) dst(%arg9 : memref<128xi32, #tpu.memory_space<vmem>>)
        tpu.yield
      }) : () -> ()
      "tpu.region"() ({
        %run_scoped3A = tpu.sem_alloc : memref<!tpu.dma_semaphore, #tpu.memory_space<semaphore_mem>>
        %dma_start3A_102 = arith.constant 0 : i32
        %dma_start3A_103 = arith.constant 0 : i32
        %dma_start3A_104 = tpu.memref_slice %arg14[%dma_start3A_102, %dma_start3A_103] : memref<10240x128xf32, #tpu.memory_space<vmem_shared>> -> memref<10240x128xf32, #tpu.memory_space<vmem_shared>>
        tpu.enqueue_indirect_dma source(%arg11 : memref<128x128xf32, #tpu.memory_space<vmem>>) target(%dma_start3A_104 : memref<10240x128xf32, #tpu.memory_space<vmem_shared>>) offsets(%arg9 : memref<128xi32, #tpu.memory_space<vmem>>) semaphore(%run_scoped3A : memref<!tpu.dma_semaphore, #tpu.memory_space<semaphore_mem>>) {add = true}
        %dma_wait3A_105 = arith.constant 0 : i32
        %dma_wait3A_106 = arith.constant 0 : i32
        %dma_wait3A_107 = tpu.memref_slice %arg14[%dma_wait3A_105, %dma_wait3A_106] : memref<10240x128xf32, #tpu.memory_space<vmem_shared>> -> memref<10240x128xf32, #tpu.memory_space<vmem_shared>>
        tpu.wait_indirect_dma semaphore(%run_scoped3A : memref<!tpu.dma_semaphore, #tpu.memory_space<semaphore_mem>>) src(%arg11 : memref<128x128xf32, #tpu.memory_space<vmem>>) dst(%dma_wait3A_107 : memref<10240x128xf32, #tpu.memory_space<vmem_shared>>)
        tpu.yield
      }) : () -> ()
      %add3A_77 = arith.constant 2 : i32
      %add3A_78 = arith.addi %add3A_70, %add3A_77 : i32
      %mul3A_79 = arith.constant 128 : i32
      %mul3A_80 = arith.muli %add3A_78, %mul3A_79 : i32
      %add3A_81 = arith.addi %mul3A_4, %mul3A_80 : i32
      "tpu.region"() ({
        %run_scoped3A = tpu.sem_alloc : memref<!tpu.dma_semaphore, #tpu.memory_space<semaphore_mem>>
        %dma_start3A_102 = tpu.memref_slice %arg3[%add3A_81] : memref<320000xi32, #tpu.memory_space<hbm>> -> memref<128xi32, #tpu.memory_space<hbm>>
        %dma_start3A_103 = tpu.memref_slice %arg3[%add3A_81] : memref<320000xi32, #tpu.memory_space<hbm>> -> memref<128xi32, #tpu.memory_space<hbm>>
        tpu.enqueue_dma source(%dma_start3A_103 : memref<128xi32, #tpu.memory_space<hbm>>) target(%arg7 : memref<128xi32, #tpu.memory_space<vmem>>) target_semaphore(%run_scoped3A : memref<!tpu.dma_semaphore, #tpu.memory_space<semaphore_mem>>)
        %dma_wait3A_104 = tpu.memref_slice %arg3[%add3A_81] : memref<320000xi32, #tpu.memory_space<hbm>> -> memref<128xi32, #tpu.memory_space<hbm>>
        %dma_wait3A_105 = tpu.memref_slice %arg3[%add3A_81] : memref<320000xi32, #tpu.memory_space<hbm>> -> memref<128xi32, #tpu.memory_space<hbm>>
        tpu.wait_dma2 semaphore(%run_scoped3A : memref<!tpu.dma_semaphore, #tpu.memory_space<semaphore_mem>>) src(%dma_wait3A_105 : memref<128xi32, #tpu.memory_space<hbm>>) dst(%arg7 : memref<128xi32, #tpu.memory_space<vmem>>)
        tpu.yield
      }) : () -> ()
      %dma_start3A_82 = arith.constant 0 : i32
      %dma_start3A_83 = arith.constant 0 : i32
      %dma_start3A_84 = tpu.memref_slice %arg2[%dma_start3A_82, %dma_start3A_83] : memref<10000x128xf32, #tpu.memory_space<hbm>> -> memref<10000x128xf32, #tpu.memory_space<hbm>>
      tpu.enqueue_indirect_dma source(%dma_start3A_84 : memref<10000x128xf32, #tpu.memory_space<hbm>>) target(%arg11 : memref<128x128xf32, #tpu.memory_space<vmem>>) offsets(%arg7 : memref<128xi32, #tpu.memory_space<vmem>>) semaphore(%arg15 : memref<!tpu.dma_semaphore, #tpu.memory_space<semaphore_mem>>)
      %add3A_85 = arith.constant 1 : i32
      %add3A_86 = arith.addi %mul3A_68, %add3A_85 : i32
      %dma_wait3A_87 = arith.constant 0 : i32
      %dma_wait3A_88 = arith.constant 0 : i32
      %dma_wait3A_89 = tpu.memref_slice %arg2[%dma_wait3A_87, %dma_wait3A_88] : memref<10000x128xf32, #tpu.memory_space<hbm>> -> memref<10000x128xf32, #tpu.memory_space<hbm>>
      tpu.wait_indirect_dma semaphore(%arg16 : memref<!tpu.dma_semaphore, #tpu.memory_space<semaphore_mem>>) src(%dma_wait3A_89 : memref<10000x128xf32, #tpu.memory_space<hbm>>) dst(%arg12 : memref<128x128xf32, #tpu.memory_space<vmem>>)
      %mul3A_90 = arith.constant 128 : i32
      %mul3A_91 = arith.muli %add3A_86, %mul3A_90 : i32
      %add3A_92 = arith.addi %mul3A_4, %mul3A_91 : i32
      "tpu.region"() ({
        %run_scoped3A = tpu.sem_alloc : memref<!tpu.dma_semaphore, #tpu.memory_space<semaphore_mem>>
        %dma_start3A_102 = tpu.memref_slice %arg4[%add3A_92] : memref<320000xi32, #tpu.memory_space<hbm>> -> memref<128xi32, #tpu.memory_space<hbm>>
        %dma_start3A_103 = tpu.memref_slice %arg4[%add3A_92] : memref<320000xi32, #tpu.memory_space<hbm>> -> memref<128xi32, #tpu.memory_space<hbm>>
        tpu.enqueue_dma source(%dma_start3A_103 : memref<128xi32, #tpu.memory_space<hbm>>) target(%arg9 : memref<128xi32, #tpu.memory_space<vmem>>) target_semaphore(%run_scoped3A : memref<!tpu.dma_semaphore, #tpu.memory_space<semaphore_mem>>)
        %dma_wait3A_104 = tpu.memref_slice %arg4[%add3A_92] : memref<320000xi32, #tpu.memory_space<hbm>> -> memref<128xi32, #tpu.memory_space<hbm>>
        %dma_wait3A_105 = tpu.memref_slice %arg4[%add3A_92] : memref<320000xi32, #tpu.memory_space<hbm>> -> memref<128xi32, #tpu.memory_space<hbm>>
        tpu.wait_dma2 semaphore(%run_scoped3A : memref<!tpu.dma_semaphore, #tpu.memory_space<semaphore_mem>>) src(%dma_wait3A_105 : memref<128xi32, #tpu.memory_space<hbm>>) dst(%arg9 : memref<128xi32, #tpu.memory_space<vmem>>)
        tpu.yield
      }) : () -> ()
      "tpu.region"() ({
        %run_scoped3A = tpu.sem_alloc : memref<!tpu.dma_semaphore, #tpu.memory_space<semaphore_mem>>
        %dma_start3A_102 = arith.constant 0 : i32
        %dma_start3A_103 = arith.constant 0 : i32
        %dma_start3A_104 = tpu.memref_slice %arg14[%dma_start3A_102, %dma_start3A_103] : memref<10240x128xf32, #tpu.memory_space<vmem_shared>> -> memref<10240x128xf32, #tpu.memory_space<vmem_shared>>
        tpu.enqueue_indirect_dma source(%arg12 : memref<128x128xf32, #tpu.memory_space<vmem>>) target(%dma_start3A_104 : memref<10240x128xf32, #tpu.memory_space<vmem_shared>>) offsets(%arg9 : memref<128xi32, #tpu.memory_space<vmem>>) semaphore(%run_scoped3A : memref<!tpu.dma_semaphore, #tpu.memory_space<semaphore_mem>>) {add = true}
        %dma_wait3A_105 = arith.constant 0 : i32
        %dma_wait3A_106 = arith.constant 0 : i32
        %dma_wait3A_107 = tpu.memref_slice %arg14[%dma_wait3A_105, %dma_wait3A_106] : memref<10240x128xf32, #tpu.memory_space<vmem_shared>> -> memref<10240x128xf32, #tpu.memory_space<vmem_shared>>
        tpu.wait_indirect_dma semaphore(%run_scoped3A : memref<!tpu.dma_semaphore, #tpu.memory_space<semaphore_mem>>) src(%arg12 : memref<128x128xf32, #tpu.memory_space<vmem>>) dst(%dma_wait3A_107 : memref<10240x128xf32, #tpu.memory_space<vmem_shared>>)
        tpu.yield
      }) : () -> ()
      %add3A_93 = arith.constant 2 : i32
      %add3A_94 = arith.addi %add3A_86, %add3A_93 : i32
      %mul3A_95 = arith.constant 128 : i32
      %mul3A_96 = arith.muli %add3A_94, %mul3A_95 : i32
      %add3A_97 = arith.addi %mul3A_4, %mul3A_96 : i32
      "tpu.region"() ({
        %run_scoped3A = tpu.sem_alloc : memref<!tpu.dma_semaphore, #tpu.memory_space<semaphore_mem>>
        %dma_start3A_102 = tpu.memref_slice %arg3[%add3A_97] : memref<320000xi32, #tpu.memory_space<hbm>> -> memref<128xi32, #tpu.memory_space<hbm>>
        %dma_start3A_103 = tpu.memref_slice %arg3[%add3A_97] : memref<320000xi32, #tpu.memory_space<hbm>> -> memref<128xi32, #tpu.memory_space<hbm>>
        tpu.enqueue_dma source(%dma_start3A_103 : memref<128xi32, #tpu.memory_space<hbm>>) target(%arg8 : memref<128xi32, #tpu.memory_space<vmem>>) target_semaphore(%run_scoped3A : memref<!tpu.dma_semaphore, #tpu.memory_space<semaphore_mem>>)
        %dma_wait3A_104 = tpu.memref_slice %arg3[%add3A_97] : memref<320000xi32, #tpu.memory_space<hbm>> -> memref<128xi32, #tpu.memory_space<hbm>>
        %dma_wait3A_105 = tpu.memref_slice %arg3[%add3A_97] : memref<320000xi32, #tpu.memory_space<hbm>> -> memref<128xi32, #tpu.memory_space<hbm>>
        tpu.wait_dma2 semaphore(%run_scoped3A : memref<!tpu.dma_semaphore, #tpu.memory_space<semaphore_mem>>) src(%dma_wait3A_105 : memref<128xi32, #tpu.memory_space<hbm>>) dst(%arg8 : memref<128xi32, #tpu.memory_space<vmem>>)
        tpu.yield
      }) : () -> ()
      %dma_start3A_98 = arith.constant 0 : i32
      %dma_start3A_99 = arith.constant 0 : i32
      %dma_start3A_100 = tpu.memref_slice %arg2[%dma_start3A_98, %dma_start3A_99] : memref<10000x128xf32, #tpu.memory_space<hbm>> -> memref<10000x128xf32, #tpu.memory_space<hbm>>
      tpu.enqueue_indirect_dma source(%dma_start3A_100 : memref<10000x128xf32, #tpu.memory_space<hbm>>) target(%arg12 : memref<128x128xf32, #tpu.memory_space<vmem>>) offsets(%arg8 : memref<128xi32, #tpu.memory_space<vmem>>) semaphore(%arg16 : memref<!tpu.dma_semaphore, #tpu.memory_space<semaphore_mem>>)
      %scan3A_101 = arith.constant 0 : i32
      scf.yield %scan3A_101 : i32
    }
    %scan3A_26 = arith.constant 37 : i32
    %dma_wait3A = arith.constant 0 : i32
    %dma_wait3A_27 = arith.constant 0 : i32
    %dma_wait3A_28 = tpu.memref_slice %arg2[%dma_wait3A, %dma_wait3A_27] : memref<10000x128xf32, #tpu.memory_space<hbm>> -> memref<10000x128xf32, #tpu.memory_space<hbm>>
    tpu.wait_indirect_dma semaphore(%arg15 : memref<!tpu.dma_semaphore, #tpu.memory_space<semaphore_mem>>) src(%dma_wait3A_28 : memref<10000x128xf32, #tpu.memory_space<hbm>>) dst(%arg11 : memref<128x128xf32, #tpu.memory_space<vmem>>)
    %add3A_29 = arith.constant 9472 : i32
    %add3A_30 = arith.addi %mul3A_4, %add3A_29 : i32
    "tpu.region"() ({
      %run_scoped3A = tpu.sem_alloc : memref<!tpu.dma_semaphore, #tpu.memory_space<semaphore_mem>>
      %dma_start3A_65 = tpu.memref_slice %arg4[%add3A_30] : memref<320000xi32, #tpu.memory_space<hbm>> -> memref<128xi32, #tpu.memory_space<hbm>>
      %dma_start3A_66 = tpu.memref_slice %arg4[%add3A_30] : memref<320000xi32, #tpu.memory_space<hbm>> -> memref<128xi32, #tpu.memory_space<hbm>>
      tpu.enqueue_dma source(%dma_start3A_66 : memref<128xi32, #tpu.memory_space<hbm>>) target(%arg9 : memref<128xi32, #tpu.memory_space<vmem>>) target_semaphore(%run_scoped3A : memref<!tpu.dma_semaphore, #tpu.memory_space<semaphore_mem>>)
      %dma_wait3A_67 = tpu.memref_slice %arg4[%add3A_30] : memref<320000xi32, #tpu.memory_space<hbm>> -> memref<128xi32, #tpu.memory_space<hbm>>
      %dma_wait3A_68 = tpu.memref_slice %arg4[%add3A_30] : memref<320000xi32, #tpu.memory_space<hbm>> -> memref<128xi32, #tpu.memory_space<hbm>>
      tpu.wait_dma2 semaphore(%run_scoped3A : memref<!tpu.dma_semaphore, #tpu.memory_space<semaphore_mem>>) src(%dma_wait3A_68 : memref<128xi32, #tpu.memory_space<hbm>>) dst(%arg9 : memref<128xi32, #tpu.memory_space<vmem>>)
      tpu.yield
    }) : () -> ()
    "tpu.region"() ({
      %run_scoped3A = tpu.sem_alloc : memref<!tpu.dma_semaphore, #tpu.memory_space<semaphore_mem>>
      %dma_start3A_65 = arith.constant 0 : i32
      %dma_start3A_66 = arith.constant 0 : i32
      %dma_start3A_67 = tpu.memref_slice %arg14[%dma_start3A_65, %dma_start3A_66] : memref<10240x128xf32, #tpu.memory_space<vmem_shared>> -> memref<10240x128xf32, #tpu.memory_space<vmem_shared>>
      tpu.enqueue_indirect_dma source(%arg11 : memref<128x128xf32, #tpu.memory_space<vmem>>) target(%dma_start3A_67 : memref<10240x128xf32, #tpu.memory_space<vmem_shared>>) offsets(%arg9 : memref<128xi32, #tpu.memory_space<vmem>>) semaphore(%run_scoped3A : memref<!tpu.dma_semaphore, #tpu.memory_space<semaphore_mem>>) {add = true}
      %dma_wait3A_68 = arith.constant 0 : i32
      %dma_wait3A_69 = arith.constant 0 : i32
      %dma_wait3A_70 = tpu.memref_slice %arg14[%dma_wait3A_68, %dma_wait3A_69] : memref<10240x128xf32, #tpu.memory_space<vmem_shared>> -> memref<10240x128xf32, #tpu.memory_space<vmem_shared>>
      tpu.wait_indirect_dma semaphore(%run_scoped3A : memref<!tpu.dma_semaphore, #tpu.memory_space<semaphore_mem>>) src(%arg11 : memref<128x128xf32, #tpu.memory_space<vmem>>) dst(%dma_wait3A_70 : memref<10240x128xf32, #tpu.memory_space<vmem_shared>>)
      tpu.yield
    }) : () -> ()
    %add3A_31 = arith.constant 9728 : i32
    %add3A_32 = arith.addi %mul3A_4, %add3A_31 : i32
    "tpu.region"() ({
      %run_scoped3A = tpu.sem_alloc : memref<!tpu.dma_semaphore, #tpu.memory_space<semaphore_mem>>
      %dma_start3A_65 = tpu.memref_slice %arg3[%add3A_32] : memref<320000xi32, #tpu.memory_space<hbm>> -> memref<128xi32, #tpu.memory_space<hbm>>
      %dma_start3A_66 = tpu.memref_slice %arg3[%add3A_32] : memref<320000xi32, #tpu.memory_space<hbm>> -> memref<128xi32, #tpu.memory_space<hbm>>
      tpu.enqueue_dma source(%dma_start3A_66 : memref<128xi32, #tpu.memory_space<hbm>>) target(%arg7 : memref<128xi32, #tpu.memory_space<vmem>>) target_semaphore(%run_scoped3A : memref<!tpu.dma_semaphore, #tpu.memory_space<semaphore_mem>>)
      %dma_wait3A_67 = tpu.memref_slice %arg3[%add3A_32] : memref<320000xi32, #tpu.memory_space<hbm>> -> memref<128xi32, #tpu.memory_space<hbm>>
      %dma_wait3A_68 = tpu.memref_slice %arg3[%add3A_32] : memref<320000xi32, #tpu.memory_space<hbm>> -> memref<128xi32, #tpu.memory_space<hbm>>
      tpu.wait_dma2 semaphore(%run_scoped3A : memref<!tpu.dma_semaphore, #tpu.memory_space<semaphore_mem>>) src(%dma_wait3A_68 : memref<128xi32, #tpu.memory_space<hbm>>) dst(%arg7 : memref<128xi32, #tpu.memory_space<vmem>>)
      tpu.yield
    }) : () -> ()
    %dma_start3A_33 = arith.constant 0 : i32
    %dma_start3A_34 = arith.constant 0 : i32
    %dma_start3A_35 = tpu.memref_slice %arg2[%dma_start3A_33, %dma_start3A_34] : memref<10000x128xf32, #tpu.memory_space<hbm>> -> memref<10000x128xf32, #tpu.memory_space<hbm>>
    tpu.enqueue_indirect_dma source(%dma_start3A_35 : memref<10000x128xf32, #tpu.memory_space<hbm>>) target(%arg11 : memref<128x128xf32, #tpu.memory_space<vmem>>) offsets(%arg7 : memref<128xi32, #tpu.memory_space<vmem>>) semaphore(%arg15 : memref<!tpu.dma_semaphore, #tpu.memory_space<semaphore_mem>>)
    %dma_wait3A_36 = arith.constant 0 : i32
    %dma_wait3A_37 = arith.constant 0 : i32
    %dma_wait3A_38 = tpu.memref_slice %arg2[%dma_wait3A_36, %dma_wait3A_37] : memref<10000x128xf32, #tpu.memory_space<hbm>> -> memref<10000x128xf32, #tpu.memory_space<hbm>>
    tpu.wait_indirect_dma semaphore(%arg16 : memref<!tpu.dma_semaphore, #tpu.memory_space<semaphore_mem>>) src(%dma_wait3A_38 : memref<10000x128xf32, #tpu.memory_space<hbm>>) dst(%arg12 : memref<128x128xf32, #tpu.memory_space<vmem>>)
    %add3A_39 = arith.constant 9600 : i32
    %add3A_40 = arith.addi %mul3A_4, %add3A_39 : i32
    "tpu.region"() ({
      %run_scoped3A = tpu.sem_alloc : memref<!tpu.dma_semaphore, #tpu.memory_space<semaphore_mem>>
      %dma_start3A_65 = tpu.memref_slice %arg4[%add3A_40] : memref<320000xi32, #tpu.memory_space<hbm>> -> memref<128xi32, #tpu.memory_space<hbm>>
      %dma_start3A_66 = tpu.memref_slice %arg4[%add3A_40] : memref<320000xi32, #tpu.memory_space<hbm>> -> memref<128xi32, #tpu.memory_space<hbm>>
      tpu.enqueue_dma source(%dma_start3A_66 : memref<128xi32, #tpu.memory_space<hbm>>) target(%arg9 : memref<128xi32, #tpu.memory_space<vmem>>) target_semaphore(%run_scoped3A : memref<!tpu.dma_semaphore, #tpu.memory_space<semaphore_mem>>)
      %dma_wait3A_67 = tpu.memref_slice %arg4[%add3A_40] : memref<320000xi32, #tpu.memory_space<hbm>> -> memref<128xi32, #tpu.memory_space<hbm>>
      %dma_wait3A_68 = tpu.memref_slice %arg4[%add3A_40] : memref<320000xi32, #tpu.memory_space<hbm>> -> memref<128xi32, #tpu.memory_space<hbm>>
      tpu.wait_dma2 semaphore(%run_scoped3A : memref<!tpu.dma_semaphore, #tpu.memory_space<semaphore_mem>>) src(%dma_wait3A_68 : memref<128xi32, #tpu.memory_space<hbm>>) dst(%arg9 : memref<128xi32, #tpu.memory_space<vmem>>)
      tpu.yield
    }) : () -> ()
    "tpu.region"() ({
      %run_scoped3A = tpu.sem_alloc : memref<!tpu.dma_semaphore, #tpu.memory_space<semaphore_mem>>
      %dma_start3A_65 = arith.constant 0 : i32
      %dma_start3A_66 = arith.constant 0 : i32
      %dma_start3A_67 = tpu.memref_slice %arg14[%dma_start3A_65, %dma_start3A_66] : memref<10240x128xf32, #tpu.memory_space<vmem_shared>> -> memref<10240x128xf32, #tpu.memory_space<vmem_shared>>
      tpu.enqueue_indirect_dma source(%arg12 : memref<128x128xf32, #tpu.memory_space<vmem>>) target(%dma_start3A_67 : memref<10240x128xf32, #tpu.memory_space<vmem_shared>>) offsets(%arg9 : memref<128xi32, #tpu.memory_space<vmem>>) semaphore(%run_scoped3A : memref<!tpu.dma_semaphore, #tpu.memory_space<semaphore_mem>>) {add = true}
      %dma_wait3A_68 = arith.constant 0 : i32
      %dma_wait3A_69 = arith.constant 0 : i32
      %dma_wait3A_70 = tpu.memref_slice %arg14[%dma_wait3A_68, %dma_wait3A_69] : memref<10240x128xf32, #tpu.memory_space<vmem_shared>> -> memref<10240x128xf32, #tpu.memory_space<vmem_shared>>
      tpu.wait_indirect_dma semaphore(%run_scoped3A : memref<!tpu.dma_semaphore, #tpu.memory_space<semaphore_mem>>) src(%arg12 : memref<128x128xf32, #tpu.memory_space<vmem>>) dst(%dma_wait3A_70 : memref<10240x128xf32, #tpu.memory_space<vmem_shared>>)
      tpu.yield
    }) : () -> ()
    %add3A_41 = arith.constant 9856 : i32
    %add3A_42 = arith.addi %mul3A_4, %add3A_41 : i32
    "tpu.region"() ({
      %run_scoped3A = tpu.sem_alloc : memref<!tpu.dma_semaphore, #tpu.memory_space<semaphore_mem>>
      %dma_start3A_65 = tpu.memref_slice %arg3[%add3A_42] : memref<320000xi32, #tpu.memory_space<hbm>> -> memref<128xi32, #tpu.memory_space<hbm>>
      %dma_start3A_66 = tpu.memref_slice %arg3[%add3A_42] : memref<320000xi32, #tpu.memory_space<hbm>> -> memref<128xi32, #tpu.memory_space<hbm>>
      tpu.enqueue_dma source(%dma_start3A_66 : memref<128xi32, #tpu.memory_space<hbm>>) target(%arg8 : memref<128xi32, #tpu.memory_space<vmem>>) target_semaphore(%run_scoped3A : memref<!tpu.dma_semaphore, #tpu.memory_space<semaphore_mem>>)
      %dma_wait3A_67 = tpu.memref_slice %arg3[%add3A_42] : memref<320000xi32, #tpu.memory_space<hbm>> -> memref<128xi32, #tpu.memory_space<hbm>>
      %dma_wait3A_68 = tpu.memref_slice %arg3[%add3A_42] : memref<320000xi32, #tpu.memory_space<hbm>> -> memref<128xi32, #tpu.memory_space<hbm>>
      tpu.wait_dma2 semaphore(%run_scoped3A : memref<!tpu.dma_semaphore, #tpu.memory_space<semaphore_mem>>) src(%dma_wait3A_68 : memref<128xi32, #tpu.memory_space<hbm>>) dst(%arg8 : memref<128xi32, #tpu.memory_space<vmem>>)
      tpu.yield
    }) : () -> ()
    %dma_start3A_43 = arith.constant 0 : i32
    %dma_start3A_44 = arith.constant 0 : i32
    %dma_start3A_45 = tpu.memref_slice %arg2[%dma_start3A_43, %dma_start3A_44] : memref<10000x128xf32, #tpu.memory_space<hbm>> -> memref<10000x128xf32, #tpu.memory_space<hbm>>
    tpu.enqueue_indirect_dma source(%dma_start3A_45 : memref<10000x128xf32, #tpu.memory_space<hbm>>) target(%arg12 : memref<128x128xf32, #tpu.memory_space<vmem>>) offsets(%arg8 : memref<128xi32, #tpu.memory_space<vmem>>) semaphore(%arg16 : memref<!tpu.dma_semaphore, #tpu.memory_space<semaphore_mem>>)
    %dma_wait3A_46 = arith.constant 0 : i32
    %dma_wait3A_47 = arith.constant 0 : i32
    %dma_wait3A_48 = tpu.memref_slice %arg2[%dma_wait3A_46, %dma_wait3A_47] : memref<10000x128xf32, #tpu.memory_space<hbm>> -> memref<10000x128xf32, #tpu.memory_space<hbm>>
    tpu.wait_indirect_dma semaphore(%arg15 : memref<!tpu.dma_semaphore, #tpu.memory_space<semaphore_mem>>) src(%dma_wait3A_48 : memref<10000x128xf32, #tpu.memory_space<hbm>>) dst(%arg11 : memref<128x128xf32, #tpu.memory_space<vmem>>)
    %add3A_49 = arith.constant 9728 : i32
    %add3A_50 = arith.addi %mul3A_4, %add3A_49 : i32
    "tpu.region"() ({
      %run_scoped3A = tpu.sem_alloc : memref<!tpu.dma_semaphore, #tpu.memory_space<semaphore_mem>>
      %dma_start3A_65 = tpu.memref_slice %arg4[%add3A_50] : memref<320000xi32, #tpu.memory_space<hbm>> -> memref<128xi32, #tpu.memory_space<hbm>>
      %dma_start3A_66 = tpu.memref_slice %arg4[%add3A_50] : memref<320000xi32, #tpu.memory_space<hbm>> -> memref<128xi32, #tpu.memory_space<hbm>>
      tpu.enqueue_dma source(%dma_start3A_66 : memref<128xi32, #tpu.memory_space<hbm>>) target(%arg9 : memref<128xi32, #tpu.memory_space<vmem>>) target_semaphore(%run_scoped3A : memref<!tpu.dma_semaphore, #tpu.memory_space<semaphore_mem>>)
      %dma_wait3A_67 = tpu.memref_slice %arg4[%add3A_50] : memref<320000xi32, #tpu.memory_space<hbm>> -> memref<128xi32, #tpu.memory_space<hbm>>
      %dma_wait3A_68 = tpu.memref_slice %arg4[%add3A_50] : memref<320000xi32, #tpu.memory_space<hbm>> -> memref<128xi32, #tpu.memory_space<hbm>>
      tpu.wait_dma2 semaphore(%run_scoped3A : memref<!tpu.dma_semaphore, #tpu.memory_space<semaphore_mem>>) src(%dma_wait3A_68 : memref<128xi32, #tpu.memory_space<hbm>>) dst(%arg9 : memref<128xi32, #tpu.memory_space<vmem>>)
      tpu.yield
    }) : () -> ()
    "tpu.region"() ({
      %run_scoped3A = tpu.sem_alloc : memref<!tpu.dma_semaphore, #tpu.memory_space<semaphore_mem>>
      %dma_start3A_65 = arith.constant 0 : i32
      %dma_start3A_66 = arith.constant 0 : i32
      %dma_start3A_67 = tpu.memref_slice %arg14[%dma_start3A_65, %dma_start3A_66] : memref<10240x128xf32, #tpu.memory_space<vmem_shared>> -> memref<10240x128xf32, #tpu.memory_space<vmem_shared>>
      tpu.enqueue_indirect_dma source(%arg11 : memref<128x128xf32, #tpu.memory_space<vmem>>) target(%dma_start3A_67 : memref<10240x128xf32, #tpu.memory_space<vmem_shared>>) offsets(%arg9 : memref<128xi32, #tpu.memory_space<vmem>>) semaphore(%run_scoped3A : memref<!tpu.dma_semaphore, #tpu.memory_space<semaphore_mem>>) {add = true}
      %dma_wait3A_68 = arith.constant 0 : i32
      %dma_wait3A_69 = arith.constant 0 : i32
      %dma_wait3A_70 = tpu.memref_slice %arg14[%dma_wait3A_68, %dma_wait3A_69] : memref<10240x128xf32, #tpu.memory_space<vmem_shared>> -> memref<10240x128xf32, #tpu.memory_space<vmem_shared>>
      tpu.wait_indirect_dma semaphore(%run_scoped3A : memref<!tpu.dma_semaphore, #tpu.memory_space<semaphore_mem>>) src(%arg11 : memref<128x128xf32, #tpu.memory_space<vmem>>) dst(%dma_wait3A_70 : memref<10240x128xf32, #tpu.memory_space<vmem_shared>>)
      tpu.yield
    }) : () -> ()
    %dma_wait3A_51 = arith.constant 0 : i32
    %dma_wait3A_52 = arith.constant 0 : i32
    %dma_wait3A_53 = tpu.memref_slice %arg2[%dma_wait3A_51, %dma_wait3A_52] : memref<10000x128xf32, #tpu.memory_space<hbm>> -> memref<10000x128xf32, #tpu.memory_space<hbm>>
    tpu.wait_indirect_dma semaphore(%arg16 : memref<!tpu.dma_semaphore, #tpu.memory_space<semaphore_mem>>) src(%dma_wait3A_53 : memref<10000x128xf32, #tpu.memory_space<hbm>>) dst(%arg12 : memref<128x128xf32, #tpu.memory_space<vmem>>)
    %add3A_54 = arith.constant 9856 : i32
    %add3A_55 = arith.addi %mul3A_4, %add3A_54 : i32
    "tpu.region"() ({
      %run_scoped3A = tpu.sem_alloc : memref<!tpu.dma_semaphore, #tpu.memory_space<semaphore_mem>>
      %dma_start3A_65 = tpu.memref_slice %arg4[%add3A_55] : memref<320000xi32, #tpu.memory_space<hbm>> -> memref<128xi32, #tpu.memory_space<hbm>>
      %dma_start3A_66 = tpu.memref_slice %arg4[%add3A_55] : memref<320000xi32, #tpu.memory_space<hbm>> -> memref<128xi32, #tpu.memory_space<hbm>>
      tpu.enqueue_dma source(%dma_start3A_66 : memref<128xi32, #tpu.memory_space<hbm>>) target(%arg9 : memref<128xi32, #tpu.memory_space<vmem>>) target_semaphore(%run_scoped3A : memref<!tpu.dma_semaphore, #tpu.memory_space<semaphore_mem>>)
      %dma_wait3A_67 = tpu.memref_slice %arg4[%add3A_55] : memref<320000xi32, #tpu.memory_space<hbm>> -> memref<128xi32, #tpu.memory_space<hbm>>
      %dma_wait3A_68 = tpu.memref_slice %arg4[%add3A_55] : memref<320000xi32, #tpu.memory_space<hbm>> -> memref<128xi32, #tpu.memory_space<hbm>>
      tpu.wait_dma2 semaphore(%run_scoped3A : memref<!tpu.dma_semaphore, #tpu.memory_space<semaphore_mem>>) src(%dma_wait3A_68 : memref<128xi32, #tpu.memory_space<hbm>>) dst(%arg9 : memref<128xi32, #tpu.memory_space<vmem>>)
      tpu.yield
    }) : () -> ()
    "tpu.region"() ({
      %run_scoped3A = tpu.sem_alloc : memref<!tpu.dma_semaphore, #tpu.memory_space<semaphore_mem>>
      %dma_start3A_65 = arith.constant 0 : i32
      %dma_start3A_66 = arith.constant 0 : i32
      %dma_start3A_67 = tpu.memref_slice %arg14[%dma_start3A_65, %dma_start3A_66] : memref<10240x128xf32, #tpu.memory_space<vmem_shared>> -> memref<10240x128xf32, #tpu.memory_space<vmem_shared>>
      tpu.enqueue_indirect_dma source(%arg12 : memref<128x128xf32, #tpu.memory_space<vmem>>) target(%dma_start3A_67 : memref<10240x128xf32, #tpu.memory_space<vmem_shared>>) offsets(%arg9 : memref<128xi32, #tpu.memory_space<vmem>>) semaphore(%run_scoped3A : memref<!tpu.dma_semaphore, #tpu.memory_space<semaphore_mem>>) {add = true}
      %dma_wait3A_68 = arith.constant 0 : i32
      %dma_wait3A_69 = arith.constant 0 : i32
      %dma_wait3A_70 = tpu.memref_slice %arg14[%dma_wait3A_68, %dma_wait3A_69] : memref<10240x128xf32, #tpu.memory_space<vmem_shared>> -> memref<10240x128xf32, #tpu.memory_space<vmem_shared>>
      tpu.wait_indirect_dma semaphore(%run_scoped3A : memref<!tpu.dma_semaphore, #tpu.memory_space<semaphore_mem>>) src(%arg12 : memref<128x128xf32, #tpu.memory_space<vmem>>) dst(%dma_wait3A_70 : memref<10240x128xf32, #tpu.memory_space<vmem_shared>>)
      tpu.yield
    }) : () -> ()
    %add3A_56 = arith.constant 9984 : i32
    %add3A_57 = arith.addi %mul3A_4, %add3A_56 : i32
    "tpu.region"() ({
      %run_scoped3A = tpu.sem_alloc : memref<!tpu.dma_semaphore, #tpu.memory_space<semaphore_mem>>
      %dma_start3A_65 = tpu.memref_slice %arg3[%add3A_57] : memref<320000xi32, #tpu.memory_space<hbm>> -> memref<16xi32, #tpu.memory_space<hbm>>
      %dma_start3A_66 = tpu.memref_slice %arg3[%add3A_57] : memref<320000xi32, #tpu.memory_space<hbm>> -> memref<16xi32, #tpu.memory_space<hbm>>
      tpu.enqueue_dma source(%dma_start3A_66 : memref<16xi32, #tpu.memory_space<hbm>>) target(%arg10 : memref<16xi32, #tpu.memory_space<vmem>>) target_semaphore(%run_scoped3A : memref<!tpu.dma_semaphore, #tpu.memory_space<semaphore_mem>>)
      %dma_wait3A_67 = tpu.memref_slice %arg3[%add3A_57] : memref<320000xi32, #tpu.memory_space<hbm>> -> memref<16xi32, #tpu.memory_space<hbm>>
      %dma_wait3A_68 = tpu.memref_slice %arg3[%add3A_57] : memref<320000xi32, #tpu.memory_space<hbm>> -> memref<16xi32, #tpu.memory_space<hbm>>
      tpu.wait_dma2 semaphore(%run_scoped3A : memref<!tpu.dma_semaphore, #tpu.memory_space<semaphore_mem>>) src(%dma_wait3A_68 : memref<16xi32, #tpu.memory_space<hbm>>) dst(%arg10 : memref<16xi32, #tpu.memory_space<vmem>>)
      tpu.yield
    }) : () -> ()
    %dma_start3A_58 = arith.constant 0 : i32
    %dma_start3A_59 = arith.constant 0 : i32
    %dma_start3A_60 = tpu.memref_slice %arg2[%dma_start3A_58, %dma_start3A_59] : memref<10000x128xf32, #tpu.memory_space<hbm>> -> memref<10000x128xf32, #tpu.memory_space<hbm>>
    tpu.enqueue_indirect_dma source(%dma_start3A_60 : memref<10000x128xf32, #tpu.memory_space<hbm>>) target(%arg13 : memref<16x128xf32, #tpu.memory_space<vmem>>) offsets(%arg10 : memref<16xi32, #tpu.memory_space<vmem>>) semaphore(%arg17 : memref<!tpu.dma_semaphore, #tpu.memory_space<semaphore_mem>>)
    %dma_wait3A_61 = arith.constant 0 : i32
    %dma_wait3A_62 = arith.constant 0 : i32
    %dma_wait3A_63 = tpu.memref_slice %arg2[%dma_wait3A_61, %dma_wait3A_62] : memref<10000x128xf32, #tpu.memory_space<hbm>> -> memref<10000x128xf32, #tpu.memory_space<hbm>>
    tpu.wait_indirect_dma semaphore(%arg17 : memref<!tpu.dma_semaphore, #tpu.memory_space<semaphore_mem>>) src(%dma_wait3A_63 : memref<10000x128xf32, #tpu.memory_space<hbm>>) dst(%arg13 : memref<16x128xf32, #tpu.memory_space<vmem>>)
    "tpu.region"() ({
      %run_scoped3A = tpu.sem_alloc : memref<!tpu.dma_semaphore, #tpu.memory_space<semaphore_mem>>
      %dma_start3A_65 = tpu.memref_slice %arg4[%add3A_57] : memref<320000xi32, #tpu.memory_space<hbm>> -> memref<16xi32, #tpu.memory_space<hbm>>
      %dma_start3A_66 = tpu.memref_slice %arg4[%add3A_57] : memref<320000xi32, #tpu.memory_space<hbm>> -> memref<16xi32, #tpu.memory_space<hbm>>
      tpu.enqueue_dma source(%dma_start3A_66 : memref<16xi32, #tpu.memory_space<hbm>>) target(%arg10 : memref<16xi32, #tpu.memory_space<vmem>>) target_semaphore(%run_scoped3A : memref<!tpu.dma_semaphore, #tpu.memory_space<semaphore_mem>>)
      %dma_wait3A_67 = tpu.memref_slice %arg4[%add3A_57] : memref<320000xi32, #tpu.memory_space<hbm>> -> memref<16xi32, #tpu.memory_space<hbm>>
      %dma_wait3A_68 = tpu.memref_slice %arg4[%add3A_57] : memref<320000xi32, #tpu.memory_space<hbm>> -> memref<16xi32, #tpu.memory_space<hbm>>
      tpu.wait_dma2 semaphore(%run_scoped3A : memref<!tpu.dma_semaphore, #tpu.memory_space<semaphore_mem>>) src(%dma_wait3A_68 : memref<16xi32, #tpu.memory_space<hbm>>) dst(%arg10 : memref<16xi32, #tpu.memory_space<vmem>>)
      tpu.yield
    }) : () -> ()
    "tpu.region"() ({
      %run_scoped3A = tpu.sem_alloc : memref<!tpu.dma_semaphore, #tpu.memory_space<semaphore_mem>>
      %dma_start3A_65 = arith.constant 0 : i32
      %dma_start3A_66 = arith.constant 0 : i32
      %dma_start3A_67 = tpu.memref_slice %arg14[%dma_start3A_65, %dma_start3A_66] : memref<10240x128xf32, #tpu.memory_space<vmem_shared>> -> memref<10240x128xf32, #tpu.memory_space<vmem_shared>>
      tpu.enqueue_indirect_dma source(%arg13 : memref<16x128xf32, #tpu.memory_space<vmem>>) target(%dma_start3A_67 : memref<10240x128xf32, #tpu.memory_space<vmem_shared>>) offsets(%arg10 : memref<16xi32, #tpu.memory_space<vmem>>) semaphore(%run_scoped3A : memref<!tpu.dma_semaphore, #tpu.memory_space<semaphore_mem>>) {add = true}
      %dma_wait3A_68 = arith.constant 0 : i32
      %dma_wait3A_69 = arith.constant 0 : i32
      %dma_wait3A_70 = tpu.memref_slice %arg14[%dma_wait3A_68, %dma_wait3A_69] : memref<10240x128xf32, #tpu.memory_space<vmem_shared>> -> memref<10240x128xf32, #tpu.memory_space<vmem_shared>>
      tpu.wait_indirect_dma semaphore(%run_scoped3A : memref<!tpu.dma_semaphore, #tpu.memory_space<semaphore_mem>>) src(%arg13 : memref<16x128xf32, #tpu.memory_space<vmem>>) dst(%dma_wait3A_70 : memref<10240x128xf32, #tpu.memory_space<vmem_shared>>)
      tpu.yield
    }) : () -> ()
    %barrier3A_64 = arith.constant 0 : index
    tpu.barrier barrier_id(%barrier3A_64)
    "tpu.region"() ({
      %run_scoped3A = tpu.sem_alloc : memref<!tpu.dma_semaphore, #tpu.memory_space<semaphore_mem>>
      %dma_start3A_65 = arith.constant 0 : i32
      %dma_start3A_66 = tpu.memref_slice %arg6[%arg0, %mul3A_2, %dma_start3A_65] : memref<2x10240x128xf32, #tpu.memory_space<hbm>> -> memref<1x640x128xf32, #tpu.memory_space<hbm>>
      %dma_start3A_67 = tpu.memref_squeeze %dma_start3A_66 : memref<1x640x128xf32, #tpu.memory_space<hbm>> -> memref<640x128xf32, #tpu.memory_space<hbm>>
      %dma_start3A_68 = arith.constant 0 : i32
      %dma_start3A_69 = tpu.memref_slice %arg14[%mul3A_2, %dma_start3A_68] : memref<10240x128xf32, #tpu.memory_space<vmem_shared>> -> memref<640x128xf32, #tpu.memory_space<vmem_shared>>
      tpu.enqueue_dma source(%dma_start3A_69 : memref<640x128xf32, #tpu.memory_space<vmem_shared>>) target(%dma_start3A_67 : memref<640x128xf32, #tpu.memory_space<hbm>>) target_semaphore(%run_scoped3A : memref<!tpu.dma_semaphore, #tpu.memory_space<semaphore_mem>>)
      %dma_wait3A_70 = arith.constant 0 : i32
      %dma_wait3A_71 = tpu.memref_slice %arg6[%arg0, %mul3A_2, %dma_wait3A_70] : memref<2x10240x128xf32, #tpu.memory_space<hbm>> -> memref<1x640x128xf32, #tpu.memory_space<hbm>>
      %dma_wait3A_72 = tpu.memref_squeeze %dma_wait3A_71 : memref<1x640x128xf32, #tpu.memory_space<hbm>> -> memref<640x128xf32, #tpu.memory_space<hbm>>
      %dma_wait3A_73 = arith.constant 0 : i32
      %dma_wait3A_74 = tpu.memref_slice %arg14[%mul3A_2, %dma_wait3A_73] : memref<10240x128xf32, #tpu.memory_space<vmem_shared>> -> memref<640x128xf32, #tpu.memory_space<vmem_shared>>
      tpu.wait_dma2 semaphore(%run_scoped3A : memref<!tpu.dma_semaphore, #tpu.memory_space<semaphore_mem>>) src(%dma_wait3A_74 : memref<640x128xf32, #tpu.memory_space<vmem_shared>>) dst(%dma_wait3A_72 : memref<640x128xf32, #tpu.memory_space<hbm>>)
      tpu.yield
    }) : () -> ()
    return
  }
}

#map = affine_map<(d0, d1) -> (0, 0)>
#map1 = affine_map<(d0, d1) -> (0)>
#map2 = affine_map<(d0, d1) -> (0, 0, 0)>
module attributes {stable_mosaic.version = 14 : i64} {
  func.func @_sc_aggregate(%arg0: i32, %arg1: i32, %arg2: memref<10000x128xf32, #tpu.memory_space<hbm>>, %arg3: memref<320000xi32, #tpu.memory_space<hbm>>, %arg4: memref<320000xi32, #tpu.memory_space<hbm>>, %arg5: memref<128x128xf32, #tpu.memory_space<hbm>>, %arg6: memref<2x10240x128xf32, #tpu.memory_space<hbm>>, %arg7: memref<128xi32, #tpu.memory_space<vmem>>, %arg8: memref<128xi32, #tpu.memory_space<vmem>>, %arg9: memref<128xi32, #tpu.memory_space<vmem>>, %arg10: memref<16xi32, #tpu.memory_space<vmem>>, %arg11: memref<128x128xf32, #tpu.memory_space<vmem>>, %arg12: memref<128x128xf32, #tpu.memory_space<vmem>>, %arg13: memref<16x128xf32, #tpu.memory_space<vmem>>, %arg14: memref<10240x128xf32, #tpu.memory_space<vmem_shared>>, %arg15: memref<!tpu.dma_semaphore, #tpu.memory_space<semaphore_mem>>, %arg16: memref<!tpu.dma_semaphore, #tpu.memory_space<semaphore_mem>>, %arg17: memref<!tpu.dma_semaphore, #tpu.memory_space<semaphore_mem>>) attributes {dimension_semantics = [#tpu.dimension_semantics<core_parallel>, #tpu.dimension_semantics<subcore_parallel>], iteration_bounds = array<i64: 2, 16>, scalar_prefetch = 0 : i64, scratch_operands = 11 : i64, tpu.core_type = #tpu.core_type<sc_vector_subcore>, window_params = [{transform_indices = #map}, {transform_indices = #map1}, {transform_indices = #map1}, {transform_indices = #map}, {transform_indices = #map2}]} {
    %mul3A = arith.constant 16 : i32
    %mul3A_0 = arith.muli %arg0, %mul3A : i32
    %add3A = arith.addi %mul3A_0, %arg1 : i32
    %mul3A_1 = arith.constant 640 : i32
    %mul3A_2 = arith.muli %arg1, %mul3A_1 : i32
    %mul3A_3 = arith.constant 10000 : i32
    %mul3A_4 = arith.muli %add3A, %mul3A_3 : i32
    %scan3A = arith.constant 0 : i32
    %scan3A_5 = arith.constant 0 : i32
    %scan3A_6 = arith.constant 5 : i32
    %scan3A_7 = arith.addi %scan3A_5, %scan3A_6 : i32
    %scan3A_8 = arith.constant 1 : i32
    %scan3A_9 = scf.for %scan3A_65 = %scan3A_5 to %scan3A_7 step %scan3A_8 iter_args(%scan3A_66 = %scan3A) -> (i32)  : i32 {
      %mul3A_67 = arith.constant 128 : i32
      %mul3A_68 = arith.muli %scan3A_65, %mul3A_67 : i32
      %add3A_69 = arith.addi %mul3A_2, %mul3A_68 : i32
      "tpu.region"() ({
        %run_scoped3A = tpu.sem_alloc : memref<!tpu.dma_semaphore, #tpu.memory_space<semaphore_mem>>
        %dma_start3A_71 = arith.constant 0 : i32
        %dma_start3A_72 = tpu.memref_slice %arg14[%add3A_69, %dma_start3A_71] : memref<10240x128xf32, #tpu.memory_space<vmem_shared>> -> memref<128x128xf32, #tpu.memory_space<vmem_shared>>
        tpu.enqueue_dma source(%arg5 : memref<128x128xf32, #tpu.memory_space<hbm>>) target(%dma_start3A_72 : memref<128x128xf32, #tpu.memory_space<vmem_shared>>) target_semaphore(%run_scoped3A : memref<!tpu.dma_semaphore, #tpu.memory_space<semaphore_mem>>)
        %dma_wait3A_73 = arith.constant 0 : i32
        %dma_wait3A_74 = tpu.memref_slice %arg14[%add3A_69, %dma_wait3A_73] : memref<10240x128xf32, #tpu.memory_space<vmem_shared>> -> memref<128x128xf32, #tpu.memory_space<vmem_shared>>
        tpu.wait_dma2 semaphore(%run_scoped3A : memref<!tpu.dma_semaphore, #tpu.memory_space<semaphore_mem>>) src(%arg5 : memref<128x128xf32, #tpu.memory_space<hbm>>) dst(%dma_wait3A_74 : memref<128x128xf32, #tpu.memory_space<vmem_shared>>)
        tpu.yield
      }) : () -> ()
      %scan3A_70 = arith.constant 0 : i32
      scf.yield %scan3A_70 : i32
    }
    %scan3A_10 = arith.constant 5 : i32
    %barrier3A = arith.constant 0 : index
    tpu.barrier barrier_id(%barrier3A)
    %add3A_11 = arith.constant 0 : i32
    %add3A_12 = arith.addi %mul3A_4, %add3A_11 : i32
    "tpu.region"() ({
      %run_scoped3A = tpu.sem_alloc : memref<!tpu.dma_semaphore, #tpu.memory_space<semaphore_mem>>
      %dma_start3A_65 = tpu.memref_slice %arg3[%add3A_12] : memref<320000xi32, #tpu.memory_space<hbm>> -> memref<128xi32, #tpu.memory_space<hbm>>
      %dma_start3A_66 = tpu.memref_slice %arg3[%add3A_12] : memref<320000xi32, #tpu.memory_space<hbm>> -> memref<128xi32, #tpu.memory_space<hbm>>
      tpu.enqueue_dma source(%dma_start3A_66 : memref<128xi32, #tpu.memory_space<hbm>>) target(%arg7 : memref<128xi32, #tpu.memory_space<vmem>>) target_semaphore(%run_scoped3A : memref<!tpu.dma_semaphore, #tpu.memory_space<semaphore_mem>>)
      %dma_wait3A_67 = tpu.memref_slice %arg3[%add3A_12] : memref<320000xi32, #tpu.memory_space<hbm>> -> memref<128xi32, #tpu.memory_space<hbm>>
      %dma_wait3A_68 = tpu.memref_slice %arg3[%add3A_12] : memref<320000xi32, #tpu.memory_space<hbm>> -> memref<128xi32, #tpu.memory_space<hbm>>
      tpu.wait_dma2 semaphore(%run_scoped3A : memref<!tpu.dma_semaphore, #tpu.memory_space<semaphore_mem>>) src(%dma_wait3A_68 : memref<128xi32, #tpu.memory_space<hbm>>) dst(%arg7 : memref<128xi32, #tpu.memory_space<vmem>>)
      tpu.yield
    }) : () -> ()
    %dma_start3A = arith.constant 0 : i32
    %dma_start3A_13 = arith.constant 0 : i32
    %dma_start3A_14 = tpu.memref_slice %arg2[%dma_start3A, %dma_start3A_13] : memref<10000x128xf32, #tpu.memory_space<hbm>> -> memref<10000x128xf32, #tpu.memory_space<hbm>>
    tpu.enqueue_indirect_dma source(%dma_start3A_14 : memref<10000x128xf32, #tpu.memory_space<hbm>>) target(%arg11 : memref<128x128xf32, #tpu.memory_space<vmem>>) offsets(%arg7 : memref<128xi32, #tpu.memory_space<vmem>>) semaphore(%arg15 : memref<!tpu.dma_semaphore, #tpu.memory_space<semaphore_mem>>)
    %add3A_15 = arith.constant 128 : i32
    %add3A_16 = arith.addi %mul3A_4, %add3A_15 : i32
    "tpu.region"() ({
      %run_scoped3A = tpu.sem_alloc : memref<!tpu.dma_semaphore, #tpu.memory_space<semaphore_mem>>
      %dma_start3A_65 = tpu.memref_slice %arg3[%add3A_16] : memref<320000xi32, #tpu.memory_space<hbm>> -> memref<128xi32, #tpu.memory_space<hbm>>
      %dma_start3A_66 = tpu.memref_slice %arg3[%add3A_16] : memref<320000xi32, #tpu.memory_space<hbm>> -> memref<128xi32, #tpu.memory_space<hbm>>
      tpu.enqueue_dma source(%dma_start3A_66 : memref<128xi32, #tpu.memory_space<hbm>>) target(%arg8 : memref<128xi32, #tpu.memory_space<vmem>>) target_semaphore(%run_scoped3A : memref<!tpu.dma_semaphore, #tpu.memory_space<semaphore_mem>>)
      %dma_wait3A_67 = tpu.memref_slice %arg3[%add3A_16] : memref<320000xi32, #tpu.memory_space<hbm>> -> memref<128xi32, #tpu.memory_space<hbm>>
      %dma_wait3A_68 = tpu.memref_slice %arg3[%add3A_16] : memref<320000xi32, #tpu.memory_space<hbm>> -> memref<128xi32, #tpu.memory_space<hbm>>
      tpu.wait_dma2 semaphore(%run_scoped3A : memref<!tpu.dma_semaphore, #tpu.memory_space<semaphore_mem>>) src(%dma_wait3A_68 : memref<128xi32, #tpu.memory_space<hbm>>) dst(%arg8 : memref<128xi32, #tpu.memory_space<vmem>>)
      tpu.yield
    }) : () -> ()
    %dma_start3A_17 = arith.constant 0 : i32
    %dma_start3A_18 = arith.constant 0 : i32
    %dma_start3A_19 = tpu.memref_slice %arg2[%dma_start3A_17, %dma_start3A_18] : memref<10000x128xf32, #tpu.memory_space<hbm>> -> memref<10000x128xf32, #tpu.memory_space<hbm>>
    tpu.enqueue_indirect_dma source(%dma_start3A_19 : memref<10000x128xf32, #tpu.memory_space<hbm>>) target(%arg12 : memref<128x128xf32, #tpu.memory_space<vmem>>) offsets(%arg8 : memref<128xi32, #tpu.memory_space<vmem>>) semaphore(%arg16 : memref<!tpu.dma_semaphore, #tpu.memory_space<semaphore_mem>>)
    %scan3A_20 = arith.constant 0 : i32
    %scan3A_21 = arith.constant 0 : i32
    %scan3A_22 = arith.constant 37 : i32
    %scan3A_23 = arith.addi %scan3A_21, %scan3A_22 : i32
    %scan3A_24 = arith.constant 1 : i32
    %scan3A_25 = scf.for %scan3A_65 = %scan3A_21 to %scan3A_23 step %scan3A_24 iter_args(%scan3A_66 = %scan3A_20) -> (i32)  : i32 {
      %mul3A_67 = arith.constant 2 : i32
      %mul3A_68 = arith.muli %scan3A_65, %mul3A_67 : i32
      %add3A_69 = arith.constant 0 : i32
      %add3A_70 = arith.addi %mul3A_68, %add3A_69 : i32
      %dma_wait3A_71 = arith.constant 0 : i32
      %dma_wait3A_72 = arith.constant 0 : i32
      %dma_wait3A_73 = tpu.memref_slice %arg2[%dma_wait3A_71, %dma_wait3A_72] : memref<10000x128xf32, #tpu.memory_space<hbm>> -> memref<10000x128xf32, #tpu.memory_space<hbm>>
      tpu.wait_indirect_dma semaphore(%arg15 : memref<!tpu.dma_semaphore, #tpu.memory_space<semaphore_mem>>) src(%dma_wait3A_73 : memref<10000x128xf32, #tpu.memory_space<hbm>>) dst(%arg11 : memref<128x128xf32, #tpu.memory_space<vmem>>)
      %mul3A_74 = arith.constant 128 : i32
      %mul3A_75 = arith.muli %add3A_70, %mul3A_74 : i32
      %add3A_76 = arith.addi %mul3A_4, %mul3A_75 : i32
      "tpu.region"() ({
        %run_scoped3A = tpu.sem_alloc : memref<!tpu.dma_semaphore, #tpu.memory_space<semaphore_mem>>
        %dma_start3A_102 = tpu.memref_slice %arg4[%add3A_76] : memref<320000xi32, #tpu.memory_space<hbm>> -> memref<128xi32, #tpu.memory_space<hbm>>
        %dma_start3A_103 = tpu.memref_slice %arg4[%add3A_76] : memref<320000xi32, #tpu.memory_space<hbm>> -> memref<128xi32, #tpu.memory_space<hbm>>
        tpu.enqueue_dma source(%dma_start3A_103 : memref<128xi32, #tpu.memory_space<hbm>>) target(%arg9 : memref<128xi32, #tpu.memory_space<vmem>>) target_semaphore(%run_scoped3A : memref<!tpu.dma_semaphore, #tpu.memory_space<semaphore_mem>>)
        %dma_wait3A_104 = tpu.memref_slice %arg4[%add3A_76] : memref<320000xi32, #tpu.memory_space<hbm>> -> memref<128xi32, #tpu.memory_space<hbm>>
        %dma_wait3A_105 = tpu.memref_slice %arg4[%add3A_76] : memref<320000xi32, #tpu.memory_space<hbm>> -> memref<128xi32, #tpu.memory_space<hbm>>
        tpu.wait_dma2 semaphore(%run_scoped3A : memref<!tpu.dma_semaphore, #tpu.memory_space<semaphore_mem>>) src(%dma_wait3A_105 : memref<128xi32, #tpu.memory_space<hbm>>) dst(%arg9 : memref<128xi32, #tpu.memory_space<vmem>>)
        tpu.yield
      }) : () -> ()
      "tpu.region"() ({
        %run_scoped3A = tpu.sem_alloc : memref<!tpu.dma_semaphore, #tpu.memory_space<semaphore_mem>>
        %dma_start3A_102 = arith.constant 0 : i32
        %dma_start3A_103 = arith.constant 0 : i32
        %dma_start3A_104 = tpu.memref_slice %arg14[%dma_start3A_102, %dma_start3A_103] : memref<10240x128xf32, #tpu.memory_space<vmem_shared>> -> memref<10240x128xf32, #tpu.memory_space<vmem_shared>>
        tpu.enqueue_indirect_dma source(%arg11 : memref<128x128xf32, #tpu.memory_space<vmem>>) target(%dma_start3A_104 : memref<10240x128xf32, #tpu.memory_space<vmem_shared>>) offsets(%arg9 : memref<128xi32, #tpu.memory_space<vmem>>) semaphore(%run_scoped3A : memref<!tpu.dma_semaphore, #tpu.memory_space<semaphore_mem>>) {add = true}
        %dma_wait3A_105 = arith.constant 0 : i32
        %dma_wait3A_106 = arith.constant 0 : i32
        %dma_wait3A_107 = tpu.memref_slice %arg14[%dma_wait3A_105, %dma_wait3A_106] : memref<10240x128xf32, #tpu.memory_space<vmem_shared>> -> memref<10240x128xf32, #tpu.memory_space<vmem_shared>>
        tpu.wait_indirect_dma semaphore(%run_scoped3A : memref<!tpu.dma_semaphore, #tpu.memory_space<semaphore_mem>>) src(%arg11 : memref<128x128xf32, #tpu.memory_space<vmem>>) dst(%dma_wait3A_107 : memref<10240x128xf32, #tpu.memory_space<vmem_shared>>)
        tpu.yield
      }) : () -> ()
      %add3A_77 = arith.constant 2 : i32
      %add3A_78 = arith.addi %add3A_70, %add3A_77 : i32
      %mul3A_79 = arith.constant 128 : i32
      %mul3A_80 = arith.muli %add3A_78, %mul3A_79 : i32
      %add3A_81 = arith.addi %mul3A_4, %mul3A_80 : i32
      "tpu.region"() ({
        %run_scoped3A = tpu.sem_alloc : memref<!tpu.dma_semaphore, #tpu.memory_space<semaphore_mem>>
        %dma_start3A_102 = tpu.memref_slice %arg3[%add3A_81] : memref<320000xi32, #tpu.memory_space<hbm>> -> memref<128xi32, #tpu.memory_space<hbm>>
        %dma_start3A_103 = tpu.memref_slice %arg3[%add3A_81] : memref<320000xi32, #tpu.memory_space<hbm>> -> memref<128xi32, #tpu.memory_space<hbm>>
        tpu.enqueue_dma source(%dma_start3A_103 : memref<128xi32, #tpu.memory_space<hbm>>) target(%arg7 : memref<128xi32, #tpu.memory_space<vmem>>) target_semaphore(%run_scoped3A : memref<!tpu.dma_semaphore, #tpu.memory_space<semaphore_mem>>)
        %dma_wait3A_104 = tpu.memref_slice %arg3[%add3A_81] : memref<320000xi32, #tpu.memory_space<hbm>> -> memref<128xi32, #tpu.memory_space<hbm>>
        %dma_wait3A_105 = tpu.memref_slice %arg3[%add3A_81] : memref<320000xi32, #tpu.memory_space<hbm>> -> memref<128xi32, #tpu.memory_space<hbm>>
        tpu.wait_dma2 semaphore(%run_scoped3A : memref<!tpu.dma_semaphore, #tpu.memory_space<semaphore_mem>>) src(%dma_wait3A_105 : memref<128xi32, #tpu.memory_space<hbm>>) dst(%arg7 : memref<128xi32, #tpu.memory_space<vmem>>)
        tpu.yield
      }) : () -> ()
      %dma_start3A_82 = arith.constant 0 : i32
      %dma_start3A_83 = arith.constant 0 : i32
      %dma_start3A_84 = tpu.memref_slice %arg2[%dma_start3A_82, %dma_start3A_83] : memref<10000x128xf32, #tpu.memory_space<hbm>> -> memref<10000x128xf32, #tpu.memory_space<hbm>>
      tpu.enqueue_indirect_dma source(%dma_start3A_84 : memref<10000x128xf32, #tpu.memory_space<hbm>>) target(%arg11 : memref<128x128xf32, #tpu.memory_space<vmem>>) offsets(%arg7 : memref<128xi32, #tpu.memory_space<vmem>>) semaphore(%arg15 : memref<!tpu.dma_semaphore, #tpu.memory_space<semaphore_mem>>)
      %add3A_85 = arith.constant 1 : i32
      %add3A_86 = arith.addi %mul3A_68, %add3A_85 : i32
      %dma_wait3A_87 = arith.constant 0 : i32
      %dma_wait3A_88 = arith.constant 0 : i32
      %dma_wait3A_89 = tpu.memref_slice %arg2[%dma_wait3A_87, %dma_wait3A_88] : memref<10000x128xf32, #tpu.memory_space<hbm>> -> memref<10000x128xf32, #tpu.memory_space<hbm>>
      tpu.wait_indirect_dma semaphore(%arg16 : memref<!tpu.dma_semaphore, #tpu.memory_space<semaphore_mem>>) src(%dma_wait3A_89 : memref<10000x128xf32, #tpu.memory_space<hbm>>) dst(%arg12 : memref<128x128xf32, #tpu.memory_space<vmem>>)
      %mul3A_90 = arith.constant 128 : i32
      %mul3A_91 = arith.muli %add3A_86, %mul3A_90 : i32
      %add3A_92 = arith.addi %mul3A_4, %mul3A_91 : i32
      "tpu.region"() ({
        %run_scoped3A = tpu.sem_alloc : memref<!tpu.dma_semaphore, #tpu.memory_space<semaphore_mem>>
        %dma_start3A_102 = tpu.memref_slice %arg4[%add3A_92] : memref<320000xi32, #tpu.memory_space<hbm>> -> memref<128xi32, #tpu.memory_space<hbm>>
        %dma_start3A_103 = tpu.memref_slice %arg4[%add3A_92] : memref<320000xi32, #tpu.memory_space<hbm>> -> memref<128xi32, #tpu.memory_space<hbm>>
        tpu.enqueue_dma source(%dma_start3A_103 : memref<128xi32, #tpu.memory_space<hbm>>) target(%arg9 : memref<128xi32, #tpu.memory_space<vmem>>) target_semaphore(%run_scoped3A : memref<!tpu.dma_semaphore, #tpu.memory_space<semaphore_mem>>)
        %dma_wait3A_104 = tpu.memref_slice %arg4[%add3A_92] : memref<320000xi32, #tpu.memory_space<hbm>> -> memref<128xi32, #tpu.memory_space<hbm>>
        %dma_wait3A_105 = tpu.memref_slice %arg4[%add3A_92] : memref<320000xi32, #tpu.memory_space<hbm>> -> memref<128xi32, #tpu.memory_space<hbm>>
        tpu.wait_dma2 semaphore(%run_scoped3A : memref<!tpu.dma_semaphore, #tpu.memory_space<semaphore_mem>>) src(%dma_wait3A_105 : memref<128xi32, #tpu.memory_space<hbm>>) dst(%arg9 : memref<128xi32, #tpu.memory_space<vmem>>)
        tpu.yield
      }) : () -> ()
      "tpu.region"() ({
        %run_scoped3A = tpu.sem_alloc : memref<!tpu.dma_semaphore, #tpu.memory_space<semaphore_mem>>
        %dma_start3A_102 = arith.constant 0 : i32
        %dma_start3A_103 = arith.constant 0 : i32
        %dma_start3A_104 = tpu.memref_slice %arg14[%dma_start3A_102, %dma_start3A_103] : memref<10240x128xf32, #tpu.memory_space<vmem_shared>> -> memref<10240x128xf32, #tpu.memory_space<vmem_shared>>
        tpu.enqueue_indirect_dma source(%arg12 : memref<128x128xf32, #tpu.memory_space<vmem>>) target(%dma_start3A_104 : memref<10240x128xf32, #tpu.memory_space<vmem_shared>>) offsets(%arg9 : memref<128xi32, #tpu.memory_space<vmem>>) semaphore(%run_scoped3A : memref<!tpu.dma_semaphore, #tpu.memory_space<semaphore_mem>>) {add = true}
        %dma_wait3A_105 = arith.constant 0 : i32
        %dma_wait3A_106 = arith.constant 0 : i32
        %dma_wait3A_107 = tpu.memref_slice %arg14[%dma_wait3A_105, %dma_wait3A_106] : memref<10240x128xf32, #tpu.memory_space<vmem_shared>> -> memref<10240x128xf32, #tpu.memory_space<vmem_shared>>
        tpu.wait_indirect_dma semaphore(%run_scoped3A : memref<!tpu.dma_semaphore, #tpu.memory_space<semaphore_mem>>) src(%arg12 : memref<128x128xf32, #tpu.memory_space<vmem>>) dst(%dma_wait3A_107 : memref<10240x128xf32, #tpu.memory_space<vmem_shared>>)
        tpu.yield
      }) : () -> ()
      %add3A_93 = arith.constant 2 : i32
      %add3A_94 = arith.addi %add3A_86, %add3A_93 : i32
      %mul3A_95 = arith.constant 128 : i32
      %mul3A_96 = arith.muli %add3A_94, %mul3A_95 : i32
      %add3A_97 = arith.addi %mul3A_4, %mul3A_96 : i32
      "tpu.region"() ({
        %run_scoped3A = tpu.sem_alloc : memref<!tpu.dma_semaphore, #tpu.memory_space<semaphore_mem>>
        %dma_start3A_102 = tpu.memref_slice %arg3[%add3A_97] : memref<320000xi32, #tpu.memory_space<hbm>> -> memref<128xi32, #tpu.memory_space<hbm>>
        %dma_start3A_103 = tpu.memref_slice %arg3[%add3A_97] : memref<320000xi32, #tpu.memory_space<hbm>> -> memref<128xi32, #tpu.memory_space<hbm>>
        tpu.enqueue_dma source(%dma_start3A_103 : memref<128xi32, #tpu.memory_space<hbm>>) target(%arg8 : memref<128xi32, #tpu.memory_space<vmem>>) target_semaphore(%run_scoped3A : memref<!tpu.dma_semaphore, #tpu.memory_space<semaphore_mem>>)
        %dma_wait3A_104 = tpu.memref_slice %arg3[%add3A_97] : memref<320000xi32, #tpu.memory_space<hbm>> -> memref<128xi32, #tpu.memory_space<hbm>>
        %dma_wait3A_105 = tpu.memref_slice %arg3[%add3A_97] : memref<320000xi32, #tpu.memory_space<hbm>> -> memref<128xi32, #tpu.memory_space<hbm>>
        tpu.wait_dma2 semaphore(%run_scoped3A : memref<!tpu.dma_semaphore, #tpu.memory_space<semaphore_mem>>) src(%dma_wait3A_105 : memref<128xi32, #tpu.memory_space<hbm>>) dst(%arg8 : memref<128xi32, #tpu.memory_space<vmem>>)
        tpu.yield
      }) : () -> ()
      %dma_start3A_98 = arith.constant 0 : i32
      %dma_start3A_99 = arith.constant 0 : i32
      %dma_start3A_100 = tpu.memref_slice %arg2[%dma_start3A_98, %dma_start3A_99] : memref<10000x128xf32, #tpu.memory_space<hbm>> -> memref<10000x128xf32, #tpu.memory_space<hbm>>
      tpu.enqueue_indirect_dma source(%dma_start3A_100 : memref<10000x128xf32, #tpu.memory_space<hbm>>) target(%arg12 : memref<128x128xf32, #tpu.memory_space<vmem>>) offsets(%arg8 : memref<128xi32, #tpu.memory_space<vmem>>) semaphore(%arg16 : memref<!tpu.dma_semaphore, #tpu.memory_space<semaphore_mem>>)
      %scan3A_101 = arith.constant 0 : i32
      scf.yield %scan3A_101 : i32
    }
    %scan3A_26 = arith.constant 37 : i32
    %dma_wait3A = arith.constant 0 : i32
    %dma_wait3A_27 = arith.constant 0 : i32
    %dma_wait3A_28 = tpu.memref_slice %arg2[%dma_wait3A, %dma_wait3A_27] : memref<10000x128xf32, #tpu.memory_space<hbm>> -> memref<10000x128xf32, #tpu.memory_space<hbm>>
    tpu.wait_indirect_dma semaphore(%arg15 : memref<!tpu.dma_semaphore, #tpu.memory_space<semaphore_mem>>) src(%dma_wait3A_28 : memref<10000x128xf32, #tpu.memory_space<hbm>>) dst(%arg11 : memref<128x128xf32, #tpu.memory_space<vmem>>)
    %add3A_29 = arith.constant 9472 : i32
    %add3A_30 = arith.addi %mul3A_4, %add3A_29 : i32
    "tpu.region"() ({
      %run_scoped3A = tpu.sem_alloc : memref<!tpu.dma_semaphore, #tpu.memory_space<semaphore_mem>>
      %dma_start3A_65 = tpu.memref_slice %arg4[%add3A_30] : memref<320000xi32, #tpu.memory_space<hbm>> -> memref<128xi32, #tpu.memory_space<hbm>>
      %dma_start3A_66 = tpu.memref_slice %arg4[%add3A_30] : memref<320000xi32, #tpu.memory_space<hbm>> -> memref<128xi32, #tpu.memory_space<hbm>>
      tpu.enqueue_dma source(%dma_start3A_66 : memref<128xi32, #tpu.memory_space<hbm>>) target(%arg9 : memref<128xi32, #tpu.memory_space<vmem>>) target_semaphore(%run_scoped3A : memref<!tpu.dma_semaphore, #tpu.memory_space<semaphore_mem>>)
      %dma_wait3A_67 = tpu.memref_slice %arg4[%add3A_30] : memref<320000xi32, #tpu.memory_space<hbm>> -> memref<128xi32, #tpu.memory_space<hbm>>
      %dma_wait3A_68 = tpu.memref_slice %arg4[%add3A_30] : memref<320000xi32, #tpu.memory_space<hbm>> -> memref<128xi32, #tpu.memory_space<hbm>>
      tpu.wait_dma2 semaphore(%run_scoped3A : memref<!tpu.dma_semaphore, #tpu.memory_space<semaphore_mem>>) src(%dma_wait3A_68 : memref<128xi32, #tpu.memory_space<hbm>>) dst(%arg9 : memref<128xi32, #tpu.memory_space<vmem>>)
      tpu.yield
    }) : () -> ()
    "tpu.region"() ({
      %run_scoped3A = tpu.sem_alloc : memref<!tpu.dma_semaphore, #tpu.memory_space<semaphore_mem>>
      %dma_start3A_65 = arith.constant 0 : i32
      %dma_start3A_66 = arith.constant 0 : i32
      %dma_start3A_67 = tpu.memref_slice %arg14[%dma_start3A_65, %dma_start3A_66] : memref<10240x128xf32, #tpu.memory_space<vmem_shared>> -> memref<10240x128xf32, #tpu.memory_space<vmem_shared>>
      tpu.enqueue_indirect_dma source(%arg11 : memref<128x128xf32, #tpu.memory_space<vmem>>) target(%dma_start3A_67 : memref<10240x128xf32, #tpu.memory_space<vmem_shared>>) offsets(%arg9 : memref<128xi32, #tpu.memory_space<vmem>>) semaphore(%run_scoped3A : memref<!tpu.dma_semaphore, #tpu.memory_space<semaphore_mem>>) {add = true}
      %dma_wait3A_68 = arith.constant 0 : i32
      %dma_wait3A_69 = arith.constant 0 : i32
      %dma_wait3A_70 = tpu.memref_slice %arg14[%dma_wait3A_68, %dma_wait3A_69] : memref<10240x128xf32, #tpu.memory_space<vmem_shared>> -> memref<10240x128xf32, #tpu.memory_space<vmem_shared>>
      tpu.wait_indirect_dma semaphore(%run_scoped3A : memref<!tpu.dma_semaphore, #tpu.memory_space<semaphore_mem>>) src(%arg11 : memref<128x128xf32, #tpu.memory_space<vmem>>) dst(%dma_wait3A_70 : memref<10240x128xf32, #tpu.memory_space<vmem_shared>>)
      tpu.yield
    }) : () -> ()
    %add3A_31 = arith.constant 9728 : i32
    %add3A_32 = arith.addi %mul3A_4, %add3A_31 : i32
    "tpu.region"() ({
      %run_scoped3A = tpu.sem_alloc : memref<!tpu.dma_semaphore, #tpu.memory_space<semaphore_mem>>
      %dma_start3A_65 = tpu.memref_slice %arg3[%add3A_32] : memref<320000xi32, #tpu.memory_space<hbm>> -> memref<128xi32, #tpu.memory_space<hbm>>
      %dma_start3A_66 = tpu.memref_slice %arg3[%add3A_32] : memref<320000xi32, #tpu.memory_space<hbm>> -> memref<128xi32, #tpu.memory_space<hbm>>
      tpu.enqueue_dma source(%dma_start3A_66 : memref<128xi32, #tpu.memory_space<hbm>>) target(%arg7 : memref<128xi32, #tpu.memory_space<vmem>>) target_semaphore(%run_scoped3A : memref<!tpu.dma_semaphore, #tpu.memory_space<semaphore_mem>>)
      %dma_wait3A_67 = tpu.memref_slice %arg3[%add3A_32] : memref<320000xi32, #tpu.memory_space<hbm>> -> memref<128xi32, #tpu.memory_space<hbm>>
      %dma_wait3A_68 = tpu.memref_slice %arg3[%add3A_32] : memref<320000xi32, #tpu.memory_space<hbm>> -> memref<128xi32, #tpu.memory_space<hbm>>
      tpu.wait_dma2 semaphore(%run_scoped3A : memref<!tpu.dma_semaphore, #tpu.memory_space<semaphore_mem>>) src(%dma_wait3A_68 : memref<128xi32, #tpu.memory_space<hbm>>) dst(%arg7 : memref<128xi32, #tpu.memory_space<vmem>>)
      tpu.yield
    }) : () -> ()
    %dma_start3A_33 = arith.constant 0 : i32
    %dma_start3A_34 = arith.constant 0 : i32
    %dma_start3A_35 = tpu.memref_slice %arg2[%dma_start3A_33, %dma_start3A_34] : memref<10000x128xf32, #tpu.memory_space<hbm>> -> memref<10000x128xf32, #tpu.memory_space<hbm>>
    tpu.enqueue_indirect_dma source(%dma_start3A_35 : memref<10000x128xf32, #tpu.memory_space<hbm>>) target(%arg11 : memref<128x128xf32, #tpu.memory_space<vmem>>) offsets(%arg7 : memref<128xi32, #tpu.memory_space<vmem>>) semaphore(%arg15 : memref<!tpu.dma_semaphore, #tpu.memory_space<semaphore_mem>>)
    %dma_wait3A_36 = arith.constant 0 : i32
    %dma_wait3A_37 = arith.constant 0 : i32
    %dma_wait3A_38 = tpu.memref_slice %arg2[%dma_wait3A_36, %dma_wait3A_37] : memref<10000x128xf32, #tpu.memory_space<hbm>> -> memref<10000x128xf32, #tpu.memory_space<hbm>>
    tpu.wait_indirect_dma semaphore(%arg16 : memref<!tpu.dma_semaphore, #tpu.memory_space<semaphore_mem>>) src(%dma_wait3A_38 : memref<10000x128xf32, #tpu.memory_space<hbm>>) dst(%arg12 : memref<128x128xf32, #tpu.memory_space<vmem>>)
    %add3A_39 = arith.constant 9600 : i32
    %add3A_40 = arith.addi %mul3A_4, %add3A_39 : i32
    "tpu.region"() ({
      %run_scoped3A = tpu.sem_alloc : memref<!tpu.dma_semaphore, #tpu.memory_space<semaphore_mem>>
      %dma_start3A_65 = tpu.memref_slice %arg4[%add3A_40] : memref<320000xi32, #tpu.memory_space<hbm>> -> memref<128xi32, #tpu.memory_space<hbm>>
      %dma_start3A_66 = tpu.memref_slice %arg4[%add3A_40] : memref<320000xi32, #tpu.memory_space<hbm>> -> memref<128xi32, #tpu.memory_space<hbm>>
      tpu.enqueue_dma source(%dma_start3A_66 : memref<128xi32, #tpu.memory_space<hbm>>) target(%arg9 : memref<128xi32, #tpu.memory_space<vmem>>) target_semaphore(%run_scoped3A : memref<!tpu.dma_semaphore, #tpu.memory_space<semaphore_mem>>)
      %dma_wait3A_67 = tpu.memref_slice %arg4[%add3A_40] : memref<320000xi32, #tpu.memory_space<hbm>> -> memref<128xi32, #tpu.memory_space<hbm>>
      %dma_wait3A_68 = tpu.memref_slice %arg4[%add3A_40] : memref<320000xi32, #tpu.memory_space<hbm>> -> memref<128xi32, #tpu.memory_space<hbm>>
      tpu.wait_dma2 semaphore(%run_scoped3A : memref<!tpu.dma_semaphore, #tpu.memory_space<semaphore_mem>>) src(%dma_wait3A_68 : memref<128xi32, #tpu.memory_space<hbm>>) dst(%arg9 : memref<128xi32, #tpu.memory_space<vmem>>)
      tpu.yield
    }) : () -> ()
    "tpu.region"() ({
      %run_scoped3A = tpu.sem_alloc : memref<!tpu.dma_semaphore, #tpu.memory_space<semaphore_mem>>
      %dma_start3A_65 = arith.constant 0 : i32
      %dma_start3A_66 = arith.constant 0 : i32
      %dma_start3A_67 = tpu.memref_slice %arg14[%dma_start3A_65, %dma_start3A_66] : memref<10240x128xf32, #tpu.memory_space<vmem_shared>> -> memref<10240x128xf32, #tpu.memory_space<vmem_shared>>
      tpu.enqueue_indirect_dma source(%arg12 : memref<128x128xf32, #tpu.memory_space<vmem>>) target(%dma_start3A_67 : memref<10240x128xf32, #tpu.memory_space<vmem_shared>>) offsets(%arg9 : memref<128xi32, #tpu.memory_space<vmem>>) semaphore(%run_scoped3A : memref<!tpu.dma_semaphore, #tpu.memory_space<semaphore_mem>>) {add = true}
      %dma_wait3A_68 = arith.constant 0 : i32
      %dma_wait3A_69 = arith.constant 0 : i32
      %dma_wait3A_70 = tpu.memref_slice %arg14[%dma_wait3A_68, %dma_wait3A_69] : memref<10240x128xf32, #tpu.memory_space<vmem_shared>> -> memref<10240x128xf32, #tpu.memory_space<vmem_shared>>
      tpu.wait_indirect_dma semaphore(%run_scoped3A : memref<!tpu.dma_semaphore, #tpu.memory_space<semaphore_mem>>) src(%arg12 : memref<128x128xf32, #tpu.memory_space<vmem>>) dst(%dma_wait3A_70 : memref<10240x128xf32, #tpu.memory_space<vmem_shared>>)
      tpu.yield
    }) : () -> ()
    %add3A_41 = arith.constant 9856 : i32
    %add3A_42 = arith.addi %mul3A_4, %add3A_41 : i32
    "tpu.region"() ({
      %run_scoped3A = tpu.sem_alloc : memref<!tpu.dma_semaphore, #tpu.memory_space<semaphore_mem>>
      %dma_start3A_65 = tpu.memref_slice %arg3[%add3A_42] : memref<320000xi32, #tpu.memory_space<hbm>> -> memref<128xi32, #tpu.memory_space<hbm>>
      %dma_start3A_66 = tpu.memref_slice %arg3[%add3A_42] : memref<320000xi32, #tpu.memory_space<hbm>> -> memref<128xi32, #tpu.memory_space<hbm>>
      tpu.enqueue_dma source(%dma_start3A_66 : memref<128xi32, #tpu.memory_space<hbm>>) target(%arg8 : memref<128xi32, #tpu.memory_space<vmem>>) target_semaphore(%run_scoped3A : memref<!tpu.dma_semaphore, #tpu.memory_space<semaphore_mem>>)
      %dma_wait3A_67 = tpu.memref_slice %arg3[%add3A_42] : memref<320000xi32, #tpu.memory_space<hbm>> -> memref<128xi32, #tpu.memory_space<hbm>>
      %dma_wait3A_68 = tpu.memref_slice %arg3[%add3A_42] : memref<320000xi32, #tpu.memory_space<hbm>> -> memref<128xi32, #tpu.memory_space<hbm>>
      tpu.wait_dma2 semaphore(%run_scoped3A : memref<!tpu.dma_semaphore, #tpu.memory_space<semaphore_mem>>) src(%dma_wait3A_68 : memref<128xi32, #tpu.memory_space<hbm>>) dst(%arg8 : memref<128xi32, #tpu.memory_space<vmem>>)
      tpu.yield
    }) : () -> ()
    %dma_start3A_43 = arith.constant 0 : i32
    %dma_start3A_44 = arith.constant 0 : i32
    %dma_start3A_45 = tpu.memref_slice %arg2[%dma_start3A_43, %dma_start3A_44] : memref<10000x128xf32, #tpu.memory_space<hbm>> -> memref<10000x128xf32, #tpu.memory_space<hbm>>
    tpu.enqueue_indirect_dma source(%dma_start3A_45 : memref<10000x128xf32, #tpu.memory_space<hbm>>) target(%arg12 : memref<128x128xf32, #tpu.memory_space<vmem>>) offsets(%arg8 : memref<128xi32, #tpu.memory_space<vmem>>) semaphore(%arg16 : memref<!tpu.dma_semaphore, #tpu.memory_space<semaphore_mem>>)
    %dma_wait3A_46 = arith.constant 0 : i32
    %dma_wait3A_47 = arith.constant 0 : i32
    %dma_wait3A_48 = tpu.memref_slice %arg2[%dma_wait3A_46, %dma_wait3A_47] : memref<10000x128xf32, #tpu.memory_space<hbm>> -> memref<10000x128xf32, #tpu.memory_space<hbm>>
    tpu.wait_indirect_dma semaphore(%arg15 : memref<!tpu.dma_semaphore, #tpu.memory_space<semaphore_mem>>) src(%dma_wait3A_48 : memref<10000x128xf32, #tpu.memory_space<hbm>>) dst(%arg11 : memref<128x128xf32, #tpu.memory_space<vmem>>)
    %add3A_49 = arith.constant 9728 : i32
    %add3A_50 = arith.addi %mul3A_4, %add3A_49 : i32
    "tpu.region"() ({
      %run_scoped3A = tpu.sem_alloc : memref<!tpu.dma_semaphore, #tpu.memory_space<semaphore_mem>>
      %dma_start3A_65 = tpu.memref_slice %arg4[%add3A_50] : memref<320000xi32, #tpu.memory_space<hbm>> -> memref<128xi32, #tpu.memory_space<hbm>>
      %dma_start3A_66 = tpu.memref_slice %arg4[%add3A_50] : memref<320000xi32, #tpu.memory_space<hbm>> -> memref<128xi32, #tpu.memory_space<hbm>>
      tpu.enqueue_dma source(%dma_start3A_66 : memref<128xi32, #tpu.memory_space<hbm>>) target(%arg9 : memref<128xi32, #tpu.memory_space<vmem>>) target_semaphore(%run_scoped3A : memref<!tpu.dma_semaphore, #tpu.memory_space<semaphore_mem>>)
      %dma_wait3A_67 = tpu.memref_slice %arg4[%add3A_50] : memref<320000xi32, #tpu.memory_space<hbm>> -> memref<128xi32, #tpu.memory_space<hbm>>
      %dma_wait3A_68 = tpu.memref_slice %arg4[%add3A_50] : memref<320000xi32, #tpu.memory_space<hbm>> -> memref<128xi32, #tpu.memory_space<hbm>>
      tpu.wait_dma2 semaphore(%run_scoped3A : memref<!tpu.dma_semaphore, #tpu.memory_space<semaphore_mem>>) src(%dma_wait3A_68 : memref<128xi32, #tpu.memory_space<hbm>>) dst(%arg9 : memref<128xi32, #tpu.memory_space<vmem>>)
      tpu.yield
    }) : () -> ()
    "tpu.region"() ({
      %run_scoped3A = tpu.sem_alloc : memref<!tpu.dma_semaphore, #tpu.memory_space<semaphore_mem>>
      %dma_start3A_65 = arith.constant 0 : i32
      %dma_start3A_66 = arith.constant 0 : i32
      %dma_start3A_67 = tpu.memref_slice %arg14[%dma_start3A_65, %dma_start3A_66] : memref<10240x128xf32, #tpu.memory_space<vmem_shared>> -> memref<10240x128xf32, #tpu.memory_space<vmem_shared>>
      tpu.enqueue_indirect_dma source(%arg11 : memref<128x128xf32, #tpu.memory_space<vmem>>) target(%dma_start3A_67 : memref<10240x128xf32, #tpu.memory_space<vmem_shared>>) offsets(%arg9 : memref<128xi32, #tpu.memory_space<vmem>>) semaphore(%run_scoped3A : memref<!tpu.dma_semaphore, #tpu.memory_space<semaphore_mem>>) {add = true}
      %dma_wait3A_68 = arith.constant 0 : i32
      %dma_wait3A_69 = arith.constant 0 : i32
      %dma_wait3A_70 = tpu.memref_slice %arg14[%dma_wait3A_68, %dma_wait3A_69] : memref<10240x128xf32, #tpu.memory_space<vmem_shared>> -> memref<10240x128xf32, #tpu.memory_space<vmem_shared>>
      tpu.wait_indirect_dma semaphore(%run_scoped3A : memref<!tpu.dma_semaphore, #tpu.memory_space<semaphore_mem>>) src(%arg11 : memref<128x128xf32, #tpu.memory_space<vmem>>) dst(%dma_wait3A_70 : memref<10240x128xf32, #tpu.memory_space<vmem_shared>>)
      tpu.yield
    }) : () -> ()
    %dma_wait3A_51 = arith.constant 0 : i32
    %dma_wait3A_52 = arith.constant 0 : i32
    %dma_wait3A_53 = tpu.memref_slice %arg2[%dma_wait3A_51, %dma_wait3A_52] : memref<10000x128xf32, #tpu.memory_space<hbm>> -> memref<10000x128xf32, #tpu.memory_space<hbm>>
    tpu.wait_indirect_dma semaphore(%arg16 : memref<!tpu.dma_semaphore, #tpu.memory_space<semaphore_mem>>) src(%dma_wait3A_53 : memref<10000x128xf32, #tpu.memory_space<hbm>>) dst(%arg12 : memref<128x128xf32, #tpu.memory_space<vmem>>)
    %add3A_54 = arith.constant 9856 : i32
    %add3A_55 = arith.addi %mul3A_4, %add3A_54 : i32
    "tpu.region"() ({
      %run_scoped3A = tpu.sem_alloc : memref<!tpu.dma_semaphore, #tpu.memory_space<semaphore_mem>>
      %dma_start3A_65 = tpu.memref_slice %arg4[%add3A_55] : memref<320000xi32, #tpu.memory_space<hbm>> -> memref<128xi32, #tpu.memory_space<hbm>>
      %dma_start3A_66 = tpu.memref_slice %arg4[%add3A_55] : memref<320000xi32, #tpu.memory_space<hbm>> -> memref<128xi32, #tpu.memory_space<hbm>>
      tpu.enqueue_dma source(%dma_start3A_66 : memref<128xi32, #tpu.memory_space<hbm>>) target(%arg9 : memref<128xi32, #tpu.memory_space<vmem>>) target_semaphore(%run_scoped3A : memref<!tpu.dma_semaphore, #tpu.memory_space<semaphore_mem>>)
      %dma_wait3A_67 = tpu.memref_slice %arg4[%add3A_55] : memref<320000xi32, #tpu.memory_space<hbm>> -> memref<128xi32, #tpu.memory_space<hbm>>
      %dma_wait3A_68 = tpu.memref_slice %arg4[%add3A_55] : memref<320000xi32, #tpu.memory_space<hbm>> -> memref<128xi32, #tpu.memory_space<hbm>>
      tpu.wait_dma2 semaphore(%run_scoped3A : memref<!tpu.dma_semaphore, #tpu.memory_space<semaphore_mem>>) src(%dma_wait3A_68 : memref<128xi32, #tpu.memory_space<hbm>>) dst(%arg9 : memref<128xi32, #tpu.memory_space<vmem>>)
      tpu.yield
    }) : () -> ()
    "tpu.region"() ({
      %run_scoped3A = tpu.sem_alloc : memref<!tpu.dma_semaphore, #tpu.memory_space<semaphore_mem>>
      %dma_start3A_65 = arith.constant 0 : i32
      %dma_start3A_66 = arith.constant 0 : i32
      %dma_start3A_67 = tpu.memref_slice %arg14[%dma_start3A_65, %dma_start3A_66] : memref<10240x128xf32, #tpu.memory_space<vmem_shared>> -> memref<10240x128xf32, #tpu.memory_space<vmem_shared>>
      tpu.enqueue_indirect_dma source(%arg12 : memref<128x128xf32, #tpu.memory_space<vmem>>) target(%dma_start3A_67 : memref<10240x128xf32, #tpu.memory_space<vmem_shared>>) offsets(%arg9 : memref<128xi32, #tpu.memory_space<vmem>>) semaphore(%run_scoped3A : memref<!tpu.dma_semaphore, #tpu.memory_space<semaphore_mem>>) {add = true}
      %dma_wait3A_68 = arith.constant 0 : i32
      %dma_wait3A_69 = arith.constant 0 : i32
      %dma_wait3A_70 = tpu.memref_slice %arg14[%dma_wait3A_68, %dma_wait3A_69] : memref<10240x128xf32, #tpu.memory_space<vmem_shared>> -> memref<10240x128xf32, #tpu.memory_space<vmem_shared>>
      tpu.wait_indirect_dma semaphore(%run_scoped3A : memref<!tpu.dma_semaphore, #tpu.memory_space<semaphore_mem>>) src(%arg12 : memref<128x128xf32, #tpu.memory_space<vmem>>) dst(%dma_wait3A_70 : memref<10240x128xf32, #tpu.memory_space<vmem_shared>>)
      tpu.yield
    }) : () -> ()
    %add3A_56 = arith.constant 9984 : i32
    %add3A_57 = arith.addi %mul3A_4, %add3A_56 : i32
    "tpu.region"() ({
      %run_scoped3A = tpu.sem_alloc : memref<!tpu.dma_semaphore, #tpu.memory_space<semaphore_mem>>
      %dma_start3A_65 = tpu.memref_slice %arg3[%add3A_57] : memref<320000xi32, #tpu.memory_space<hbm>> -> memref<16xi32, #tpu.memory_space<hbm>>
      %dma_start3A_66 = tpu.memref_slice %arg3[%add3A_57] : memref<320000xi32, #tpu.memory_space<hbm>> -> memref<16xi32, #tpu.memory_space<hbm>>
      tpu.enqueue_dma source(%dma_start3A_66 : memref<16xi32, #tpu.memory_space<hbm>>) target(%arg10 : memref<16xi32, #tpu.memory_space<vmem>>) target_semaphore(%run_scoped3A : memref<!tpu.dma_semaphore, #tpu.memory_space<semaphore_mem>>)
      %dma_wait3A_67 = tpu.memref_slice %arg3[%add3A_57] : memref<320000xi32, #tpu.memory_space<hbm>> -> memref<16xi32, #tpu.memory_space<hbm>>
      %dma_wait3A_68 = tpu.memref_slice %arg3[%add3A_57] : memref<320000xi32, #tpu.memory_space<hbm>> -> memref<16xi32, #tpu.memory_space<hbm>>
      tpu.wait_dma2 semaphore(%run_scoped3A : memref<!tpu.dma_semaphore, #tpu.memory_space<semaphore_mem>>) src(%dma_wait3A_68 : memref<16xi32, #tpu.memory_space<hbm>>) dst(%arg10 : memref<16xi32, #tpu.memory_space<vmem>>)
      tpu.yield
    }) : () -> ()
    %dma_start3A_58 = arith.constant 0 : i32
    %dma_start3A_59 = arith.constant 0 : i32
    %dma_start3A_60 = tpu.memref_slice %arg2[%dma_start3A_58, %dma_start3A_59] : memref<10000x128xf32, #tpu.memory_space<hbm>> -> memref<10000x128xf32, #tpu.memory_space<hbm>>
    tpu.enqueue_indirect_dma source(%dma_start3A_60 : memref<10000x128xf32, #tpu.memory_space<hbm>>) target(%arg13 : memref<16x128xf32, #tpu.memory_space<vmem>>) offsets(%arg10 : memref<16xi32, #tpu.memory_space<vmem>>) semaphore(%arg17 : memref<!tpu.dma_semaphore, #tpu.memory_space<semaphore_mem>>)
    %dma_wait3A_61 = arith.constant 0 : i32
    %dma_wait3A_62 = arith.constant 0 : i32
    %dma_wait3A_63 = tpu.memref_slice %arg2[%dma_wait3A_61, %dma_wait3A_62] : memref<10000x128xf32, #tpu.memory_space<hbm>> -> memref<10000x128xf32, #tpu.memory_space<hbm>>
    tpu.wait_indirect_dma semaphore(%arg17 : memref<!tpu.dma_semaphore, #tpu.memory_space<semaphore_mem>>) src(%dma_wait3A_63 : memref<10000x128xf32, #tpu.memory_space<hbm>>) dst(%arg13 : memref<16x128xf32, #tpu.memory_space<vmem>>)
    "tpu.region"() ({
      %run_scoped3A = tpu.sem_alloc : memref<!tpu.dma_semaphore, #tpu.memory_space<semaphore_mem>>
      %dma_start3A_65 = tpu.memref_slice %arg4[%add3A_57] : memref<320000xi32, #tpu.memory_space<hbm>> -> memref<16xi32, #tpu.memory_space<hbm>>
      %dma_start3A_66 = tpu.memref_slice %arg4[%add3A_57] : memref<320000xi32, #tpu.memory_space<hbm>> -> memref<16xi32, #tpu.memory_space<hbm>>
      tpu.enqueue_dma source(%dma_start3A_66 : memref<16xi32, #tpu.memory_space<hbm>>) target(%arg10 : memref<16xi32, #tpu.memory_space<vmem>>) target_semaphore(%run_scoped3A : memref<!tpu.dma_semaphore, #tpu.memory_space<semaphore_mem>>)
      %dma_wait3A_67 = tpu.memref_slice %arg4[%add3A_57] : memref<320000xi32, #tpu.memory_space<hbm>> -> memref<16xi32, #tpu.memory_space<hbm>>
      %dma_wait3A_68 = tpu.memref_slice %arg4[%add3A_57] : memref<320000xi32, #tpu.memory_space<hbm>> -> memref<16xi32, #tpu.memory_space<hbm>>
      tpu.wait_dma2 semaphore(%run_scoped3A : memref<!tpu.dma_semaphore, #tpu.memory_space<semaphore_mem>>) src(%dma_wait3A_68 : memref<16xi32, #tpu.memory_space<hbm>>) dst(%arg10 : memref<16xi32, #tpu.memory_space<vmem>>)
      tpu.yield
    }) : () -> ()
    "tpu.region"() ({
      %run_scoped3A = tpu.sem_alloc : memref<!tpu.dma_semaphore, #tpu.memory_space<semaphore_mem>>
      %dma_start3A_65 = arith.constant 0 : i32
      %dma_start3A_66 = arith.constant 0 : i32
      %dma_start3A_67 = tpu.memref_slice %arg14[%dma_start3A_65, %dma_start3A_66] : memref<10240x128xf32, #tpu.memory_space<vmem_shared>> -> memref<10240x128xf32, #tpu.memory_space<vmem_shared>>
      tpu.enqueue_indirect_dma source(%arg13 : memref<16x128xf32, #tpu.memory_space<vmem>>) target(%dma_start3A_67 : memref<10240x128xf32, #tpu.memory_space<vmem_shared>>) offsets(%arg10 : memref<16xi32, #tpu.memory_space<vmem>>) semaphore(%run_scoped3A : memref<!tpu.dma_semaphore, #tpu.memory_space<semaphore_mem>>) {add = true}
      %dma_wait3A_68 = arith.constant 0 : i32
      %dma_wait3A_69 = arith.constant 0 : i32
      %dma_wait3A_70 = tpu.memref_slice %arg14[%dma_wait3A_68, %dma_wait3A_69] : memref<10240x128xf32, #tpu.memory_space<vmem_shared>> -> memref<10240x128xf32, #tpu.memory_space<vmem_shared>>
      tpu.wait_indirect_dma semaphore(%run_scoped3A : memref<!tpu.dma_semaphore, #tpu.memory_space<semaphore_mem>>) src(%arg13 : memref<16x128xf32, #tpu.memory_space<vmem>>) dst(%dma_wait3A_70 : memref<10240x128xf32, #tpu.memory_space<vmem_shared>>)
      tpu.yield
    }) : () -> ()
    %barrier3A_64 = arith.constant 0 : index
    tpu.barrier barrier_id(%barrier3A_64)
    "tpu.region"() ({
      %run_scoped3A = tpu.sem_alloc : memref<!tpu.dma_semaphore, #tpu.memory_space<semaphore_mem>>
      %dma_start3A_65 = arith.constant 0 : i32
      %dma_start3A_66 = tpu.memref_slice %arg6[%arg0, %mul3A_2, %dma_start3A_65] : memref<2x10240x128xf32, #tpu.memory_space<hbm>> -> memref<1x640x128xf32, #tpu.memory_space<hbm>>
      %dma_start3A_67 = tpu.memref_squeeze %dma_start3A_66 : memref<1x640x128xf32, #tpu.memory_space<hbm>> -> memref<640x128xf32, #tpu.memory_space<hbm>>
      %dma_start3A_68 = arith.constant 0 : i32
      %dma_start3A_69 = tpu.memref_slice %arg14[%mul3A_2, %dma_start3A_68] : memref<10240x128xf32, #tpu.memory_space<vmem_shared>> -> memref<640x128xf32, #tpu.memory_space<vmem_shared>>
      tpu.enqueue_dma source(%dma_start3A_69 : memref<640x128xf32, #tpu.memory_space<vmem_shared>>) target(%dma_start3A_67 : memref<640x128xf32, #tpu.memory_space<hbm>>) target_semaphore(%run_scoped3A : memref<!tpu.dma_semaphore, #tpu.memory_space<semaphore_mem>>)
      %dma_wait3A_70 = arith.constant 0 : i32
      %dma_wait3A_71 = tpu.memref_slice %arg6[%arg0, %mul3A_2, %dma_wait3A_70] : memref<2x10240x128xf32, #tpu.memory_space<hbm>> -> memref<1x640x128xf32, #tpu.memory_space<hbm>>
      %dma_wait3A_72 = tpu.memref_squeeze %dma_wait3A_71 : memref<1x640x128xf32, #tpu.memory_space<hbm>> -> memref<640x128xf32, #tpu.memory_space<hbm>>
      %dma_wait3A_73 = arith.constant 0 : i32
      %dma_wait3A_74 = tpu.memref_slice %arg14[%mul3A_2, %dma_wait3A_73] : memref<10240x128xf32, #tpu.memory_space<vmem_shared>> -> memref<640x128xf32, #tpu.memory_space<vmem_shared>>
      tpu.wait_dma2 semaphore(%run_scoped3A : memref<!tpu.dma_semaphore, #tpu.memory_space<semaphore_mem>>) src(%dma_wait3A_74 : memref<640x128xf32, #tpu.memory_space<vmem_shared>>) dst(%dma_wait3A_72 : memref<640x128xf32, #tpu.memory_space<hbm>>)
      tpu.yield
    }) : () -> ()
    return
  }
}

module attributes {stable_mosaic.version = 14 : i64} {
  func.func @_mm_body(%arg0: memref<10000x128xf32, #tpu.memory_space<vmem>>, %arg1: memref<128x128xf32, #tpu.memory_space<vmem>>, %arg2: memref<10000x128xf32, #tpu.memory_space<vmem>>) attributes {dimension_semantics = [], scalar_prefetch = 0 : i64, scratch_operands = 0 : i64, tpu.core_type = #tpu.core_type<tc>} {
    %get3A = arith.constant 0 : index
    %get3A_0 = arith.constant 0 : index
    %get3A_1 = vector.load %arg0[%get3A, %get3A_0] : memref<10000x128xf32, #tpu.memory_space<vmem>>, vector<10000x128xf32>
    %get3A_2 = arith.constant 0 : index
    %get3A_3 = arith.constant 0 : index
    %get3A_4 = vector.load %arg1[%get3A_2, %get3A_3] : memref<128x128xf32, #tpu.memory_space<vmem>>, vector<128x128xf32>
    %dot_general3A = arith.constant dense<0.000000e+00> : vector<10000x128xf32>
    %dot_general3A_5 = tpu.matmul %get3A_1, %get3A_4, %dot_general3A {dimension_numbers = #tpu.dot_dimension_numbers<[1], [0], [0], [1], [0, 0, 1, 1], [], []>, transpose_lhs_hint = false} : vector<10000x128xf32>, vector<128x128xf32>, vector<10000x128xf32> -> vector<10000x128xf32>
    %swap3A = arith.constant 0 : index
    %swap3A_6 = arith.constant 0 : index
    %swap3A_7 = vector.load %arg2[%swap3A, %swap3A_6] : memref<10000x128xf32, #tpu.memory_space<vmem>>, vector<10000x128xf32>
    tpu.vector_store %arg2[%swap3A, %swap3A_6], %dot_general3A_5 {strides = array<i32>} : memref<10000x128xf32, #tpu.memory_space<vmem>>, vector<10000x128xf32>,
    return
  }
}

module attributes {stable_mosaic.version = 14 : i64} {
  func.func @_scale_body(%arg0: memref<2x10240x128xf32, #tpu.memory_space<vmem>>, %arg1: memref<10000x128xf32, #tpu.memory_space<vmem>>, %arg2: memref<10000x1xf32, #tpu.memory_space<vmem>>, %arg3: memref<10000x128xf32, #tpu.memory_space<vmem>>) attributes {dimension_semantics = [], scalar_prefetch = 0 : i64, scratch_operands = 0 : i64, tpu.core_type = #tpu.core_type<tc>} {
    %get3A = arith.constant 0 : index
    %get3A_0 = arith.constant 0 : index
    %get3A_1 = arith.constant 0 : index
    %get3A_2 = vector.load %arg0[%get3A, %get3A_0, %get3A_1] : memref<2x10240x128xf32, #tpu.memory_space<vmem>>, vector<1x10000x1xf32>
    %get3A_3 = vector.shape_cast %get3A_2 : vector<1x10000x1xf32> to vector<10000x1xf32>
    %get3A_4 = arith.constant 1 : index
    %get3A_5 = arith.constant 0 : index
    %get3A_6 = arith.constant 0 : index
    %get3A_7 = vector.load %arg0[%get3A_4, %get3A_5, %get3A_6] : memref<2x10240x128xf32, #tpu.memory_space<vmem>>, vector<1x10000x1xf32>
    %get3A_8 = vector.shape_cast %get3A_7 : vector<1x10000x1xf32> to vector<10000x1xf32>
    %add3A = arith.addf %get3A_3, %get3A_8 : vector<10000x1xf32>
    %add3A_9 = arith.constant 1.000000e+00 : f32
    %add3A_10 = vector.broadcast %add3A_9 : f32 to vector<10000x1xf32>
    %add3A_11 = arith.addf %add3A, %add3A_10 : vector<10000x1xf32>
    %rsqrt3A = math.rsqrt %add3A_11 : vector<10000x1xf32>
    %swap3A = arith.constant 0 : index
    %swap3A_12 = arith.constant 0 : index
    %swap3A_13 = vector.load %arg2[%swap3A, %swap3A_12] : memref<10000x1xf32, #tpu.memory_space<vmem>>, vector<10000x1xf32>
    tpu.vector_store %arg2[%swap3A, %swap3A_12], %rsqrt3A {strides = array<i32>} : memref<10000x1xf32, #tpu.memory_space<vmem>>, vector<10000x1xf32>,
    %get3A_14 = arith.constant 0 : index
    %get3A_15 = arith.constant 0 : index
    %get3A_16 = vector.load %arg1[%get3A_14, %get3A_15] : memref<10000x128xf32, #tpu.memory_space<vmem>>, vector<10000x128xf32>
    %mul3A = vector.broadcast %rsqrt3A : vector<10000x1xf32> to vector<10000x128xf32>
    %mul3A_17 = arith.mulf %get3A_16, %mul3A : vector<10000x128xf32>
    %swap3A_18 = arith.constant 0 : index
    %swap3A_19 = arith.constant 0 : index
    %swap3A_20 = vector.load %arg3[%swap3A_18, %swap3A_19] : memref<10000x128xf32, #tpu.memory_space<vmem>>, vector<10000x128xf32>
    tpu.vector_store %arg3[%swap3A_18, %swap3A_19], %mul3A_17 {strides = array<i32>} : memref<10000x128xf32, #tpu.memory_space<vmem>>, vector<10000x128xf32>,
    return
  }
}

module attributes {stable_mosaic.version = 14 : i64} {
  func.func @_layer_body(%arg0: memref<2x10240x128xf32, #tpu.memory_space<vmem>>, %arg1: memref<10000x128xf32, #tpu.memory_space<vmem>>, %arg2: memref<10000x1xf32, #tpu.memory_space<vmem>>, %arg3: memref<1x128xf32, #tpu.memory_space<vmem>>, %arg4: memref<128x128xf32, #tpu.memory_space<vmem>>, %arg5: memref<10000x128xf32, #tpu.memory_space<vmem>>) attributes {dimension_semantics = [], scalar_prefetch = 0 : i64, scratch_operands = 0 : i64, tpu.core_type = #tpu.core_type<tc>} {
    %get3A = arith.constant 0 : index
    %get3A_0 = arith.constant 0 : index
    %get3A_1 = vector.load %arg2[%get3A, %get3A_0] : memref<10000x1xf32, #tpu.memory_space<vmem>>, vector<10000x1xf32>
    %get3A_2 = arith.constant 0 : index
    %get3A_3 = arith.constant 0 : index
    %get3A_4 = arith.constant 0 : index
    %get3A_5 = vector.load %arg0[%get3A_2, %get3A_3, %get3A_4] : memref<2x10240x128xf32, #tpu.memory_space<vmem>>, vector<1x10000x128xf32>
    %get3A_6 = vector.shape_cast %get3A_5 : vector<1x10000x128xf32> to vector<10000x128xf32>
    %get3A_7 = arith.constant 1 : index
    %get3A_8 = arith.constant 0 : index
    %get3A_9 = arith.constant 0 : index
    %get3A_10 = vector.load %arg0[%get3A_7, %get3A_8, %get3A_9] : memref<2x10240x128xf32, #tpu.memory_space<vmem>>, vector<1x10000x128xf32>
    %get3A_11 = vector.shape_cast %get3A_10 : vector<1x10000x128xf32> to vector<10000x128xf32>
    %add3A = arith.addf %get3A_6, %get3A_11 : vector<10000x128xf32>
    %get3A_12 = arith.constant 0 : index
    %get3A_13 = arith.constant 0 : index
    %get3A_14 = vector.load %arg1[%get3A_12, %get3A_13] : memref<10000x128xf32, #tpu.memory_space<vmem>>, vector<10000x128xf32>
    %add3A_15 = arith.addf %add3A, %get3A_14 : vector<10000x128xf32>
    %mul3A = vector.broadcast %get3A_1 : vector<10000x1xf32> to vector<10000x128xf32>
    %mul3A_16 = arith.mulf %add3A_15, %mul3A : vector<10000x128xf32>
    %get3A_17 = arith.constant 0 : index
    %get3A_18 = arith.constant 0 : index
    %get3A_19 = vector.load %arg3[%get3A_17, %get3A_18] : memref<1x128xf32, #tpu.memory_space<vmem>>, vector<1x128xf32>
    %add3A_20 = vector.broadcast %get3A_19 : vector<1x128xf32> to vector<10000x128xf32>
    %add3A_21 = arith.addf %mul3A_16, %add3A_20 : vector<10000x128xf32>
    %max3A = arith.constant 0.000000e+00 : f32
    %max3A_22 = vector.broadcast %max3A : f32 to vector<10000x128xf32>
    %max3A_23 = arith.maximumf %add3A_21, %max3A_22 : vector<10000x128xf32>
    %get3A_24 = arith.constant 0 : index
    %get3A_25 = arith.constant 0 : index
    %get3A_26 = vector.load %arg4[%get3A_24, %get3A_25] : memref<128x128xf32, #tpu.memory_space<vmem>>, vector<128x128xf32>
    %dot_general3A = arith.constant dense<0.000000e+00> : vector<10000x128xf32>
    %dot_general3A_27 = tpu.matmul %max3A_23, %get3A_26, %dot_general3A {dimension_numbers = #tpu.dot_dimension_numbers<[1], [0], [0], [1], [0, 0, 1, 1], [], []>, transpose_lhs_hint = false} : vector<10000x128xf32>, vector<128x128xf32>, vector<10000x128xf32> -> vector<10000x128xf32>
    %mul3A_28 = vector.broadcast %get3A_1 : vector<10000x1xf32> to vector<10000x128xf32>
    %mul3A_29 = arith.mulf %dot_general3A_27, %mul3A_28 : vector<10000x128xf32>
    %swap3A = arith.constant 0 : index
    %swap3A_30 = arith.constant 0 : index
    %swap3A_31 = vector.load %arg5[%swap3A, %swap3A_30] : memref<10000x128xf32, #tpu.memory_space<vmem>>, vector<10000x128xf32>
    tpu.vector_store %arg5[%swap3A, %swap3A_30], %mul3A_29 {strides = array<i32>} : memref<10000x128xf32, #tpu.memory_space<vmem>>, vector<10000x128xf32>,
    return
  }
}

module attributes {stable_mosaic.version = 14 : i64} {
  func.func @_final_body(%arg0: memref<2x10240x128xf32, #tpu.memory_space<vmem>>, %arg1: memref<10000x128xf32, #tpu.memory_space<vmem>>, %arg2: memref<10000x1xf32, #tpu.memory_space<vmem>>, %arg3: memref<1x128xf32, #tpu.memory_space<vmem>>, %arg4: memref<10000x1xi32, #tpu.memory_space<vmem>>, %arg5: memref<128x1xf32, #tpu.memory_space<vmem>>, %arg6: memref<1x1xf32, #tpu.memory_space<vmem>>, %arg7: memref<64x1xf32, #tpu.memory_space<vmem>>) attributes {dimension_semantics = [], scalar_prefetch = 0 : i64, scratch_operands = 0 : i64, tpu.core_type = #tpu.core_type<tc>} {
    %get3A = arith.constant 0 : index
    %get3A_0 = arith.constant 0 : index
    %get3A_1 = arith.constant 0 : index
    %get3A_2 = vector.load %arg0[%get3A, %get3A_0, %get3A_1] : memref<2x10240x128xf32, #tpu.memory_space<vmem>>, vector<1x10000x128xf32>
    %get3A_3 = vector.shape_cast %get3A_2 : vector<1x10000x128xf32> to vector<10000x128xf32>
    %get3A_4 = arith.constant 1 : index
    %get3A_5 = arith.constant 0 : index
    %get3A_6 = arith.constant 0 : index
    %get3A_7 = vector.load %arg0[%get3A_4, %get3A_5, %get3A_6] : memref<2x10240x128xf32, #tpu.memory_space<vmem>>, vector<1x10000x128xf32>
    %get3A_8 = vector.shape_cast %get3A_7 : vector<1x10000x128xf32> to vector<10000x128xf32>
    %add3A = arith.addf %get3A_3, %get3A_8 : vector<10000x128xf32>
    %get3A_9 = arith.constant 0 : index
    %get3A_10 = arith.constant 0 : index
    %get3A_11 = vector.load %arg1[%get3A_9, %get3A_10] : memref<10000x128xf32, #tpu.memory_space<vmem>>, vector<10000x128xf32>
    %add3A_12 = arith.addf %add3A, %get3A_11 : vector<10000x128xf32>
    %get3A_13 = arith.constant 0 : index
    %get3A_14 = arith.constant 0 : index
    %get3A_15 = vector.load %arg2[%get3A_13, %get3A_14] : memref<10000x1xf32, #tpu.memory_space<vmem>>, vector<10000x1xf32>
    %mul3A = vector.broadcast %get3A_15 : vector<10000x1xf32> to vector<10000x128xf32>
    %mul3A_16 = arith.mulf %add3A_12, %mul3A : vector<10000x128xf32>
    %get3A_17 = arith.constant 0 : index
    %get3A_18 = arith.constant 0 : index
    %get3A_19 = vector.load %arg3[%get3A_17, %get3A_18] : memref<1x128xf32, #tpu.memory_space<vmem>>, vector<1x128xf32>
    %add3A_20 = vector.broadcast %get3A_19 : vector<1x128xf32> to vector<10000x128xf32>
    %add3A_21 = arith.addf %mul3A_16, %add3A_20 : vector<10000x128xf32>
    %iota3A = tpu.iota {dimensions = array<i32: 1>} : vector<10000x64xi32>
    %get3A_22 = arith.constant 0 : index
    %get3A_23 = arith.constant 0 : index
    %get3A_24 = vector.load %arg4[%get3A_22, %get3A_23] : memref<10000x1xi32, #tpu.memory_space<vmem>>, vector<10000x1xi32>
    %eq3A = vector.broadcast %get3A_24 : vector<10000x1xi32> to vector<10000x64xi32>
    %eq3A_25 = arith.cmpi eq, %eq3A, %iota3A : vector<10000x64xi32>
    %convert_element_type3A = arith.extui %eq3A_25 : vector<10000x64xi1> to vector<10000x64xi32>
    %convert_element_type3A_26 = arith.sitofp %convert_element_type3A : vector<10000x64xi32> to vector<10000x64xf32>
    %dot_general3A = arith.constant dense<0.000000e+00> : vector<64x128xf32>
    %dot_general3A_27 = tpu.matmul %convert_element_type3A_26, %add3A_21, %dot_general3A {dimension_numbers = #tpu.dot_dimension_numbers<[0], [0], [1], [1], [0, 1, 1, 1], [], []>, transpose_lhs_hint = false} : vector<10000x64xf32>, vector<10000x128xf32>, vector<64x128xf32> -> vector<64x128xf32>
    %reduce_sum3A = arith.constant dense<0.000000e+00> : vector<64xf32>
    %reduce_sum3A_28 = vector.multi_reduction <add>, %convert_element_type3A_26, %reduce_sum3A [0] : vector<10000x64xf32> to vector<64xf32>
    %broadcast_in_dim3A = vector.shape_cast %reduce_sum3A_28 : vector<64xf32> to vector<64x1xf32>
    %max3A = arith.constant 1.000000e+00 : f32
    %max3A_29 = vector.broadcast %max3A : f32 to vector<64x1xf32>
    %max3A_30 = arith.maximumf %broadcast_in_dim3A, %max3A_29 : vector<64x1xf32>
    %div3A = vector.broadcast %max3A_30 : vector<64x1xf32> to vector<64x128xf32>
    %div3A_31 = arith.divf %dot_general3A_27, %div3A : vector<64x128xf32>
    %get3A_32 = arith.constant 0 : index
    %get3A_33 = arith.constant 0 : index
    %get3A_34 = vector.load %arg5[%get3A_32, %get3A_33] : memref<128x1xf32, #tpu.memory_space<vmem>>, vector<128x1xf32>
    %dot_general3A_35 = arith.constant dense<0.000000e+00> : vector<64x1xf32>
    %dot_general3A_36 = tpu.matmul %div3A_31, %get3A_34, %dot_general3A_35 {dimension_numbers = #tpu.dot_dimension_numbers<[1], [0], [0], [1], [0, 0, 1, 1], [], []>, transpose_lhs_hint = false} : vector<64x128xf32>, vector<128x1xf32>, vector<64x1xf32> -> vector<64x1xf32>
    %get3A_37 = arith.constant 0 : index
    %get3A_38 = arith.constant 0 : index
    %get3A_39 = vector.load %arg6[%get3A_37, %get3A_38] : memref<1x1xf32, #tpu.memory_space<vmem>>, vector<1x1xf32>
    %add3A_40 = vector.broadcast %get3A_39 : vector<1x1xf32> to vector<64x1xf32>
    %add3A_41 = arith.addf %dot_general3A_36, %add3A_40 : vector<64x1xf32>
    %neg3A = arith.constant 0.000000e+00 : f32
    %neg3A_42 = vector.broadcast %neg3A : f32 to vector<64x1xf32>
    %neg3A_43 = arith.subf %neg3A_42, %add3A_41 : vector<64x1xf32>
    %exp3A = math.exp %neg3A_43 : vector<64x1xf32>
    %add3A_44 = arith.constant 1.000000e+00 : f32
    %add3A_45 = vector.broadcast %add3A_44 : f32 to vector<64x1xf32>
    %add3A_46 = arith.addf %add3A_45, %exp3A : vector<64x1xf32>
    %div3A_47 = arith.constant 1.000000e+00 : f32
    %div3A_48 = vector.broadcast %div3A_47 : f32 to vector<64x1xf32>
    %div3A_49 = arith.divf %div3A_48, %add3A_46 : vector<64x1xf32>
    %swap3A = arith.constant 0 : index
    %swap3A_50 = arith.constant 0 : index
    %swap3A_51 = vector.load %arg7[%swap3A, %swap3A_50] : memref<64x1xf32, #tpu.memory_space<vmem>>, vector<64x1xf32>
    tpu.vector_store %arg7[%swap3A, %swap3A_50], %div3A_49 {strides = array<i32>} : memref<64x1xf32, #tpu.memory_space<vmem>>, vector<64x1xf32>,
    return
  }
}

</mosaic_0001>

<sc_bundles>
// kernel: kernel.11.cloned.1.call-start
scs
__scs_entry_jumppad:
0x0: {  	(pc) =	sbr.rel $0x88, $3  }
0x1: {  	(tag) =	ssettag $0x0;
	lr =	simm.s32 $0x1  }
0x2: {  	[smem:$0x3F96] =	sst lr;
	_ =	strace $0xD0000000  }
0x3: {  	_ = 	snop  }
0x4: {  	_ = 	snop  }
0x5: {  	_ = 	snop  }
0x6: {  	_ = 	snop  }
0x7: {  	_ = 	snop  }
__scs_overlays_trampoline_lowered:
0x8: {  	[smem:$0x3FA5] =	sst s0  }
0x9: {  	[smem:$0x3FA6] =	sst s1  }
0xa: {  	[smem:$0x3FA7] =	sst s2  }
0xb: {  	[smem:$0x3FA8] =	sst s3  }
0xc: {  	[smem:$0x3FA9] =	sst s4  }
0xd: {  	[smem:$0x3FAA] =	sst s5  }
0xe: {  	[smem:$0x3FAB] =	sst s6  }
0xf: {  	[smem:$0x3FAC] =	sst s7  }
0x10: {  	[smem:$0x3FAD] =	sst s8  }
0x11: {  	[smem:$0x3FAE] =	sst s9;
	s0 =	simm.s32 @!p0 $0x0  }
0x12: {  	s1 =	sld [smem:$0x3F94];
	s0 =	simm.s32 @p0 $0x1  }
0x13: {  	[smem:$0x3FAF] =	sst s0;
	s0 =	simm.s32 @!p1 $0x0  }
0x14: {  	s2 =	sld [smem:$0x3F93];
	s0 =	simm.s32 @p1 $0x1  }
0x15: {  	[smem:$0x3FB0] =	sst s0;
	s0 =	simm.s32 @!p2 $0x0  }
0x16: {  	s3 =	sld [smem:$0x3FDB];
	s0 =	simm.s32 @p2 $0x1  }
0x17: {  	s4 =	simm.s32 $0x1BF5;
	[smem:$0x3FB2] =	sst s0  }
0x18: {  	s0 =	sld [smem:$0x3F95];
	_ =	swait.ge [sflag:s4], $0x0  }
0x19: {  	s7 =	sld [smem:$0x3F96]  }
0x1a: {  	s8 =	sadd.s32 $0xFFFFE003, lr  }
0x1b: {  	s9 =	sadd.s32 $0xFFFFFEF7, lr;
	s5 =	simm.s32 $0xFFFFFFFF;
	p2 =	slt.u32 s8, $0xFFFFF086  }
0x1c: {  	p1 =	slt.u32 s9, $0xF7A;
	s5 =	simm.s32 @!p2 $0x0  }
0x1d: {  	s5 =	simm.s32 @p1 $0x1;
	p0 =	seq.s32 s7, s2  }
0x1e: {  	s7 =	smul.u32 @!p0 $0xF7A, s2;
	p2 =	seq.s32 @!p0 s5, $0x0  }
0x1f: {  	s9 =	smul.u32 $0xF7A, s1;
	s8 =	simm.s32 @!p0 $0x1BF5;
	p2 =	por !p2, p0  }
0x20: {  	[sflag:s8] =	ssyncset.s32 @!p0 $0xFFFFF086;
	s6 =	sadd.s32 @!p0 s3, s7;
	s7 =	simm.s32 @!p0 $0x108  }
0x21: {  	s3 =	sadd.s32 s3, s9;
	s6 =	sadd.s32 @!p0 $0x88, s6;
	s7 =	simm.s32 @p2 $0x1082  }
0x22: {  	[simem:s7], [sflag:s8] =	dma.local @!p0 [hbm:s6], $0xF7A  }
0x23: {  	s9 =	sor.u32 $0xD0000000, s2;
	s6 =	simm.s32 $0x108;
	_ =	swait.ge @!p0 [sflag:s8], $0x0  }
0x24: {  	s3 =	sadd.s32 $0x88, s3;
	s6 =	simm.s32 @!p1 $0x1082;
	[sflag:s4] =	ssyncset.s32 $0xFFFFF086  }
0x25: {  	[simem:s6], [sflag:s4] =	dma.local [hbm:s3], $0xF7A  }
0x26: {  	[smem:$0x3F96] =	sst s1;
	(tag) =	ssettag s2;
	_ =	strace s9  }
0x27: {  	s1 =	sld [smem:$0x3FA6]  }
0x28: {  	s2 =	sld [smem:$0x3FA7]  }
0x29: {  	s4 =	sld [smem:$0x3FA9]  }
0x2a: {  	p0 =	seq.s32 s5, $0x0;
	s5 =	sld [smem:$0x3FAA]  }
0x2b: {  	s6 =	sld [smem:$0x3FAB]  }
0x2c: {  	s7 =	sld [smem:$0x3FAC]  }
0x2d: {  	s3 =	simm.s32 $0x108;
	s8 =	sld [smem:$0x3FAD]  }
0x2e: {  	s3 =	simm.s32 @!p0 $0x1082;
	s9 =	sld [smem:$0x3FAE]  }
0x2f: {  	lr =	sadd.s32 s0, s3;
	s0 =	sld [smem:$0x3FA5]  }
0x30: {  	s3 =	sld [smem:$0x3FA8]  }
0x31: {  	[smem:$0x3FB1] =	sst s10  }
0x32: {  	s10 =	sld [smem:$0x3FAF];
	_ =	sdelay $0x3  }
0x33: {  	p0 =	seq.s32 s10, $0x1;
	s10 =	sld [smem:$0x3FB1];
	_ =	sdelay $0x3  }
0x34: {  	[smem:$0x3FB1] =	sst s10  }
0x35: {  	s10 =	sld [smem:$0x3FB0];
	_ =	sdelay $0x3  }
0x36: {  	p1 =	seq.s32 s10, $0x1;
	s10 =	sld [smem:$0x3FB1];
	_ =	sdelay $0x3  }
0x37: {  	[smem:$0x3FB1] =	sst s10  }
0x38: {  	s10 =	sld [smem:$0x3FB2]  }
0x39: {  	_ = 	snop;
	(pc) =	sbr.ind lr, $3  }
0x3a: {  	_ = 	snop  }
0x3b: {  	_ = 	snop  }
0x3c: {  	p2 =	seq.s32 s10, $0x1;
	s10 =	sld [smem:$0x3FB1]  }
0x3d: {  	_ =	shalt  }
0x3e: {  	_ =	shalt  }
0x3f: {  	_ =	shalt  }
0x40: {  	_ =	shalt  }
0x41: {  	_ =	shalt  }
0x42: {  	_ =	shalt  }
0x43: {  	_ =	shalt  }
0x44: {  	_ =	shalt  }
0x45: {  	_ =	shalt  }
0x46: {  	_ =	shalt  }
0x47: {  	_ =	shalt  }
0x48: {  	_ =	shalt  }
0x49: {  	_ =	shalt  }
0x4a: {  	_ =	shalt  }
0x4b: {  	_ =	shalt  }
0x4c: {  	_ =	shalt  }
0x4d: {  	_ =	shalt  }
0x4e: {  	_ =	shalt  }
0x4f: {  	_ =	shalt  }
0x50: {  	_ =	shalt  }
0x51: {  	_ =	shalt  }
0x52: {  	_ =	shalt  }
0x53: {  	_ =	shalt  }
0x54: {  	_ =	shalt  }
0x55: {  	_ =	shalt  }
0x56: {  	_ =	shalt  }
0x57: {  	_ =	shalt  }
0x58: {  	_ =	shalt  }
0x59: {  	_ =	shalt  }
0x5a: {  	_ =	shalt  }
0x5b: {  	_ =	shalt  }
0x5c: {  	_ =	shalt  }
0x5d: {  	_ =	shalt  }
0x5e: {  	_ =	shalt  }
0x5f: {  	_ =	shalt  }
0x60: {  	_ =	shalt  }
0x61: {  	_ =	shalt  }
0x62: {  	_ =	shalt  }
0x63: {  	_ =	shalt  }
0x64: {  	_ =	shalt  }
0x65: {  	_ =	shalt  }
0x66: {  	_ =	shalt  }
0x67: {  	_ =	shalt  }
0x68: {  	_ =	shalt  }
0x69: {  	_ =	shalt  }
0x6a: {  	_ =	shalt  }
0x6b: {  	_ =	shalt  }
0x6c: {  	_ =	shalt  }
0x6d: {  	_ =	shalt  }
0x6e: {  	_ =	shalt  }
0x6f: {  	_ =	shalt  }
0x70: {  	_ =	shalt  }
0x71: {  	_ =	shalt  }
0x72: {  	_ =	shalt  }
0x73: {  	_ =	shalt  }
0x74: {  	_ =	shalt  }
0x75: {  	_ =	shalt  }
0x76: {  	_ =	shalt  }
0x77: {  	_ =	shalt  }
0x78: {  	_ =	shalt  }
0x79: {  	_ =	shalt  }
0x7a: {  	_ =	shalt  }
0x7b: {  	_ =	shalt  }
0x7c: {  	_ =	shalt  }
0x7d: {  	_ =	shalt  }
0x7e: {  	_ =	shalt  }
0x7f: {  	_ =	shalt  }
0x80: {  	_ =	shalt  }
0x81: {  	_ =	shalt  }
0x82: {  	_ =	shalt  }
0x83: {  	_ =	shalt  }
0x84: {  	_ =	shalt  }
0x85: {  	_ =	shalt  }
0x86: {  	_ =	shalt  }
0x87: {  	_ =	shalt  }
.Lfunc_end0:
.L_simem_size_0:
called_computation_lowered:
.L_overlay_start_0:
0x88: {  	s2 =	sld [smem:$0x3FD9]  }
0x89: {  	s3 =	sld [smem:$0x3FFE];
	_ =	sdelay $0x1  }
0x8a: {  	s1 =	srdreg.scid  }
0x8b: {  	s0 =	sand.u32 $0x1, s1  }
0x8c: {  	s16 =	sshll.u32 s0, $0xA;
	s2 =	sadd.s32 s3, s2  }
0x8d: {  	s2 =	sadd.s32 s2, s16  }
0x8e: {  	[smem:$0x3FBD] =	sst s2  }
0x8f: {  	_ = 	snop  }
0x90: {  	(tm) =	ssettm $0x1  }
0x91: {  	s17 =	sld [smem:$0x3FFB];
	_ =	sdelay $0x3  }
0x92: {  	_ =	strace s17  }
0x93: {  	s2 =	sld [smem:$0x3FFC];
	_ =	sdelay $0x3  }
0x94: {  	_ =	strace s2  }
0x95: {  	s2 =	sld [smem:$0x3FFD];
	_ =	sdelay $0x3  }
0x96: {  	_ =	strace s2  }
0x97: {  	_ =	strace $0x8FFFFFFF  }
0x98: {  	s18 =	sld [smem:$0x3FDB];
	_ =	sdelay $0x1  }
0x99: {  	s19 =	simm.s32 $_scs_section_size  }
0x9a: {  	s4 =	simm.s32 $_size__tile_overlayer_lowered;
	s5 =	simm.s32 $_tile_overlayer_lowered  }
0x9b: {  	s22 =	simm.s32 $0x1BFF;
	s21 =	sshll.u32 s5, $0x1;
	s2 =	sadd.s32 s19, s18  }
0x9c: {  	s6 =	simm.s32 $0x0;
	s20 =	sshll.u32 s4, $0x1;
	s4 =	sadd.s32 s21, s2  }
0x9d: {  	[timem:s6], [sflag:s22] =	dma.local [hbm:s4], s20  }
0x9e: {  	_ =	swait.ge [sflag:s22], s20  }
0x9f: {  	s3 =	ssub.s32 $0x0, s20;
	[sflag:s22] =	ssyncset.done $0x0  }
0xa0: {  	[sflag:s22] =	ssyncadd.s32 s3;
	_ =	sdelay $0x1  }
0xa1: {  	s23 =	simm.s32 $0x1B8B  }
0xa2: {  	_ =	swait.ge [sflag:s23], $0x1  }
0xa3: {  	[sflag:s23] =	ssyncset.done $0x0  }
0xa4: {  	s25 =	simm.s32 $0x1B8E;
	s24 =	sld [smem:$0x3FFE];
	[sflag:s23] =	ssyncadd.s32 $0xFFFFFFFF  }
0xa5: {  	s26 =	simm.s32 $execute0_lowered;
	[smem:$0x3FD2] =	sst s25  }
0xa6: {  	s4 =	sshll.u32 s26, $0x1;
	_ =	strace $0x80000046;
	[dreg:$0x1] =	wrdreg $0xFFFFFFFF  }
0xa7: {  	s28 =	simm.s32 $_size_execute0_lowered;
	s2 =	sadd.s32 s2, s4;
	[dreg:$0x0] =	wrdreg $0x0  }
0xa8: {  	s4 =	sshll.u32 s28, $0x1;
	[dreg:$0x2] =	wrdreg s2  }
0xa9: {  	[dreg:$0x3] =	wrdreg s4  }
0xaa: {  	[dreg:$0x4] =	wrdreg $0xC0  }
0xab: {  	_ =	task [dreg:s6], $0x5FFFF  }
0xac: {  	[dreg:$0x1] =	wrdreg $0xFFFFFFFF  }
0xad: {  	[dreg:$0x0] =	wrdreg $0x60  }
0xae: {  	[dreg:$0x2] =	wrdreg s24  }
0xaf: {  	[dreg:$0x3] =	wrdreg $0x8A000  }
0xb0: {  	[dreg:$0x4] =	wrdreg $0x9  }
0xb1: {  	_ =	task.clear_ibuf [dreg:s6], $0x5FFFF;
	_ =	strace $0x90000046  }
0xb2: {  	s29 =	simm.s32 $0x9;
	_ =	strace $0x80000048  }
0xb3: {  	_ =	swait.ge [sflag:s29], $0x1  }
0xb4: {  	[sflag:s29] =	ssyncadd.s32 $0xFFFFFFFF  }
0xb5: {  	_ =	strace $0x90000048  }
0xb6: {  	_ =	sfence  }
0xb7: {  	s30 =	sld [smem:$0x0];
	_ =	sdelay $0x2  }
0xb8: {  	s31 =	sshll.u32 s1, $0xD;
	s1 =	sshrl.u32 s1, $0x2  }
0xb9: {  	s3 =	sand.u32 $0x4000, s31;
	s1 =	sadd.s32 s1, s30  }
0xba: {  	s0 =	sor.u32 s3, s0;
	s1 =	sshll.u32 s1, $0x11  }
0xbb: {  	s0 =	sor.u32 s1, s0  }
0xbc: {  	s0 =	sadd.s32 $0x8F2B, s0  }
0xbd: {  	[sflag:s0] =	ssyncadd.remote.s32 $0x1  }
0xbe: {  	_ =	sfence.sel $0xFFFF  }
0xbf: {  	[dreg:$0x0] =	wrdreg $0xFFFFFFFF;
	(pc) =	sbr.abs _section_cstart, $3  }
0xc0: {  	[dreg:$0x1] =	wrdreg $0xFFFFFFFF  }
0xc1: {  	_ =	task.clear_ibuf [dreg:s6], $0x2FFFF;
	_ =	strace $0x9FFFFFFF  }
0xc2: {  	(tm) =	ssettm $0x7FFFFFFF  }
0xc3: {  	_ =	shalt  }
tec
execute0_lowered:
.L_overlay_start_1:
0x0: {  	(tag) =	ssettag $0x1  }
0x1: {  	s0 =	rddreg [dreg:$0x0]  }
0x2: {  	s1 =	rddreg [dreg:$0x1]  }
0x3: {  	s2 =	srdreg.scid;
	s3 =	simm.s32 $0x0;
	s14 =	stileid.u32  }
0x4: {  	s30 =	simm.s32 $0x4;
	s31 =	simm.s32 $0x80;
	s2 =	sand.u32 $0x1, s2  }
0x5: {  	[smem:$0x7FF] =	sst s3;
	s7 =	smul.u32 $0x14000, s14;
	s4 =	sadd.s32 $0x17200, s0  }
0x6: {  	s5 =	sadd.s32 $0xCC00, s0;
	s9 =	sadd.s32 $0x2E00, s0;
	s11 =	smul.u32 $0x50000, s14  }
0x7: {  	s21 =	sshll.u32 s14, $0x6;
	s6 =	smul.u32 $0x140000, s2;
	_ =	strace $0x80000047  }
0x8: {  	s8 =	sshll.u32 s2, $0x4;
	s10 =	ssub.s32 $0x2, s2;
	s2 =	smul.u32 $0x27100, s2  }
0x9: {  	s8 =	sor.u32 s14, s8;
	s19 =	sshrl.u32 s10, $0x1;
	s20 =	sshrl.u32 s11, $0x2  }
0xa: {  	s14 =	smul.u32 $0x2710, s14;
	s7 =	sadd.s32 s7, s6;
	s6 =	sadd.s32 $0x16A00, s0  }
0xb: {  	s12 =	smul.u32 $0x2710, s8;
	s10 =	ssub.s32 s10, s19;
	s8 =	sor.u32 $0x1C04, s21  }
0xc: {  	s7 =	sshrl.u32 s7, $0x3;
	s2 =	sadd.s32 s14, s2;
	s10 =	smax.u32 s10, $0x1  }
0xd: {  	s0 =	sadd.s32 s7, s0;
	s7 =	sadd.s32 s20, s1;
	s22 =	sshrl.u32 s12, $0x3  }
0xe: {  	[dreg:$0xc] =	wrdreg s10;
	s14 =	sadd.s32 $0x180, s2;
	s10 =	simm.s32 $0x1  }
0xf: {  	s15 =	sadd.s32 s5, s22;
	s12 =	sadd.s32 s9, s22;
	s0 =	sadd.s32 $0x3E400, s0  }
0x10: {  	s13 =	sadd.s32 $0x4C0, s22;
	s16 =	sadd.s32 $0x4A0, s12;
	[dreg:$0xb] =	wrdreg s0  }
0x11: {  	s24 =	sadd.s32 $0x4D0, s22;
	s23 =	sadd.s32 s5, s13;
	[dreg:$0x3] =	wrdreg s16  }
0x12: {  	s11 =	sadd.s32 $0x4E0, s22;
	s12 =	sadd.s32 $0x4B0, s12;
	[dreg:$0x4] =	wrdreg s23  }
0x13: {  	s17 =	sadd.s32 $0x8000, s7;
	s25 =	sadd.s32 s5, s24;
	[dreg:$0x5] =	wrdreg s12  }
0x14: {  	s18 =	sshrl.u32 s14, $0x3;
	s13 =	sadd.s32 s9, s13;
	[dreg:$0x6] =	wrdreg s25  }
0x15: {  	s14 =	simm.s32 $0x8200;
	s26 =	sadd.s32 s5, s11;
	[dreg:$0x7] =	wrdreg s13  }
0x16: {  	s11 =	sadd.s32 s9, s11;
	s22 =	sadd.s32 s18, s5;
	[dreg:$0x9] =	wrdreg s26  }
0x17: {  	s29 =	sadd.s32 $0x10, s15;
	s12 =	sadd.s32 s9, s24;
	[dreg:$0xa] =	wrdreg s11  }
0x18: {  	s13 =	sadd.s32 $0x4000, s7;
	s16 =	sshrl.u32 s2, $0x3;
	s23 =	sadd.s32 $0x100, s2  }
0x19: {  	s24 =	sadd.s32 $0xC000, s7;
	s25 =	smov.u32 s7;
	s26 =	sadd.s32 $0x10000, s7  }
0x1a: {  	s11 =	simm.s32 $0x100;
	[dreg:$0x8] =	wrdreg s12;
	s12 =	sadd.s32 $0x80, s2  }
0x1b: {  	s21 =	sadd.s32 s16, s9;
	s19 =	sshrl.u32 s13, $0x3;
	s28 =	sshrl.u32 s26, $0x3  }
0x1c: {  	s26 =	smov.u32 s15;
	s2 =	simm.s32 $0x4200;
	s13 =	simm.s32 $0x10  }
0x1d: {  	s15 =	simm.s32 $0x3;
	s16 =	simm.s32 $0x0;
	s0 =	sshrl.u32 s12, $0x3  }
0x1e: {  	[dreg:$0xd] =	wrdreg s19;
	s20 =	sadd.s32 s0, s9;
	s0 =	sshrl.u32 s17, $0x3  }
0x1f: {  	s12 =	simm.s32 $0x2;
	[dreg:$0xe] =	wrdreg s0;
	s0 =	sshrl.u32 s24, $0x3  }
0x20: {  	s9 =	simm.s32 $0x180;
	[dreg:$0xf] =	wrdreg s0;
	s0 =	simm.s32 $0x200  }
.LBB2_1:
0x21: {  	s17 =	sshrl.u32 s25, $0x3  }
0x22: {  	[spmem:s17], [sflag:s8] =	dma.local [hbm:s6], $0x800  }
0x23: {  	_ =	swait.ge [sflag:s30], $0x800  }
0x24: {  	[sflag:s30] =	ssyncset.done $0x0  }
0x25: {  	s7 =	rddreg [dreg:$0xd];
	[sflag:s30] =	ssyncadd.s32 $0xFFFFF800  }
0x26: {  	[spmem:s7], [sflag:s8] =	dma.local [hbm:s6], $0x800  }
0x27: {  	_ =	swait.ge [sflag:s30], $0x800  }
0x28: {  	[sflag:s30] =	ssyncset.done $0x0  }
0x29: {  	s19 =	rddreg [dreg:$0xe];
	[sflag:s30] =	ssyncadd.s32 $0xFFFFF800  }
0x2a: {  	[spmem:s19], [sflag:s8] =	dma.local [hbm:s6], $0x800  }
0x2b: {  	_ =	swait.ge [sflag:s30], $0x800  }
0x2c: {  	[sflag:s30] =	ssyncset.done $0x0  }
0x2d: {  	s24 =	rddreg [dreg:$0xf];
	[sflag:s30] =	ssyncadd.s32 $0xFFFFF800  }
0x2e: {  	[spmem:s24], [sflag:s8] =	dma.local [hbm:s6], $0x800  }
0x2f: {  	_ =	swait.ge [sflag:s30], $0x800  }
0x30: {  	[sflag:s30] =	ssyncset.done $0x0  }
0x31: {  	[sflag:s30] =	ssyncadd.s32 $0xFFFFF800  }
0x32: {  	[spmem:s28], [sflag:s8] =	dma.local [hbm:s6], $0x800  }
0x33: {  	_ =	swait.ge [sflag:s30], $0x800  }
0x34: {  	[sflag:s30] =	ssyncset.done $0x0  }
0x35: {  	[sflag:s30] =	ssyncadd.s32 $0xFFFFF800  }
0x36: {  	[bflag:$0x0] =	sbarrier.arrive $0xFFFF  }
0x37: {  	[tilespmem:s3], [sflag:$0x4] =	stream.linear.gather [hbm4b:s26+s3], $0x80, $0x38;
	[tilespmem:$0x1CA00] =	vst v63  }
0x38: {  	_ =	swait.ge [sflag:s30], $0x80  }
0x39: {  	[sflag:s30] =	ssyncset.done $0x0  }
0x3a: {  	[sflag:s30] =	ssyncadd.s32 $0xFFFFFF80  }
0x3b: {  	[tilespmem:s0], [sflag:$0x1] =	stream.indirect.gather [hbm4b:s4+s31], $0x80, s3, s31, $0xb8;
	[tilespmem:$0x1CA00] =	vst v63  }
0x3c: {  	_ = 	snop  }
0x3d: {  	[tilespmem:s31], [sflag:$0x4] =	stream.linear.gather [hbm4b:s29+s3], $0x80, $0x38;
	[tilespmem:$0x1CA00] =	vst v63  }
0x3e: {  	_ =	swait.ge [sflag:s30], $0x80  }
0x3f: {  	[sflag:s30] =	ssyncset.done $0x0  }
0x40: {  	[sflag:s30] =	ssyncadd.s32 $0xFFFFFF80  }
0x41: {  	[tilespmem:s2], [sflag:$0x2] =	stream.indirect.gather [hbm4b:s4+s31], $0x80, s31, s31, $0xb8;
	[tilespmem:$0x1CA00] =	vst v63  }
0x42: {  	_ =	swait.ge [sflag:s10], $0x4000  }
0x43: {  	[sflag:s10] =	ssyncset.done $0x0  }
0x44: {  	s18 =	sadd.s32 $0x0, s21;
	[sflag:s10] =	ssyncadd.s32 $0xFFFFC000  }
0x45: {  	[tilespmem:s11], [sflag:$0x4] =	stream.linear.gather [hbm4b:s18+s3], $0x80, $0x38;
	[tilespmem:$0x1CA00] =	vst v63  }
0x46: {  	_ =	swait.ge [sflag:s30], $0x80  }
0x47: {  	[sflag:s30] =	ssyncset.done $0x0  }
0x48: {  	[sflag:s30] =	ssyncadd.s32 $0xFFFFFF80  }
0x49: {  	[spmem:s1] =	stream.indirect.scatter.add.f32 [tilespmem:s0], [sflag:$0x4], $0x80, s11, s31, $0xb8;
	[tilespmem:$0x1CA00] =	vst v63  }
0x4a: {  	_ =	swait.ge [sflag:s30], $0x4000  }
0x4b: {  	s7 =	sshrl.u32 s23, $0x3;
	[sflag:s30] =	ssyncset.done $0x0  }
0x4c: {  	s18 =	sadd.s32 s5, s7;
	[sflag:s30] =	ssyncadd.s32 $0xFFFFC000  }
0x4d: {  	[tilespmem:s3], [sflag:$0x4] =	stream.linear.gather [hbm4b:s18+s3], $0x80, $0x38;
	[tilespmem:$0x1CA00] =	vst v63  }
0x4e: {  	_ =	swait.ge [sflag:s30], $0x80  }
0x4f: {  	[sflag:s30] =	ssyncset.done $0x0  }
0x50: {  	[sflag:s30] =	ssyncadd.s32 $0xFFFFFF80  }
0x51: {  	[tilespmem:s0], [sflag:$0x1] =	stream.indirect.gather [hbm4b:s4+s31], $0x80, s3, s31, $0xb8;
	[tilespmem:$0x1CA00] =	vst v63  }
0x52: {  	_ =	swait.ge [sflag:s12], $0x4000  }
0x53: {  	[sflag:s12] =	ssyncset.done $0x0  }
0x54: {  	s19 =	sadd.s32 $0x0, s20;
	[sflag:s12] =	ssyncadd.s32 $0xFFFFC000  }
0x55: {  	[tilespmem:s11], [sflag:$0x4] =	stream.linear.gather [hbm4b:s19+s3], $0x80, $0x38;
	[tilespmem:$0x1CA00] =	vst v63  }
0x56: {  	_ =	swait.ge [sflag:s30], $0x80  }
0x57: {  	[sflag:s30] =	ssyncset.done $0x0  }
0x58: {  	[sflag:s30] =	ssyncadd.s32 $0xFFFFFF80  }
0x59: {  	[spmem:s1] =	stream.indirect.scatter.add.f32 [tilespmem:s2], [sflag:$0x4], $0x80, s11, s31, $0xb8;
	[tilespmem:$0x1CA00] =	vst v63  }
0x5a: {  	_ =	swait.ge [sflag:s30], $0x4000  }
0x5b: {  	[sflag:s30] =	ssyncset.done $0x0  }
0x5c: {  	s24 =	sadd.s32 $0x0, s22;
	[sflag:s30] =	ssyncadd.s32 $0xFFFFC000  }
0x5d: {  	[tilespmem:s31], [sflag:$0x4] =	stream.linear.gather [hbm4b:s24+s3], $0x80, $0x38;
	[tilespmem:$0x1CA00] =	vst v63  }
0x5e: {  	_ =	swait.ge [sflag:s30], $0x80  }
0x5f: {  	[sflag:s30] =	ssyncset.done $0x0  }
0x60: {  	s18 =	simm.s32 $0x20;
	s19 =	sadd.s32 $0x100, s23;
	[sflag:s30] =	ssyncadd.s32 $0xFFFFFF80  }
.LBB2_2:
0x61: {  	[tilespmem:s2], [sflag:$0x2] =	stream.indirect.gather [hbm4b:s4+s31], $0x80, s31, s31, $0xb8;
	[tilespmem:$0x1CA00] =	vst v63  }
0x62: {  	s24 =	smov.u32 s18  }
0x63: {  	p0 =	sne.s32 s18, $0x480;
	s18 =	sadd.s32 $0x20, s18;
	_ =	swait.ge [sflag:s10], $0x4000  }
0x64: {  	[sflag:s10] =	ssyncset.done $0x0  }
0x65: {  	s7 =	sadd.s32 s24, s21;
	[sflag:s10] =	ssyncadd.s32 $0xFFFFC000  }
0x66: {  	[tilespmem:s11], [sflag:$0x4] =	stream.linear.gather [hbm4b:s7+s3], $0x80, $0x38;
	[tilespmem:$0x1CA00] =	vst v63  }
0x67: {  	_ =	swait.ge [sflag:s30], $0x80  }
0x68: {  	[sflag:s30] =	ssyncset.done $0x0  }
0x69: {  	[sflag:s30] =	ssyncadd.s32 $0xFFFFFF80  }
0x6a: {  	[spmem:s1] =	stream.indirect.scatter.add.f32 [tilespmem:s0], [sflag:$0x4], $0x80, s11, s31, $0xb8;
	[tilespmem:$0x1CA00] =	vst v63  }
0x6b: {  	_ =	swait.ge [sflag:s30], $0x4000  }
0x6c: {  	s7 =	sshrl.u32 s19, $0x3;
	[sflag:s30] =	ssyncset.done $0x0  }
0x6d: {  	s7 =	sadd.s32 s5, s7;
	[sflag:s30] =	ssyncadd.s32 $0xFFFFC000  }
0x6e: {  	[tilespmem:s3], [sflag:$0x4] =	stream.linear.gather [hbm4b:s7+s3], $0x80, $0x38;
	[tilespmem:$0x1CA00] =	vst v63  }
0x6f: {  	_ =	swait.ge [sflag:s30], $0x80  }
0x70: {  	[sflag:s30] =	ssyncset.done $0x0  }
0x71: {  	[sflag:s30] =	ssyncadd.s32 $0xFFFFFF80  }
0x72: {  	[tilespmem:s0], [sflag:$0x1] =	stream.indirect.gather [hbm4b:s4+s31], $0x80, s3, s31, $0xb8;
	[tilespmem:$0x1CA00] =	vst v63  }
0x73: {  	_ =	swait.ge [sflag:s12], $0x4000  }
0x74: {  	[sflag:s12] =	ssyncset.done $0x0  }
0x75: {  	s7 =	sadd.s32 s24, s20;
	[sflag:s12] =	ssyncadd.s32 $0xFFFFC000  }
0x76: {  	[tilespmem:s11], [sflag:$0x4] =	stream.linear.gather [hbm4b:s7+s3], $0x80, $0x38;
	[tilespmem:$0x1CA00] =	vst v63  }
0x77: {  	_ =	swait.ge [sflag:s30], $0x80  }
0x78: {  	[sflag:s30] =	ssyncset.done $0x0  }
0x79: {  	[sflag:s30] =	ssyncadd.s32 $0xFFFFFF80  }
0x7a: {  	[spmem:s1] =	stream.indirect.scatter.add.f32 [tilespmem:s2], [sflag:$0x4], $0x80, s11, s31, $0xb8;
	[tilespmem:$0x1CA00] =	vst v63  }
0x7b: {  	_ =	swait.ge [sflag:s30], $0x4000  }
0x7c: {  	[sflag:s30] =	ssyncset.done $0x0  }
.Ltmp0:
0x7d: {  	s7 =	sadd.s32 s24, s22;
	[sflag:s30] =	ssyncadd.s32 $0xFFFFC000;
	(pc) =	sbr.rel @p0 .LBB2_2-.Ltmp0, $4  }
0x7e: {  	[tilespmem:s31], [sflag:$0x4] =	stream.linear.gather [hbm4b:s7+s3], $0x80, $0x38;
	[tilespmem:$0x1CA00] =	vst v63  }
0x7f: {  	_ =	swait.ge [sflag:s30], $0x80  }
0x80: {  	[sflag:s30] =	ssyncset.done $0x0  }
0x81: {  	s19 =	sadd.s32 $0x100, s19;
	[sflag:s30] =	ssyncadd.s32 $0xFFFFFF80  }
0x82: {  	[tilespmem:s2], [sflag:$0x2] =	stream.indirect.gather [hbm4b:s4+s31], $0x80, s31, s31, $0xb8;
	[tilespmem:$0x1CA00] =	vst v63  }
0x83: {  	_ =	swait.ge [sflag:s10], $0x4000  }
0x84: {  	[sflag:s10] =	ssyncset.done $0x0  }
0x85: {  	s7 =	rddreg [dreg:$0x3];
	[sflag:s10] =	ssyncadd.s32 $0xFFFFC000  }
0x86: {  	[tilespmem:s11], [sflag:$0x4] =	stream.linear.gather [hbm4b:s7+s3], $0x80, $0x38;
	[tilespmem:$0x1CA00] =	vst v63  }
0x87: {  	_ =	swait.ge [sflag:s30], $0x80  }
0x88: {  	[sflag:s30] =	ssyncset.done $0x0  }
0x89: {  	[sflag:s30] =	ssyncadd.s32 $0xFFFFFF80  }
0x8a: {  	[spmem:s1] =	stream.indirect.scatter.add.f32 [tilespmem:s0], [sflag:$0x4], $0x80, s11, s31, $0xb8;
	[tilespmem:$0x1CA00] =	vst v63  }
0x8b: {  	_ =	swait.ge [sflag:s30], $0x4000  }
0x8c: {  	[sflag:s30] =	ssyncset.done $0x0  }
0x8d: {  	s18 =	rddreg [dreg:$0x4];
	[sflag:s30] =	ssyncadd.s32 $0xFFFFC000  }
0x8e: {  	[tilespmem:s3], [sflag:$0x4] =	stream.linear.gather [hbm4b:s18+s3], $0x80, $0x38;
	[tilespmem:$0x1CA00] =	vst v63  }
0x8f: {  	_ =	swait.ge [sflag:s30], $0x80  }
0x90: {  	[sflag:s30] =	ssyncset.done $0x0  }
0x91: {  	[sflag:s30] =	ssyncadd.s32 $0xFFFFFF80  }
0x92: {  	[tilespmem:s0], [sflag:$0x1] =	stream.indirect.gather [hbm4b:s4+s31], $0x80, s3, s31, $0xb8;
	[tilespmem:$0x1CA00] =	vst v63  }
0x93: {  	_ =	swait.ge [sflag:s12], $0x4000  }
0x94: {  	[sflag:s12] =	ssyncset.done $0x0  }
0x95: {  	s19 =	rddreg [dreg:$0x5];
	[sflag:s12] =	ssyncadd.s32 $0xFFFFC000  }
0x96: {  	[tilespmem:s11], [sflag:$0x4] =	stream.linear.gather [hbm4b:s19+s3], $0x80, $0x38;
	[tilespmem:$0x1CA00] =	vst v63  }
0x97: {  	_ =	swait.ge [sflag:s30], $0x80  }
0x98: {  	[sflag:s30] =	ssyncset.done $0x0  }
0x99: {  	[sflag:s30] =	ssyncadd.s32 $0xFFFFFF80  }
0x9a: {  	[spmem:s1] =	stream.indirect.scatter.add.f32 [tilespmem:s2], [sflag:$0x4], $0x80, s11, s31, $0xb8;
	[tilespmem:$0x1CA00] =	vst v63  }
0x9b: {  	_ =	swait.ge [sflag:s30], $0x4000  }
0x9c: {  	[sflag:s30] =	ssyncset.done $0x0  }
0x9d: {  	s24 =	rddreg [dreg:$0x6];
	[sflag:s30] =	ssyncadd.s32 $0xFFFFC000  }
0x9e: {  	[tilespmem:s31], [sflag:$0x4] =	stream.linear.gather [hbm4b:s24+s3], $0x80, $0x38;
	[tilespmem:$0x1CA00] =	vst v63  }
0x9f: {  	_ =	swait.ge [sflag:s30], $0x80  }
0xa0: {  	[sflag:s30] =	ssyncset.done $0x0  }
0xa1: {  	[sflag:s30] =	ssyncadd.s32 $0xFFFFFF80  }
0xa2: {  	[tilespmem:s2], [sflag:$0x2] =	stream.indirect.gather [hbm4b:s4+s31], $0x80, s31, s31, $0xb8;
	[tilespmem:$0x1CA00] =	vst v63  }
0xa3: {  	_ =	swait.ge [sflag:s10], $0x4000  }
0xa4: {  	[sflag:s10] =	ssyncset.done $0x0  }
0xa5: {  	s18 =	rddreg [dreg:$0x7];
	[sflag:s10] =	ssyncadd.s32 $0xFFFFC000  }
0xa6: {  	[tilespmem:s11], [sflag:$0x4] =	stream.linear.gather [hbm4b:s18+s3], $0x80, $0x38;
	[tilespmem:$0x1CA00] =	vst v63  }
0xa7: {  	_ =	swait.ge [sflag:s30], $0x80  }
0xa8: {  	[sflag:s30] =	ssyncset.done $0x0  }
0xa9: {  	[sflag:s30] =	ssyncadd.s32 $0xFFFFFF80  }
0xaa: {  	[spmem:s1] =	stream.indirect.scatter.add.f32 [tilespmem:s0], [sflag:$0x4], $0x80, s11, s31, $0xb8;
	[tilespmem:$0x1CA00] =	vst v63  }
0xab: {  	_ =	swait.ge [sflag:s30], $0x4000  }
0xac: {  	[sflag:s30] =	ssyncset.done $0x0  }
0xad: {  	[sflag:s30] =	ssyncadd.s32 $0xFFFFC000  }
0xae: {  	_ =	swait.ge [sflag:s12], $0x4000  }
0xaf: {  	[sflag:s12] =	ssyncset.done $0x0  }
0xb0: {  	s19 =	rddreg [dreg:$0x8];
	[sflag:s12] =	ssyncadd.s32 $0xFFFFC000  }
0xb1: {  	[tilespmem:s11], [sflag:$0x4] =	stream.linear.gather [hbm4b:s19+s3], $0x80, $0x38;
	[tilespmem:$0x1CA00] =	vst v63  }
0xb2: {  	_ =	swait.ge [sflag:s30], $0x80  }
0xb3: {  	[sflag:s30] =	ssyncset.done $0x0  }
0xb4: {  	[sflag:s30] =	ssyncadd.s32 $0xFFFFFF80  }
0xb5: {  	[spmem:s1] =	stream.indirect.scatter.add.f32 [tilespmem:s2], [sflag:$0x4], $0x80, s11, s31, $0xb8;
	[tilespmem:$0x1CA00] =	vst v63  }
0xb6: {  	_ =	swait.ge [sflag:s30], $0x4000  }
0xb7: {  	[sflag:s30] =	ssyncset.done $0x0  }
0xb8: {  	s24 =	rddreg [dreg:$0x9];
	[sflag:s30] =	ssyncadd.s32 $0xFFFFC000  }
0xb9: {  	[tilespmem:s9], [sflag:$0x4] =	stream.linear.gather [hbm4b:s24+s3], $0x10, $0x38;
	[tilespmem:$0x1CA00] =	vst v63  }
0xba: {  	_ =	swait.ge [sflag:s30], $0x10  }
0xbb: {  	[sflag:s30] =	ssyncset.done $0x0  }
0xbc: {  	[sflag:s30] =	ssyncadd.s32 $0xFFFFFFF0  }
0xbd: {  	[tilespmem:s14], [sflag:$0x3] =	stream.indirect.gather [hbm4b:s4+s13], $0x80, s9, s13, $0xb8;
	[tilespmem:$0x1CA00] =	vst v63  }
0xbe: {  	_ =	swait.ge [sflag:s15], $0x800  }
0xbf: {  	[sflag:s15] =	ssyncset.done $0x0  }
0xc0: {  	s18 =	rddreg [dreg:$0xa];
	[sflag:s15] =	ssyncadd.s32 $0xFFFFF800  }
0xc1: {  	[tilespmem:s9], [sflag:$0x4] =	stream.linear.gather [hbm4b:s18+s3], $0x10, $0x38;
	[tilespmem:$0x1CA00] =	vst v63  }
0xc2: {  	_ =	swait.ge [sflag:s30], $0x10  }
0xc3: {  	[sflag:s30] =	ssyncset.done $0x0  }
0xc4: {  	[sflag:s30] =	ssyncadd.s32 $0xFFFFFFF0  }
0xc5: {  	[spmem:s1] =	stream.indirect.scatter.add.f32 [tilespmem:s14], [sflag:$0x4], $0x80, s9, s13, $0xb8;
	[tilespmem:$0x1CA00] =	vst v63  }
0xc6: {  	_ =	swait.ge [sflag:s30], $0x800  }
0xc7: {  	[sflag:s30] =	ssyncset.done $0x0  }
0xc8: {  	[sflag:s30] =	ssyncadd.s32 $0xFFFFF800  }
0xc9: {  	[bflag:$0x0] =	sbarrier.arrive $0xFFFF  }
0xca: {  	s19 =	rddreg [dreg:$0xb]  }
0xcb: {  	[hbm:s19], [sflag:s8] =	dma.local [spmem:s17], $0x2800  }
0xcc: {  	_ =	swait.ge [sflag:s30], $0x2800  }
0xcd: {  	s16 =	sadd.s32 $0x1, s16;
	s24 =	rddreg [dreg:$0xc]  }
0xce: {  	p0 =	sne.s32 s16, s24  }
.Ltmp1:
0xcf: {  	_ = 	snop;
	(pc) =	sbr.rel @p0 .LBB2_1-.Ltmp1, $3  }
0xd0: {  	_ =	sdelay $0x1  }
0xd1: {  	[sflag:s30] =	ssyncset.done $0x0  }
0xd2: {  	[sflag:s30] =	ssyncadd.s32 $0xFFFFD800  }
0xd3: {  	_ =	sfence.sel $0x180000  }
0xd4: {  	[bflag:$0x0] =	sbarrier.arrive $0xFFFF  }
0xd5: {  	_ =	strace $0x90000047  }
0xd6: {  	s0 =	stileid.u32;
	[bflag:$0x2] =	sbarrier.arrive $0xFFFF  }
0xd7: {  	p0 =	sne.s32 s0, $0x0;
	s0 =	rddreg [dreg:$0x2]  }
0xd8: {  	s0 =	sadd.s32 @!p0 $0x100000, s0  }
0xd9: {  	[sflag:s0] =	ssyncadd.tile.s32 @!p0 $0x1;
	_ =	shalt  }
.Lfunc_end2:
_tile_overlayer_lowered:
.L_overlay_start_2:
0xda: {  	(tag) =	ssettag $0x2  }
0xdb: {  	s0 =	rddreg [dreg:$0x0];
	s2 =	stileid.u32  }
0xdc: {  	s1 =	rddreg [dreg:$0x1];
	p0 =	sne.s32 s2, $0x0  }
0xdd: {  	s3 =	rddreg [dreg:$0x2];
	[bflag:$0x3] =	sbarrier.arrive $0xFFFF;
	s2 =	simm.s32 @!p0 $0x1C04  }
0xde: {  	[timem:s3], [sflag:s2] =	dma.local @!p0 [hbm:s0], s1  }
0xdf: {  	s0 =	simm.s32 @!p0 $0x4  }
0xe0: {  	_ =	swait.ge @!p0 [sflag:s0], s1  }
0xe1: {  	s1 =	ssub.s32 @!p0 $0x0, s1;
	[sflag:s0] =	ssyncset.done @!p0 $0x0  }
0xe2: {  	[sflag:s0] =	ssyncadd.s32 @!p0 s1  }
0xe3: {  	[bflag:$0x3] =	sbarrier.arrive $0xFFFF  }
0xe4: {  	_ =	shalt  }

// kernel: kernel.14.cloned.1.call-start
scs
__scs_entry_jumppad:
0x0: {  	(pc) =	sbr.rel $0x88, $3  }
0x1: {  	(tag) =	ssettag $0x0;
	lr =	simm.s32 $0x1  }
0x2: {  	[smem:$0x3F96] =	sst lr;
	_ =	strace $0xD0000000  }
0x3: {  	_ = 	snop  }
0x4: {  	_ = 	snop  }
0x5: {  	_ = 	snop  }
0x6: {  	_ = 	snop  }
0x7: {  	_ = 	snop  }
__scs_overlays_trampoline_lowered:
0x8: {  	[smem:$0x3FA5] =	sst s0  }
0x9: {  	[smem:$0x3FA6] =	sst s1  }
0xa: {  	[smem:$0x3FA7] =	sst s2  }
0xb: {  	[smem:$0x3FA8] =	sst s3  }
0xc: {  	[smem:$0x3FA9] =	sst s4  }
0xd: {  	[smem:$0x3FAA] =	sst s5  }
0xe: {  	[smem:$0x3FAB] =	sst s6  }
0xf: {  	[smem:$0x3FAC] =	sst s7  }
0x10: {  	[smem:$0x3FAD] =	sst s8  }
0x11: {  	[smem:$0x3FAE] =	sst s9;
	s0 =	simm.s32 @!p0 $0x0  }
0x12: {  	s1 =	sld [smem:$0x3F94];
	s0 =	simm.s32 @p0 $0x1  }
0x13: {  	[smem:$0x3FAF] =	sst s0;
	s0 =	simm.s32 @!p1 $0x0  }
0x14: {  	s2 =	sld [smem:$0x3F93];
	s0 =	simm.s32 @p1 $0x1  }
0x15: {  	[smem:$0x3FB0] =	sst s0;
	s0 =	simm.s32 @!p2 $0x0  }
0x16: {  	s3 =	sld [smem:$0x3FDB];
	s0 =	simm.s32 @p2 $0x1  }
0x17: {  	s4 =	simm.s32 $0x1BF5;
	[smem:$0x3FB2] =	sst s0  }
0x18: {  	s0 =	sld [smem:$0x3F95];
	_ =	swait.ge [sflag:s4], $0x0  }
0x19: {  	s7 =	sld [smem:$0x3F96]  }
0x1a: {  	s8 =	sadd.s32 $0xFFFFE003, lr  }
0x1b: {  	s9 =	sadd.s32 $0xFFFFFEF7, lr;
	s5 =	simm.s32 $0xFFFFFFFF;
	p2 =	slt.u32 s8, $0xFFFFF086  }
0x1c: {  	p1 =	slt.u32 s9, $0xF7A;
	s5 =	simm.s32 @!p2 $0x0  }
0x1d: {  	s5 =	simm.s32 @p1 $0x1;
	p0 =	seq.s32 s7, s2  }
0x1e: {  	s7 =	smul.u32 @!p0 $0xF7A, s2;
	p2 =	seq.s32 @!p0 s5, $0x0  }
0x1f: {  	s9 =	smul.u32 $0xF7A, s1;
	s8 =	simm.s32 @!p0 $0x1BF5;
	p2 =	por !p2, p0  }
0x20: {  	[sflag:s8] =	ssyncset.s32 @!p0 $0xFFFFF086;
	s6 =	sadd.s32 @!p0 s3, s7;
	s7 =	simm.s32 @!p0 $0x108  }
0x21: {  	s3 =	sadd.s32 s3, s9;
	s6 =	sadd.s32 @!p0 $0x88, s6;
	s7 =	simm.s32 @p2 $0x1082  }
0x22: {  	[simem:s7], [sflag:s8] =	dma.local @!p0 [hbm:s6], $0xF7A  }
0x23: {  	s9 =	sor.u32 $0xD0000000, s2;
	s6 =	simm.s32 $0x108;
	_ =	swait.ge @!p0 [sflag:s8], $0x0  }
0x24: {  	s3 =	sadd.s32 $0x88, s3;
	s6 =	simm.s32 @!p1 $0x1082;
	[sflag:s4] =	ssyncset.s32 $0xFFFFF086  }
0x25: {  	[simem:s6], [sflag:s4] =	dma.local [hbm:s3], $0xF7A  }
0x26: {  	[smem:$0x3F96] =	sst s1;
	(tag) =	ssettag s2;
	_ =	strace s9  }
0x27: {  	s1 =	sld [smem:$0x3FA6]  }
0x28: {  	s2 =	sld [smem:$0x3FA7]  }
0x29: {  	s4 =	sld [smem:$0x3FA9]  }
0x2a: {  	p0 =	seq.s32 s5, $0x0;
	s5 =	sld [smem:$0x3FAA]  }
0x2b: {  	s6 =	sld [smem:$0x3FAB]  }
0x2c: {  	s7 =	sld [smem:$0x3FAC]  }
0x2d: {  	s3 =	simm.s32 $0x108;
	s8 =	sld [smem:$0x3FAD]  }
0x2e: {  	s3 =	simm.s32 @!p0 $0x1082;
	s9 =	sld [smem:$0x3FAE]  }
0x2f: {  	lr =	sadd.s32 s0, s3;
	s0 =	sld [smem:$0x3FA5]  }
0x30: {  	s3 =	sld [smem:$0x3FA8]  }
0x31: {  	[smem:$0x3FB1] =	sst s10  }
0x32: {  	s10 =	sld [smem:$0x3FAF];
	_ =	sdelay $0x3  }
0x33: {  	p0 =	seq.s32 s10, $0x1;
	s10 =	sld [smem:$0x3FB1];
	_ =	sdelay $0x3  }
0x34: {  	[smem:$0x3FB1] =	sst s10  }
0x35: {  	s10 =	sld [smem:$0x3FB0];
	_ =	sdelay $0x3  }
0x36: {  	p1 =	seq.s32 s10, $0x1;
	s10 =	sld [smem:$0x3FB1];
	_ =	sdelay $0x3  }
0x37: {  	[smem:$0x3FB1] =	sst s10  }
0x38: {  	s10 =	sld [smem:$0x3FB2]  }
0x39: {  	_ = 	snop;
	(pc) =	sbr.ind lr, $3  }
0x3a: {  	_ = 	snop  }
0x3b: {  	_ = 	snop  }
0x3c: {  	p2 =	seq.s32 s10, $0x1;
	s10 =	sld [smem:$0x3FB1]  }
0x3d: {  	_ =	shalt  }
0x3e: {  	_ =	shalt  }
0x3f: {  	_ =	shalt  }
0x40: {  	_ =	shalt  }
0x41: {  	_ =	shalt  }
0x42: {  	_ =	shalt  }
0x43: {  	_ =	shalt  }
0x44: {  	_ =	shalt  }
0x45: {  	_ =	shalt  }
0x46: {  	_ =	shalt  }
0x47: {  	_ =	shalt  }
0x48: {  	_ =	shalt  }
0x49: {  	_ =	shalt  }
0x4a: {  	_ =	shalt  }
0x4b: {  	_ =	shalt  }
0x4c: {  	_ =	shalt  }
0x4d: {  	_ =	shalt  }
0x4e: {  	_ =	shalt  }
0x4f: {  	_ =	shalt  }
0x50: {  	_ =	shalt  }
0x51: {  	_ =	shalt  }
0x52: {  	_ =	shalt  }
0x53: {  	_ =	shalt  }
0x54: {  	_ =	shalt  }
0x55: {  	_ =	shalt  }
0x56: {  	_ =	shalt  }
0x57: {  	_ =	shalt  }
0x58: {  	_ =	shalt  }
0x59: {  	_ =	shalt  }
0x5a: {  	_ =	shalt  }
0x5b: {  	_ =	shalt  }
0x5c: {  	_ =	shalt  }
0x5d: {  	_ =	shalt  }
0x5e: {  	_ =	shalt  }
0x5f: {  	_ =	shalt  }
0x60: {  	_ =	shalt  }
0x61: {  	_ =	shalt  }
0x62: {  	_ =	shalt  }
0x63: {  	_ =	shalt  }
0x64: {  	_ =	shalt  }
0x65: {  	_ =	shalt  }
0x66: {  	_ =	shalt  }
0x67: {  	_ =	shalt  }
0x68: {  	_ =	shalt  }
0x69: {  	_ =	shalt  }
0x6a: {  	_ =	shalt  }
0x6b: {  	_ =	shalt  }
0x6c: {  	_ =	shalt  }
0x6d: {  	_ =	shalt  }
0x6e: {  	_ =	shalt  }
0x6f: {  	_ =	shalt  }
0x70: {  	_ =	shalt  }
0x71: {  	_ =	shalt  }
0x72: {  	_ =	shalt  }
0x73: {  	_ =	shalt  }
0x74: {  	_ =	shalt  }
0x75: {  	_ =	shalt  }
0x76: {  	_ =	shalt  }
0x77: {  	_ =	shalt  }
0x78: {  	_ =	shalt  }
0x79: {  	_ =	shalt  }
0x7a: {  	_ =	shalt  }
0x7b: {  	_ =	shalt  }
0x7c: {  	_ =	shalt  }
0x7d: {  	_ =	shalt  }
0x7e: {  	_ =	shalt  }
0x7f: {  	_ =	shalt  }
0x80: {  	_ =	shalt  }
0x81: {  	_ =	shalt  }
0x82: {  	_ =	shalt  }
0x83: {  	_ =	shalt  }
0x84: {  	_ =	shalt  }
0x85: {  	_ =	shalt  }
0x86: {  	_ =	shalt  }
0x87: {  	_ =	shalt  }
.Lfunc_end0:
.L_simem_size_0:
called_computation.1_lowered:
.L_overlay_start_0:
0x88: {  	s2 =	sld [smem:$0x3FD9]  }
0x89: {  	s3 =	sld [smem:$0x3FFE];
	_ =	sdelay $0x1  }
0x8a: {  	s1 =	srdreg.scid  }
0x8b: {  	s0 =	sand.u32 $0x1, s1  }
0x8c: {  	s16 =	sshll.u32 s0, $0xA;
	s2 =	sadd.s32 s3, s2  }
0x8d: {  	s2 =	sadd.s32 s2, s16  }
0x8e: {  	[smem:$0x3FBD] =	sst s2  }
0x8f: {  	_ = 	snop  }
0x90: {  	(tm) =	ssettm $0x1  }
0x91: {  	s17 =	sld [smem:$0x3FFB];
	_ =	sdelay $0x3  }
0x92: {  	_ =	strace s17  }
0x93: {  	s2 =	sld [smem:$0x3FFC];
	_ =	sdelay $0x3  }
0x94: {  	_ =	strace s2  }
0x95: {  	s2 =	sld [smem:$0x3FFD];
	_ =	sdelay $0x3  }
0x96: {  	_ =	strace s2  }
0x97: {  	_ =	strace $0x8FFFFFFF  }
0x98: {  	s18 =	sld [smem:$0x3FDB];
	_ =	sdelay $0x1  }
0x99: {  	s19 =	simm.s32 $_scs_section_size  }
0x9a: {  	s4 =	simm.s32 $_size__tile_overlayer_lowered;
	s5 =	simm.s32 $_tile_overlayer_lowered  }
0x9b: {  	s22 =	simm.s32 $0x1BFF;
	s21 =	sshll.u32 s5, $0x1;
	s2 =	sadd.s32 s19, s18  }
0x9c: {  	s6 =	simm.s32 $0x0;
	s20 =	sshll.u32 s4, $0x1;
	s4 =	sadd.s32 s21, s2  }
0x9d: {  	[timem:s6], [sflag:s22] =	dma.local [hbm:s4], s20  }
0x9e: {  	_ =	swait.ge [sflag:s22], s20  }
0x9f: {  	s3 =	ssub.s32 $0x0, s20;
	[sflag:s22] =	ssyncset.done $0x0  }
0xa0: {  	[sflag:s22] =	ssyncadd.s32 s3;
	_ =	sdelay $0x1  }
0xa1: {  	s23 =	simm.s32 $0x1B8B  }
0xa2: {  	_ =	swait.ge [sflag:s23], $0x1  }
0xa3: {  	[sflag:s23] =	ssyncset.done $0x0  }
0xa4: {  	s25 =	simm.s32 $0x1B8E;
	s24 =	sld [smem:$0x3FFE];
	[sflag:s23] =	ssyncadd.s32 $0xFFFFFFFF  }
0xa5: {  	s26 =	simm.s32 $execute0_lowered;
	[smem:$0x3FD2] =	sst s25  }
0xa6: {  	s4 =	sshll.u32 s26, $0x1;
	_ =	strace $0x80000049;
	[dreg:$0x1] =	wrdreg $0xFFFFFFFF  }
0xa7: {  	s28 =	simm.s32 $_size_execute0_lowered;
	s2 =	sadd.s32 s2, s4;
	[dreg:$0x0] =	wrdreg $0x0  }
0xa8: {  	s4 =	sshll.u32 s28, $0x1;
	[dreg:$0x2] =	wrdreg s2  }
0xa9: {  	[dreg:$0x3] =	wrdreg s4  }
0xaa: {  	[dreg:$0x4] =	wrdreg $0xC0  }
0xab: {  	_ =	task [dreg:s6], $0x5FFFF  }
0xac: {  	[dreg:$0x1] =	wrdreg $0xFFFFFFFF  }
0xad: {  	[dreg:$0x0] =	wrdreg $0x60  }
0xae: {  	[dreg:$0x2] =	wrdreg s24  }
0xaf: {  	[dreg:$0x3] =	wrdreg $0x8A000  }
0xb0: {  	[dreg:$0x4] =	wrdreg $0x9  }
0xb1: {  	_ =	task.clear_ibuf [dreg:s6], $0x5FFFF;
	_ =	strace $0x90000049  }
0xb2: {  	s29 =	simm.s32 $0x9;
	_ =	strace $0x8000004B  }
0xb3: {  	_ =	swait.ge [sflag:s29], $0x1  }
0xb4: {  	[sflag:s29] =	ssyncadd.s32 $0xFFFFFFFF  }
0xb5: {  	_ =	strace $0x9000004B  }
0xb6: {  	_ =	sfence  }
0xb7: {  	s30 =	sld [smem:$0x0];
	_ =	sdelay $0x2  }
0xb8: {  	s31 =	sshll.u32 s1, $0xD;
	s1 =	sshrl.u32 s1, $0x2  }
0xb9: {  	s3 =	sand.u32 $0x4000, s31;
	s1 =	sadd.s32 s1, s30  }
0xba: {  	s0 =	sor.u32 s3, s0;
	s1 =	sshll.u32 s1, $0x11  }
0xbb: {  	s0 =	sor.u32 s1, s0  }
0xbc: {  	s0 =	sadd.s32 $0x8F2B, s0  }
0xbd: {  	[sflag:s0] =	ssyncadd.remote.s32 $0x1  }
0xbe: {  	_ =	sfence.sel $0xFFFF  }
0xbf: {  	[dreg:$0x0] =	wrdreg $0xFFFFFFFF;
	(pc) =	sbr.abs _section_cstart, $3  }
0xc0: {  	[dreg:$0x1] =	wrdreg $0xFFFFFFFF  }
0xc1: {  	_ =	task.clear_ibuf [dreg:s6], $0x2FFFF;
	_ =	strace $0x9FFFFFFF  }
0xc2: {  	(tm) =	ssettm $0x7FFFFFFF  }
0xc3: {  	_ =	shalt  }
tec
execute0_lowered:
.L_overlay_start_1:
0x0: {  	(tag) =	ssettag $0x1  }
0x1: {  	s0 =	rddreg [dreg:$0x0]  }
0x2: {  	s1 =	rddreg [dreg:$0x1]  }
0x3: {  	s2 =	srdreg.scid;
	s3 =	simm.s32 $0x0;
	s14 =	stileid.u32  }
0x4: {  	s30 =	simm.s32 $0x4;
	s31 =	simm.s32 $0x80;
	s2 =	sand.u32 $0x1, s2  }
0x5: {  	[smem:$0x7FF] =	sst s3;
	s7 =	smul.u32 $0x14000, s14;
	s4 =	sadd.s32 $0x17200, s0  }
0x6: {  	s5 =	sadd.s32 $0xCC00, s0;
	s9 =	sadd.s32 $0x2E00, s0;
	s11 =	smul.u32 $0x50000, s14  }
0x7: {  	s21 =	sshll.u32 s14, $0x6;
	s6 =	smul.u32 $0x140000, s2;
	_ =	strace $0x8000004A  }
0x8: {  	s8 =	sshll.u32 s2, $0x4;
	s10 =	ssub.s32 $0x2, s2;
	s2 =	smul.u32 $0x27100, s2  }
0x9: {  	s8 =	sor.u32 s14, s8;
	s19 =	sshrl.u32 s10, $0x1;
	s20 =	sshrl.u32 s11, $0x2  }
0xa: {  	s14 =	smul.u32 $0x2710, s14;
	s7 =	sadd.s32 s7, s6;
	s6 =	sadd.s32 $0x16A00, s0  }
0xb: {  	s12 =	smul.u32 $0x2710, s8;
	s10 =	ssub.s32 s10, s19;
	s8 =	sor.u32 $0x1C04, s21  }
0xc: {  	s7 =	sshrl.u32 s7, $0x3;
	s2 =	sadd.s32 s14, s2;
	s10 =	smax.u32 s10, $0x1  }
0xd: {  	s0 =	sadd.s32 s7, s0;
	s7 =	sadd.s32 s20, s1;
	s22 =	sshrl.u32 s12, $0x3  }
0xe: {  	[dreg:$0xc] =	wrdreg s10;
	s14 =	sadd.s32 $0x180, s2;
	s10 =	simm.s32 $0x1  }
0xf: {  	s15 =	sadd.s32 s5, s22;
	s12 =	sadd.s32 s9, s22;
	s0 =	sadd.s32 $0x3E400, s0  }
0x10: {  	s13 =	sadd.s32 $0x4C0, s22;
	s16 =	sadd.s32 $0x4A0, s12;
	[dreg:$0xb] =	wrdreg s0  }
0x11: {  	s24 =	sadd.s32 $0x4D0, s22;
	s23 =	sadd.s32 s5, s13;
	[dreg:$0x3] =	wrdreg s16  }
0x12: {  	s11 =	sadd.s32 $0x4E0, s22;
	s12 =	sadd.s32 $0x4B0, s12;
	[dreg:$0x4] =	wrdreg s23  }
0x13: {  	s17 =	sadd.s32 $0x8000, s7;
	s25 =	sadd.s32 s5, s24;
	[dreg:$0x5] =	wrdreg s12  }
0x14: {  	s18 =	sshrl.u32 s14, $0x3;
	s13 =	sadd.s32 s9, s13;
	[dreg:$0x6] =	wrdreg s25  }
0x15: {  	s14 =	simm.s32 $0x8200;
	s26 =	sadd.s32 s5, s11;
	[dreg:$0x7] =	wrdreg s13  }
0x16: {  	s11 =	sadd.s32 s9, s11;
	s22 =	sadd.s32 s18, s5;
	[dreg:$0x9] =	wrdreg s26  }
0x17: {  	s29 =	sadd.s32 $0x10, s15;
	s12 =	sadd.s32 s9, s24;
	[dreg:$0xa] =	wrdreg s11  }
0x18: {  	s13 =	sadd.s32 $0x4000, s7;
	s16 =	sshrl.u32 s2, $0x3;
	s23 =	sadd.s32 $0x100, s2  }
0x19: {  	s24 =	sadd.s32 $0xC000, s7;
	s25 =	smov.u32 s7;
	s26 =	sadd.s32 $0x10000, s7  }
0x1a: {  	s11 =	simm.s32 $0x100;
	[dreg:$0x8] =	wrdreg s12;
	s12 =	sadd.s32 $0x80, s2  }
0x1b: {  	s21 =	sadd.s32 s16, s9;
	s19 =	sshrl.u32 s13, $0x3;
	s28 =	sshrl.u32 s26, $0x3  }
0x1c: {  	s26 =	smov.u32 s15;
	s2 =	simm.s32 $0x4200;
	s13 =	simm.s32 $0x10  }
0x1d: {  	s15 =	simm.s32 $0x3;
	s16 =	simm.s32 $0x0;
	s0 =	sshrl.u32 s12, $0x3  }
0x1e: {  	[dreg:$0xd] =	wrdreg s19;
	s20 =	sadd.s32 s0, s9;
	s0 =	sshrl.u32 s17, $0x3  }
0x1f: {  	s12 =	simm.s32 $0x2;
	[dreg:$0xe] =	wrdreg s0;
	s0 =	sshrl.u32 s24, $0x3  }
0x20: {  	s9 =	simm.s32 $0x180;
	[dreg:$0xf] =	wrdreg s0;
	s0 =	simm.s32 $0x200  }
.LBB2_1:
0x21: {  	s17 =	sshrl.u32 s25, $0x3  }
0x22: {  	[spmem:s17], [sflag:s8] =	dma.local [hbm:s6], $0x800  }
0x23: {  	_ =	swait.ge [sflag:s30], $0x800  }
0x24: {  	[sflag:s30] =	ssyncset.done $0x0  }
0x25: {  	s7 =	rddreg [dreg:$0xd];
	[sflag:s30] =	ssyncadd.s32 $0xFFFFF800  }
0x26: {  	[spmem:s7], [sflag:s8] =	dma.local [hbm:s6], $0x800  }
0x27: {  	_ =	swait.ge [sflag:s30], $0x800  }
0x28: {  	[sflag:s30] =	ssyncset.done $0x0  }
0x29: {  	s19 =	rddreg [dreg:$0xe];
	[sflag:s30] =	ssyncadd.s32 $0xFFFFF800  }
0x2a: {  	[spmem:s19], [sflag:s8] =	dma.local [hbm:s6], $0x800  }
0x2b: {  	_ =	swait.ge [sflag:s30], $0x800  }
0x2c: {  	[sflag:s30] =	ssyncset.done $0x0  }
0x2d: {  	s24 =	rddreg [dreg:$0xf];
	[sflag:s30] =	ssyncadd.s32 $0xFFFFF800  }
0x2e: {  	[spmem:s24], [sflag:s8] =	dma.local [hbm:s6], $0x800  }
0x2f: {  	_ =	swait.ge [sflag:s30], $0x800  }
0x30: {  	[sflag:s30] =	ssyncset.done $0x0  }
0x31: {  	[sflag:s30] =	ssyncadd.s32 $0xFFFFF800  }
0x32: {  	[spmem:s28], [sflag:s8] =	dma.local [hbm:s6], $0x800  }
0x33: {  	_ =	swait.ge [sflag:s30], $0x800  }
0x34: {  	[sflag:s30] =	ssyncset.done $0x0  }
0x35: {  	[sflag:s30] =	ssyncadd.s32 $0xFFFFF800  }
0x36: {  	[bflag:$0x0] =	sbarrier.arrive $0xFFFF  }
0x37: {  	[tilespmem:s3], [sflag:$0x4] =	stream.linear.gather [hbm4b:s26+s3], $0x80, $0x38;
	[tilespmem:$0x1CA00] =	vst v63  }
0x38: {  	_ =	swait.ge [sflag:s30], $0x80  }
0x39: {  	[sflag:s30] =	ssyncset.done $0x0  }
0x3a: {  	[sflag:s30] =	ssyncadd.s32 $0xFFFFFF80  }
0x3b: {  	[tilespmem:s0], [sflag:$0x1] =	stream.indirect.gather [hbm4b:s4+s31], $0x80, s3, s31, $0xb8;
	[tilespmem:$0x1CA00] =	vst v63  }
0x3c: {  	_ = 	snop  }
0x3d: {  	[tilespmem:s31], [sflag:$0x4] =	stream.linear.gather [hbm4b:s29+s3], $0x80, $0x38;
	[tilespmem:$0x1CA00] =	vst v63  }
0x3e: {  	_ =	swait.ge [sflag:s30], $0x80  }
0x3f: {  	[sflag:s30] =	ssyncset.done $0x0  }
0x40: {  	[sflag:s30] =	ssyncadd.s32 $0xFFFFFF80  }
0x41: {  	[tilespmem:s2], [sflag:$0x2] =	stream.indirect.gather [hbm4b:s4+s31], $0x80, s31, s31, $0xb8;
	[tilespmem:$0x1CA00] =	vst v63  }
0x42: {  	_ =	swait.ge [sflag:s10], $0x4000  }
0x43: {  	[sflag:s10] =	ssyncset.done $0x0  }
0x44: {  	s18 =	sadd.s32 $0x0, s21;
	[sflag:s10] =	ssyncadd.s32 $0xFFFFC000  }
0x45: {  	[tilespmem:s11], [sflag:$0x4] =	stream.linear.gather [hbm4b:s18+s3], $0x80, $0x38;
	[tilespmem:$0x1CA00] =	vst v63  }
0x46: {  	_ =	swait.ge [sflag:s30], $0x80  }
0x47: {  	[sflag:s30] =	ssyncset.done $0x0  }
0x48: {  	[sflag:s30] =	ssyncadd.s32 $0xFFFFFF80  }
0x49: {  	[spmem:s1] =	stream.indirect.scatter.add.f32 [tilespmem:s0], [sflag:$0x4], $0x80, s11, s31, $0xb8;
	[tilespmem:$0x1CA00] =	vst v63  }
0x4a: {  	_ =	swait.ge [sflag:s30], $0x4000  }
0x4b: {  	s7 =	sshrl.u32 s23, $0x3;
	[sflag:s30] =	ssyncset.done $0x0  }
0x4c: {  	s18 =	sadd.s32 s5, s7;
	[sflag:s30] =	ssyncadd.s32 $0xFFFFC000  }
0x4d: {  	[tilespmem:s3], [sflag:$0x4] =	stream.linear.gather [hbm4b:s18+s3], $0x80, $0x38;
	[tilespmem:$0x1CA00] =	vst v63  }
0x4e: {  	_ =	swait.ge [sflag:s30], $0x80  }
0x4f: {  	[sflag:s30] =	ssyncset.done $0x0  }
0x50: {  	[sflag:s30] =	ssyncadd.s32 $0xFFFFFF80  }
0x51: {  	[tilespmem:s0], [sflag:$0x1] =	stream.indirect.gather [hbm4b:s4+s31], $0x80, s3, s31, $0xb8;
	[tilespmem:$0x1CA00] =	vst v63  }
0x52: {  	_ =	swait.ge [sflag:s12], $0x4000  }
0x53: {  	[sflag:s12] =	ssyncset.done $0x0  }
0x54: {  	s19 =	sadd.s32 $0x0, s20;
	[sflag:s12] =	ssyncadd.s32 $0xFFFFC000  }
0x55: {  	[tilespmem:s11], [sflag:$0x4] =	stream.linear.gather [hbm4b:s19+s3], $0x80, $0x38;
	[tilespmem:$0x1CA00] =	vst v63  }
0x56: {  	_ =	swait.ge [sflag:s30], $0x80  }
0x57: {  	[sflag:s30] =	ssyncset.done $0x0  }
0x58: {  	[sflag:s30] =	ssyncadd.s32 $0xFFFFFF80  }
0x59: {  	[spmem:s1] =	stream.indirect.scatter.add.f32 [tilespmem:s2], [sflag:$0x4], $0x80, s11, s31, $0xb8;
	[tilespmem:$0x1CA00] =	vst v63  }
0x5a: {  	_ =	swait.ge [sflag:s30], $0x4000  }
0x5b: {  	[sflag:s30] =	ssyncset.done $0x0  }
0x5c: {  	s24 =	sadd.s32 $0x0, s22;
	[sflag:s30] =	ssyncadd.s32 $0xFFFFC000  }
0x5d: {  	[tilespmem:s31], [sflag:$0x4] =	stream.linear.gather [hbm4b:s24+s3], $0x80, $0x38;
	[tilespmem:$0x1CA00] =	vst v63  }
0x5e: {  	_ =	swait.ge [sflag:s30], $0x80  }
0x5f: {  	[sflag:s30] =	ssyncset.done $0x0  }
0x60: {  	s18 =	simm.s32 $0x20;
	s19 =	sadd.s32 $0x100, s23;
	[sflag:s30] =	ssyncadd.s32 $0xFFFFFF80  }
.LBB2_2:
0x61: {  	[tilespmem:s2], [sflag:$0x2] =	stream.indirect.gather [hbm4b:s4+s31], $0x80, s31, s31, $0xb8;
	[tilespmem:$0x1CA00] =	vst v63  }
0x62: {  	s24 =	smov.u32 s18  }
0x63: {  	p0 =	sne.s32 s18, $0x480;
	s18 =	sadd.s32 $0x20, s18;
	_ =	swait.ge [sflag:s10], $0x4000  }
0x64: {  	[sflag:s10] =	ssyncset.done $0x0  }
0x65: {  	s7 =	sadd.s32 s24, s21;
	[sflag:s10] =	ssyncadd.s32 $0xFFFFC000  }
0x66: {  	[tilespmem:s11], [sflag:$0x4] =	stream.linear.gather [hbm4b:s7+s3], $0x80, $0x38;
	[tilespmem:$0x1CA00] =	vst v63  }
0x67: {  	_ =	swait.ge [sflag:s30], $0x80  }
0x68: {  	[sflag:s30] =	ssyncset.done $0x0  }
0x69: {  	[sflag:s30] =	ssyncadd.s32 $0xFFFFFF80  }
0x6a: {  	[spmem:s1] =	stream.indirect.scatter.add.f32 [tilespmem:s0], [sflag:$0x4], $0x80, s11, s31, $0xb8;
	[tilespmem:$0x1CA00] =	vst v63  }
0x6b: {  	_ =	swait.ge [sflag:s30], $0x4000  }
0x6c: {  	s7 =	sshrl.u32 s19, $0x3;
	[sflag:s30] =	ssyncset.done $0x0  }
0x6d: {  	s7 =	sadd.s32 s5, s7;
	[sflag:s30] =	ssyncadd.s32 $0xFFFFC000  }
0x6e: {  	[tilespmem:s3], [sflag:$0x4] =	stream.linear.gather [hbm4b:s7+s3], $0x80, $0x38;
	[tilespmem:$0x1CA00] =	vst v63  }
0x6f: {  	_ =	swait.ge [sflag:s30], $0x80  }
0x70: {  	[sflag:s30] =	ssyncset.done $0x0  }
0x71: {  	[sflag:s30] =	ssyncadd.s32 $0xFFFFFF80  }
0x72: {  	[tilespmem:s0], [sflag:$0x1] =	stream.indirect.gather [hbm4b:s4+s31], $0x80, s3, s31, $0xb8;
	[tilespmem:$0x1CA00] =	vst v63  }
0x73: {  	_ =	swait.ge [sflag:s12], $0x4000  }
0x74: {  	[sflag:s12] =	ssyncset.done $0x0  }
0x75: {  	s7 =	sadd.s32 s24, s20;
	[sflag:s12] =	ssyncadd.s32 $0xFFFFC000  }
0x76: {  	[tilespmem:s11], [sflag:$0x4] =	stream.linear.gather [hbm4b:s7+s3], $0x80, $0x38;
	[tilespmem:$0x1CA00] =	vst v63  }
0x77: {  	_ =	swait.ge [sflag:s30], $0x80  }
0x78: {  	[sflag:s30] =	ssyncset.done $0x0  }
0x79: {  	[sflag:s30] =	ssyncadd.s32 $0xFFFFFF80  }
0x7a: {  	[spmem:s1] =	stream.indirect.scatter.add.f32 [tilespmem:s2], [sflag:$0x4], $0x80, s11, s31, $0xb8;
	[tilespmem:$0x1CA00] =	vst v63  }
0x7b: {  	_ =	swait.ge [sflag:s30], $0x4000  }
0x7c: {  	[sflag:s30] =	ssyncset.done $0x0  }
.Ltmp0:
0x7d: {  	s7 =	sadd.s32 s24, s22;
	[sflag:s30] =	ssyncadd.s32 $0xFFFFC000;
	(pc) =	sbr.rel @p0 .LBB2_2-.Ltmp0, $4  }
0x7e: {  	[tilespmem:s31], [sflag:$0x4] =	stream.linear.gather [hbm4b:s7+s3], $0x80, $0x38;
	[tilespmem:$0x1CA00] =	vst v63  }
0x7f: {  	_ =	swait.ge [sflag:s30], $0x80  }
0x80: {  	[sflag:s30] =	ssyncset.done $0x0  }
0x81: {  	s19 =	sadd.s32 $0x100, s19;
	[sflag:s30] =	ssyncadd.s32 $0xFFFFFF80  }
0x82: {  	[tilespmem:s2], [sflag:$0x2] =	stream.indirect.gather [hbm4b:s4+s31], $0x80, s31, s31, $0xb8;
	[tilespmem:$0x1CA00] =	vst v63  }
0x83: {  	_ =	swait.ge [sflag:s10], $0x4000  }
0x84: {  	[sflag:s10] =	ssyncset.done $0x0  }
0x85: {  	s7 =	rddreg [dreg:$0x3];
	[sflag:s10] =	ssyncadd.s32 $0xFFFFC000  }
0x86: {  	[tilespmem:s11], [sflag:$0x4] =	stream.linear.gather [hbm4b:s7+s3], $0x80, $0x38;
	[tilespmem:$0x1CA00] =	vst v63  }
0x87: {  	_ =	swait.ge [sflag:s30], $0x80  }
0x88: {  	[sflag:s30] =	ssyncset.done $0x0  }
0x89: {  	[sflag:s30] =	ssyncadd.s32 $0xFFFFFF80  }
0x8a: {  	[spmem:s1] =	stream.indirect.scatter.add.f32 [tilespmem:s0], [sflag:$0x4], $0x80, s11, s31, $0xb8;
	[tilespmem:$0x1CA00] =	vst v63  }
0x8b: {  	_ =	swait.ge [sflag:s30], $0x4000  }
0x8c: {  	[sflag:s30] =	ssyncset.done $0x0  }
0x8d: {  	s18 =	rddreg [dreg:$0x4];
	[sflag:s30] =	ssyncadd.s32 $0xFFFFC000  }
0x8e: {  	[tilespmem:s3], [sflag:$0x4] =	stream.linear.gather [hbm4b:s18+s3], $0x80, $0x38;
	[tilespmem:$0x1CA00] =	vst v63  }
0x8f: {  	_ =	swait.ge [sflag:s30], $0x80  }
0x90: {  	[sflag:s30] =	ssyncset.done $0x0  }
0x91: {  	[sflag:s30] =	ssyncadd.s32 $0xFFFFFF80  }
0x92: {  	[tilespmem:s0], [sflag:$0x1] =	stream.indirect.gather [hbm4b:s4+s31], $0x80, s3, s31, $0xb8;
	[tilespmem:$0x1CA00] =	vst v63  }
0x93: {  	_ =	swait.ge [sflag:s12], $0x4000  }
0x94: {  	[sflag:s12] =	ssyncset.done $0x0  }
0x95: {  	s19 =	rddreg [dreg:$0x5];
	[sflag:s12] =	ssyncadd.s32 $0xFFFFC000  }
0x96: {  	[tilespmem:s11], [sflag:$0x4] =	stream.linear.gather [hbm4b:s19+s3], $0x80, $0x38;
	[tilespmem:$0x1CA00] =	vst v63  }
0x97: {  	_ =	swait.ge [sflag:s30], $0x80  }
0x98: {  	[sflag:s30] =	ssyncset.done $0x0  }
0x99: {  	[sflag:s30] =	ssyncadd.s32 $0xFFFFFF80  }
0x9a: {  	[spmem:s1] =	stream.indirect.scatter.add.f32 [tilespmem:s2], [sflag:$0x4], $0x80, s11, s31, $0xb8;
	[tilespmem:$0x1CA00] =	vst v63  }
0x9b: {  	_ =	swait.ge [sflag:s30], $0x4000  }
0x9c: {  	[sflag:s30] =	ssyncset.done $0x0  }
0x9d: {  	s24 =	rddreg [dreg:$0x6];
	[sflag:s30] =	ssyncadd.s32 $0xFFFFC000  }
0x9e: {  	[tilespmem:s31], [sflag:$0x4] =	stream.linear.gather [hbm4b:s24+s3], $0x80, $0x38;
	[tilespmem:$0x1CA00] =	vst v63  }
0x9f: {  	_ =	swait.ge [sflag:s30], $0x80  }
0xa0: {  	[sflag:s30] =	ssyncset.done $0x0  }
0xa1: {  	[sflag:s30] =	ssyncadd.s32 $0xFFFFFF80  }
0xa2: {  	[tilespmem:s2], [sflag:$0x2] =	stream.indirect.gather [hbm4b:s4+s31], $0x80, s31, s31, $0xb8;
	[tilespmem:$0x1CA00] =	vst v63  }
0xa3: {  	_ =	swait.ge [sflag:s10], $0x4000  }
0xa4: {  	[sflag:s10] =	ssyncset.done $0x0  }
0xa5: {  	s18 =	rddreg [dreg:$0x7];
	[sflag:s10] =	ssyncadd.s32 $0xFFFFC000  }
0xa6: {  	[tilespmem:s11], [sflag:$0x4] =	stream.linear.gather [hbm4b:s18+s3], $0x80, $0x38;
	[tilespmem:$0x1CA00] =	vst v63  }
0xa7: {  	_ =	swait.ge [sflag:s30], $0x80  }
0xa8: {  	[sflag:s30] =	ssyncset.done $0x0  }
0xa9: {  	[sflag:s30] =	ssyncadd.s32 $0xFFFFFF80  }
0xaa: {  	[spmem:s1] =	stream.indirect.scatter.add.f32 [tilespmem:s0], [sflag:$0x4], $0x80, s11, s31, $0xb8;
	[tilespmem:$0x1CA00] =	vst v63  }
0xab: {  	_ =	swait.ge [sflag:s30], $0x4000  }
0xac: {  	[sflag:s30] =	ssyncset.done $0x0  }
0xad: {  	[sflag:s30] =	ssyncadd.s32 $0xFFFFC000  }
0xae: {  	_ =	swait.ge [sflag:s12], $0x4000  }
0xaf: {  	[sflag:s12] =	ssyncset.done $0x0  }
0xb0: {  	s19 =	rddreg [dreg:$0x8];
	[sflag:s12] =	ssyncadd.s32 $0xFFFFC000  }
0xb1: {  	[tilespmem:s11], [sflag:$0x4] =	stream.linear.gather [hbm4b:s19+s3], $0x80, $0x38;
	[tilespmem:$0x1CA00] =	vst v63  }
0xb2: {  	_ =	swait.ge [sflag:s30], $0x80  }
0xb3: {  	[sflag:s30] =	ssyncset.done $0x0  }
0xb4: {  	[sflag:s30] =	ssyncadd.s32 $0xFFFFFF80  }
0xb5: {  	[spmem:s1] =	stream.indirect.scatter.add.f32 [tilespmem:s2], [sflag:$0x4], $0x80, s11, s31, $0xb8;
	[tilespmem:$0x1CA00] =	vst v63  }
0xb6: {  	_ =	swait.ge [sflag:s30], $0x4000  }
0xb7: {  	[sflag:s30] =	ssyncset.done $0x0  }
0xb8: {  	s24 =	rddreg [dreg:$0x9];
	[sflag:s30] =	ssyncadd.s32 $0xFFFFC000  }
0xb9: {  	[tilespmem:s9], [sflag:$0x4] =	stream.linear.gather [hbm4b:s24+s3], $0x10, $0x38;
	[tilespmem:$0x1CA00] =	vst v63  }
0xba: {  	_ =	swait.ge [sflag:s30], $0x10  }
0xbb: {  	[sflag:s30] =	ssyncset.done $0x0  }
0xbc: {  	[sflag:s30] =	ssyncadd.s32 $0xFFFFFFF0  }
0xbd: {  	[tilespmem:s14], [sflag:$0x3] =	stream.indirect.gather [hbm4b:s4+s13], $0x80, s9, s13, $0xb8;
	[tilespmem:$0x1CA00] =	vst v63  }
0xbe: {  	_ =	swait.ge [sflag:s15], $0x800  }
0xbf: {  	[sflag:s15] =	ssyncset.done $0x0  }
0xc0: {  	s18 =	rddreg [dreg:$0xa];
	[sflag:s15] =	ssyncadd.s32 $0xFFFFF800  }
0xc1: {  	[tilespmem:s9], [sflag:$0x4] =	stream.linear.gather [hbm4b:s18+s3], $0x10, $0x38;
	[tilespmem:$0x1CA00] =	vst v63  }
0xc2: {  	_ =	swait.ge [sflag:s30], $0x10  }
0xc3: {  	[sflag:s30] =	ssyncset.done $0x0  }
0xc4: {  	[sflag:s30] =	ssyncadd.s32 $0xFFFFFFF0  }
0xc5: {  	[spmem:s1] =	stream.indirect.scatter.add.f32 [tilespmem:s14], [sflag:$0x4], $0x80, s9, s13, $0xb8;
	[tilespmem:$0x1CA00] =	vst v63  }
0xc6: {  	_ =	swait.ge [sflag:s30], $0x800  }
0xc7: {  	[sflag:s30] =	ssyncset.done $0x0  }
0xc8: {  	[sflag:s30] =	ssyncadd.s32 $0xFFFFF800  }
0xc9: {  	[bflag:$0x0] =	sbarrier.arrive $0xFFFF  }
0xca: {  	s19 =	rddreg [dreg:$0xb]  }
0xcb: {  	[hbm:s19], [sflag:s8] =	dma.local [spmem:s17], $0x2800  }
0xcc: {  	_ =	swait.ge [sflag:s30], $0x2800  }
0xcd: {  	s16 =	sadd.s32 $0x1, s16;
	s24 =	rddreg [dreg:$0xc]  }
0xce: {  	p0 =	sne.s32 s16, s24  }
.Ltmp1:
0xcf: {  	_ = 	snop;
	(pc) =	sbr.rel @p0 .LBB2_1-.Ltmp1, $3  }
0xd0: {  	_ =	sdelay $0x1  }
0xd1: {  	[sflag:s30] =	ssyncset.done $0x0  }
0xd2: {  	[sflag:s30] =	ssyncadd.s32 $0xFFFFD800  }
0xd3: {  	_ =	sfence.sel $0x180000  }
0xd4: {  	[bflag:$0x0] =	sbarrier.arrive $0xFFFF  }
0xd5: {  	_ =	strace $0x9000004A  }
0xd6: {  	s0 =	stileid.u32;
	[bflag:$0x2] =	sbarrier.arrive $0xFFFF  }
0xd7: {  	p0 =	sne.s32 s0, $0x0;
	s0 =	rddreg [dreg:$0x2]  }
0xd8: {  	s0 =	sadd.s32 @!p0 $0x100000, s0  }
0xd9: {  	[sflag:s0] =	ssyncadd.tile.s32 @!p0 $0x1;
	_ =	shalt  }
.Lfunc_end2:
_tile_overlayer_lowered:
.L_overlay_start_2:
0xda: {  	(tag) =	ssettag $0x2  }
0xdb: {  	s0 =	rddreg [dreg:$0x0];
	s2 =	stileid.u32  }
0xdc: {  	s1 =	rddreg [dreg:$0x1];
	p0 =	sne.s32 s2, $0x0  }
0xdd: {  	s3 =	rddreg [dreg:$0x2];
	[bflag:$0x3] =	sbarrier.arrive $0xFFFF;
	s2 =	simm.s32 @!p0 $0x1C04  }
0xde: {  	[timem:s3], [sflag:s2] =	dma.local @!p0 [hbm:s0], s1  }
0xdf: {  	s0 =	simm.s32 @!p0 $0x4  }
0xe0: {  	_ =	swait.ge @!p0 [sflag:s0], s1  }
0xe1: {  	s1 =	ssub.s32 @!p0 $0x0, s1;
	[sflag:s0] =	ssyncset.done @!p0 $0x0  }
0xe2: {  	[sflag:s0] =	ssyncadd.s32 @!p0 s1  }
0xe3: {  	[bflag:$0x3] =	sbarrier.arrive $0xFFFF  }
0xe4: {  	_ =	shalt  }

// kernel: kernel.17.cloned.1.call-start
scs
__scs_entry_jumppad:
0x0: {  	(pc) =	sbr.rel $0x88, $3  }
0x1: {  	(tag) =	ssettag $0x0;
	lr =	simm.s32 $0x1  }
0x2: {  	[smem:$0x3F96] =	sst lr;
	_ =	strace $0xD0000000  }
0x3: {  	_ = 	snop  }
0x4: {  	_ = 	snop  }
0x5: {  	_ = 	snop  }
0x6: {  	_ = 	snop  }
0x7: {  	_ = 	snop  }
__scs_overlays_trampoline_lowered:
0x8: {  	[smem:$0x3FA5] =	sst s0  }
0x9: {  	[smem:$0x3FA6] =	sst s1  }
0xa: {  	[smem:$0x3FA7] =	sst s2  }
0xb: {  	[smem:$0x3FA8] =	sst s3  }
0xc: {  	[smem:$0x3FA9] =	sst s4  }
0xd: {  	[smem:$0x3FAA] =	sst s5  }
0xe: {  	[smem:$0x3FAB] =	sst s6  }
0xf: {  	[smem:$0x3FAC] =	sst s7  }
0x10: {  	[smem:$0x3FAD] =	sst s8  }
0x11: {  	[smem:$0x3FAE] =	sst s9;
	s0 =	simm.s32 @!p0 $0x0  }
0x12: {  	s1 =	sld [smem:$0x3F94];
	s0 =	simm.s32 @p0 $0x1  }
0x13: {  	[smem:$0x3FAF] =	sst s0;
	s0 =	simm.s32 @!p1 $0x0  }
0x14: {  	s2 =	sld [smem:$0x3F93];
	s0 =	simm.s32 @p1 $0x1  }
0x15: {  	[smem:$0x3FB0] =	sst s0;
	s0 =	simm.s32 @!p2 $0x0  }
0x16: {  	s3 =	sld [smem:$0x3FDB];
	s0 =	simm.s32 @p2 $0x1  }
0x17: {  	s4 =	simm.s32 $0x1BF5;
	[smem:$0x3FB2] =	sst s0  }
0x18: {  	s0 =	sld [smem:$0x3F95];
	_ =	swait.ge [sflag:s4], $0x0  }
0x19: {  	s7 =	sld [smem:$0x3F96]  }
0x1a: {  	s8 =	sadd.s32 $0xFFFFE003, lr  }
0x1b: {  	s9 =	sadd.s32 $0xFFFFFEF7, lr;
	s5 =	simm.s32 $0xFFFFFFFF;
	p2 =	slt.u32 s8, $0xFFFFF086  }
0x1c: {  	p1 =	slt.u32 s9, $0xF7A;
	s5 =	simm.s32 @!p2 $0x0  }
0x1d: {  	s5 =	simm.s32 @p1 $0x1;
	p0 =	seq.s32 s7, s2  }
0x1e: {  	s7 =	smul.u32 @!p0 $0xF7A, s2;
	p2 =	seq.s32 @!p0 s5, $0x0  }
0x1f: {  	s9 =	smul.u32 $0xF7A, s1;
	s8 =	simm.s32 @!p0 $0x1BF5;
	p2 =	por !p2, p0  }
0x20: {  	[sflag:s8] =	ssyncset.s32 @!p0 $0xFFFFF086;
	s6 =	sadd.s32 @!p0 s3, s7;
	s7 =	simm.s32 @!p0 $0x108  }
0x21: {  	s3 =	sadd.s32 s3, s9;
	s6 =	sadd.s32 @!p0 $0x88, s6;
	s7 =	simm.s32 @p2 $0x1082  }
0x22: {  	[simem:s7], [sflag:s8] =	dma.local @!p0 [hbm:s6], $0xF7A  }
0x23: {  	s9 =	sor.u32 $0xD0000000, s2;
	s6 =	simm.s32 $0x108;
	_ =	swait.ge @!p0 [sflag:s8], $0x0  }
0x24: {  	s3 =	sadd.s32 $0x88, s3;
	s6 =	simm.s32 @!p1 $0x1082;
	[sflag:s4] =	ssyncset.s32 $0xFFFFF086  }
0x25: {  	[simem:s6], [sflag:s4] =	dma.local [hbm:s3], $0xF7A  }
0x26: {  	[smem:$0x3F96] =	sst s1;
	(tag) =	ssettag s2;
	_ =	strace s9  }
0x27: {  	s1 =	sld [smem:$0x3FA6]  }
0x28: {  	s2 =	sld [smem:$0x3FA7]  }
0x29: {  	s4 =	sld [smem:$0x3FA9]  }
0x2a: {  	p0 =	seq.s32 s5, $0x0;
	s5 =	sld [smem:$0x3FAA]  }
0x2b: {  	s6 =	sld [smem:$0x3FAB]  }
0x2c: {  	s7 =	sld [smem:$0x3FAC]  }
0x2d: {  	s3 =	simm.s32 $0x108;
	s8 =	sld [smem:$0x3FAD]  }
0x2e: {  	s3 =	simm.s32 @!p0 $0x1082;
	s9 =	sld [smem:$0x3FAE]  }
0x2f: {  	lr =	sadd.s32 s0, s3;
	s0 =	sld [smem:$0x3FA5]  }
0x30: {  	s3 =	sld [smem:$0x3FA8]  }
0x31: {  	[smem:$0x3FB1] =	sst s10  }
0x32: {  	s10 =	sld [smem:$0x3FAF];
	_ =	sdelay $0x3  }
0x33: {  	p0 =	seq.s32 s10, $0x1;
	s10 =	sld [smem:$0x3FB1];
	_ =	sdelay $0x3  }
0x34: {  	[smem:$0x3FB1] =	sst s10  }
0x35: {  	s10 =	sld [smem:$0x3FB0];
	_ =	sdelay $0x3  }
0x36: {  	p1 =	seq.s32 s10, $0x1;
	s10 =	sld [smem:$0x3FB1];
	_ =	sdelay $0x3  }
0x37: {  	[smem:$0x3FB1] =	sst s10  }
0x38: {  	s10 =	sld [smem:$0x3FB2]  }
0x39: {  	_ = 	snop;
	(pc) =	sbr.ind lr, $3  }
0x3a: {  	_ = 	snop  }
0x3b: {  	_ = 	snop  }
0x3c: {  	p2 =	seq.s32 s10, $0x1;
	s10 =	sld [smem:$0x3FB1]  }
0x3d: {  	_ =	shalt  }
0x3e: {  	_ =	shalt  }
0x3f: {  	_ =	shalt  }
0x40: {  	_ =	shalt  }
0x41: {  	_ =	shalt  }
0x42: {  	_ =	shalt  }
0x43: {  	_ =	shalt  }
0x44: {  	_ =	shalt  }
0x45: {  	_ =	shalt  }
0x46: {  	_ =	shalt  }
0x47: {  	_ =	shalt  }
0x48: {  	_ =	shalt  }
0x49: {  	_ =	shalt  }
0x4a: {  	_ =	shalt  }
0x4b: {  	_ =	shalt  }
0x4c: {  	_ =	shalt  }
0x4d: {  	_ =	shalt  }
0x4e: {  	_ =	shalt  }
0x4f: {  	_ =	shalt  }
0x50: {  	_ =	shalt  }
0x51: {  	_ =	shalt  }
0x52: {  	_ =	shalt  }
0x53: {  	_ =	shalt  }
0x54: {  	_ =	shalt  }
0x55: {  	_ =	shalt  }
0x56: {  	_ =	shalt  }
0x57: {  	_ =	shalt  }
0x58: {  	_ =	shalt  }
0x59: {  	_ =	shalt  }
0x5a: {  	_ =	shalt  }
0x5b: {  	_ =	shalt  }
0x5c: {  	_ =	shalt  }
0x5d: {  	_ =	shalt  }
0x5e: {  	_ =	shalt  }
0x5f: {  	_ =	shalt  }
0x60: {  	_ =	shalt  }
0x61: {  	_ =	shalt  }
0x62: {  	_ =	shalt  }
0x63: {  	_ =	shalt  }
0x64: {  	_ =	shalt  }
0x65: {  	_ =	shalt  }
0x66: {  	_ =	shalt  }
0x67: {  	_ =	shalt  }
0x68: {  	_ =	shalt  }
0x69: {  	_ =	shalt  }
0x6a: {  	_ =	shalt  }
0x6b: {  	_ =	shalt  }
0x6c: {  	_ =	shalt  }
0x6d: {  	_ =	shalt  }
0x6e: {  	_ =	shalt  }
0x6f: {  	_ =	shalt  }
0x70: {  	_ =	shalt  }
0x71: {  	_ =	shalt  }
0x72: {  	_ =	shalt  }
0x73: {  	_ =	shalt  }
0x74: {  	_ =	shalt  }
0x75: {  	_ =	shalt  }
0x76: {  	_ =	shalt  }
0x77: {  	_ =	shalt  }
0x78: {  	_ =	shalt  }
0x79: {  	_ =	shalt  }
0x7a: {  	_ =	shalt  }
0x7b: {  	_ =	shalt  }
0x7c: {  	_ =	shalt  }
0x7d: {  	_ =	shalt  }
0x7e: {  	_ =	shalt  }
0x7f: {  	_ =	shalt  }
0x80: {  	_ =	shalt  }
0x81: {  	_ =	shalt  }
0x82: {  	_ =	shalt  }
0x83: {  	_ =	shalt  }
0x84: {  	_ =	shalt  }
0x85: {  	_ =	shalt  }
0x86: {  	_ =	shalt  }
0x87: {  	_ =	shalt  }
.Lfunc_end0:
.L_simem_size_0:
called_computation.2_lowered:
.L_overlay_start_0:
0x88: {  	s2 =	sld [smem:$0x3FD9]  }
0x89: {  	s3 =	sld [smem:$0x3FFE];
	_ =	sdelay $0x1  }
0x8a: {  	s1 =	srdreg.scid  }
0x8b: {  	s0 =	sand.u32 $0x1, s1  }
0x8c: {  	s16 =	sshll.u32 s0, $0xA;
	s2 =	sadd.s32 s3, s2  }
0x8d: {  	s2 =	sadd.s32 s2, s16  }
0x8e: {  	[smem:$0x3FBD] =	sst s2  }
0x8f: {  	_ = 	snop  }
0x90: {  	(tm) =	ssettm $0x1  }
0x91: {  	s17 =	sld [smem:$0x3FFB];
	_ =	sdelay $0x3  }
0x92: {  	_ =	strace s17  }
0x93: {  	s2 =	sld [smem:$0x3FFC];
	_ =	sdelay $0x3  }
0x94: {  	_ =	strace s2  }
0x95: {  	s2 =	sld [smem:$0x3FFD];
	_ =	sdelay $0x3  }
0x96: {  	_ =	strace s2  }
0x97: {  	_ =	strace $0x8FFFFFFF  }
0x98: {  	s18 =	sld [smem:$0x3FDB];
	_ =	sdelay $0x1  }
0x99: {  	s19 =	simm.s32 $_scs_section_size  }
0x9a: {  	s4 =	simm.s32 $_size__tile_overlayer_lowered;
	s5 =	simm.s32 $_tile_overlayer_lowered  }
0x9b: {  	s22 =	simm.s32 $0x1BFF;
	s21 =	sshll.u32 s5, $0x1;
	s2 =	sadd.s32 s19, s18  }
0x9c: {  	s6 =	simm.s32 $0x0;
	s20 =	sshll.u32 s4, $0x1;
	s4 =	sadd.s32 s21, s2  }
0x9d: {  	[timem:s6], [sflag:s22] =	dma.local [hbm:s4], s20  }
0x9e: {  	_ =	swait.ge [sflag:s22], s20  }
0x9f: {  	s3 =	ssub.s32 $0x0, s20;
	[sflag:s22] =	ssyncset.done $0x0  }
0xa0: {  	[sflag:s22] =	ssyncadd.s32 s3;
	_ =	sdelay $0x1  }
0xa1: {  	s23 =	simm.s32 $0x1B8B  }
0xa2: {  	_ =	swait.ge [sflag:s23], $0x1  }
0xa3: {  	[sflag:s23] =	ssyncset.done $0x0  }
0xa4: {  	s25 =	simm.s32 $0x1B8E;
	s24 =	sld [smem:$0x3FFE];
	[sflag:s23] =	ssyncadd.s32 $0xFFFFFFFF  }
0xa5: {  	s26 =	simm.s32 $execute0_lowered;
	[smem:$0x3FD2] =	sst s25  }
0xa6: {  	s4 =	sshll.u32 s26, $0x1;
	_ =	strace $0x8000004C;
	[dreg:$0x1] =	wrdreg $0xFFFFFFFF  }
0xa7: {  	s28 =	simm.s32 $_size_execute0_lowered;
	s2 =	sadd.s32 s2, s4;
	[dreg:$0x0] =	wrdreg $0x0  }
0xa8: {  	s4 =	sshll.u32 s28, $0x1;
	[dreg:$0x2] =	wrdreg s2  }
0xa9: {  	[dreg:$0x3] =	wrdreg s4  }
0xaa: {  	[dreg:$0x4] =	wrdreg $0xC0  }
0xab: {  	_ =	task [dreg:s6], $0x5FFFF  }
0xac: {  	[dreg:$0x1] =	wrdreg $0xFFFFFFFF  }
0xad: {  	[dreg:$0x0] =	wrdreg $0x60  }
0xae: {  	[dreg:$0x2] =	wrdreg s24  }
0xaf: {  	[dreg:$0x3] =	wrdreg $0x8A000  }
0xb0: {  	[dreg:$0x4] =	wrdreg $0x9  }
0xb1: {  	_ =	task.clear_ibuf [dreg:s6], $0x5FFFF;
	_ =	strace $0x9000004C  }
0xb2: {  	s29 =	simm.s32 $0x9;
	_ =	strace $0x8000004E  }
0xb3: {  	_ =	swait.ge [sflag:s29], $0x1  }
0xb4: {  	[sflag:s29] =	ssyncadd.s32 $0xFFFFFFFF  }
0xb5: {  	_ =	strace $0x9000004E  }
0xb6: {  	_ =	sfence  }
0xb7: {  	s30 =	sld [smem:$0x0];
	_ =	sdelay $0x2  }
0xb8: {  	s31 =	sshll.u32 s1, $0xD;
	s1 =	sshrl.u32 s1, $0x2  }
0xb9: {  	s3 =	sand.u32 $0x4000, s31;
	s1 =	sadd.s32 s1, s30  }
0xba: {  	s0 =	sor.u32 s3, s0;
	s1 =	sshll.u32 s1, $0x11  }
0xbb: {  	s0 =	sor.u32 s1, s0  }
0xbc: {  	s0 =	sadd.s32 $0x8F2B, s0  }
0xbd: {  	[sflag:s0] =	ssyncadd.remote.s32 $0x1  }
0xbe: {  	_ =	sfence.sel $0xFFFF  }
0xbf: {  	[dreg:$0x0] =	wrdreg $0xFFFFFFFF;
	(pc) =	sbr.abs _section_cstart, $3  }
0xc0: {  	[dreg:$0x1] =	wrdreg $0xFFFFFFFF  }
0xc1: {  	_ =	task.clear_ibuf [dreg:s6], $0x2FFFF;
	_ =	strace $0x9FFFFFFF  }
0xc2: {  	(tm) =	ssettm $0x7FFFFFFF  }
0xc3: {  	_ =	shalt  }
tec
execute0_lowered:
.L_overlay_start_1:
0x0: {  	(tag) =	ssettag $0x1  }
0x1: {  	s0 =	rddreg [dreg:$0x0]  }
0x2: {  	s1 =	rddreg [dreg:$0x1]  }
0x3: {  	s2 =	srdreg.scid;
	s3 =	simm.s32 $0x0;
	s14 =	stileid.u32  }
0x4: {  	s30 =	simm.s32 $0x4;
	s31 =	simm.s32 $0x80;
	s2 =	sand.u32 $0x1, s2  }
0x5: {  	[smem:$0x7FF] =	sst s3;
	s7 =	smul.u32 $0x14000, s14;
	s4 =	sadd.s32 $0x17200, s0  }
0x6: {  	s5 =	sadd.s32 $0xCC00, s0;
	s9 =	sadd.s32 $0x2E00, s0;
	s11 =	smul.u32 $0x50000, s14  }
0x7: {  	s21 =	sshll.u32 s14, $0x6;
	s6 =	smul.u32 $0x140000, s2;
	_ =	strace $0x8000004D  }
0x8: {  	s8 =	sshll.u32 s2, $0x4;
	s10 =	ssub.s32 $0x2, s2;
	s2 =	smul.u32 $0x27100, s2  }
0x9: {  	s8 =	sor.u32 s14, s8;
	s19 =	sshrl.u32 s10, $0x1;
	s20 =	sshrl.u32 s11, $0x2  }
0xa: {  	s14 =	smul.u32 $0x2710, s14;
	s7 =	sadd.s32 s7, s6;
	s6 =	sadd.s32 $0x16A00, s0  }
0xb: {  	s12 =	smul.u32 $0x2710, s8;
	s10 =	ssub.s32 s10, s19;
	s8 =	sor.u32 $0x1C04, s21  }
0xc: {  	s7 =	sshrl.u32 s7, $0x3;
	s2 =	sadd.s32 s14, s2;
	s10 =	smax.u32 s10, $0x1  }
0xd: {  	s0 =	sadd.s32 s7, s0;
	s7 =	sadd.s32 s20, s1;
	s22 =	sshrl.u32 s12, $0x3  }
0xe: {  	[dreg:$0xc] =	wrdreg s10;
	s14 =	sadd.s32 $0x180, s2;
	s10 =	simm.s32 $0x1  }
0xf: {  	s15 =	sadd.s32 s5, s22;
	s12 =	sadd.s32 s9, s22;
	s0 =	sadd.s32 $0x3E400, s0  }
0x10: {  	s13 =	sadd.s32 $0x4C0, s22;
	s16 =	sadd.s32 $0x4A0, s12;
	[dreg:$0xb] =	wrdreg s0  }
0x11: {  	s24 =	sadd.s32 $0x4D0, s22;
	s23 =	sadd.s32 s5, s13;
	[dreg:$0x3] =	wrdreg s16  }
0x12: {  	s11 =	sadd.s32 $0x4E0, s22;
	s12 =	sadd.s32 $0x4B0, s12;
	[dreg:$0x4] =	wrdreg s23  }
0x13: {  	s17 =	sadd.s32 $0x8000, s7;
	s25 =	sadd.s32 s5, s24;
	[dreg:$0x5] =	wrdreg s12  }
0x14: {  	s18 =	sshrl.u32 s14, $0x3;
	s13 =	sadd.s32 s9, s13;
	[dreg:$0x6] =	wrdreg s25  }
0x15: {  	s14 =	simm.s32 $0x8200;
	s26 =	sadd.s32 s5, s11;
	[dreg:$0x7] =	wrdreg s13  }
0x16: {  	s11 =	sadd.s32 s9, s11;
	s22 =	sadd.s32 s18, s5;
	[dreg:$0x9] =	wrdreg s26  }
0x17: {  	s29 =	sadd.s32 $0x10, s15;
	s12 =	sadd.s32 s9, s24;
	[dreg:$0xa] =	wrdreg s11  }
0x18: {  	s13 =	sadd.s32 $0x4000, s7;
	s16 =	sshrl.u32 s2, $0x3;
	s23 =	sadd.s32 $0x100, s2  }
0x19: {  	s24 =	sadd.s32 $0xC000, s7;
	s25 =	smov.u32 s7;
	s26 =	sadd.s32 $0x10000, s7  }
0x1a: {  	s11 =	simm.s32 $0x100;
	[dreg:$0x8] =	wrdreg s12;
	s12 =	sadd.s32 $0x80, s2  }
0x1b: {  	s21 =	sadd.s32 s16, s9;
	s19 =	sshrl.u32 s13, $0x3;
	s28 =	sshrl.u32 s26, $0x3  }
0x1c: {  	s26 =	smov.u32 s15;
	s2 =	simm.s32 $0x4200;
	s13 =	simm.s32 $0x10  }
0x1d: {  	s15 =	simm.s32 $0x3;
	s16 =	simm.s32 $0x0;
	s0 =	sshrl.u32 s12, $0x3  }
0x1e: {  	[dreg:$0xd] =	wrdreg s19;
	s20 =	sadd.s32 s0, s9;
	s0 =	sshrl.u32 s17, $0x3  }
0x1f: {  	s12 =	simm.s32 $0x2;
	[dreg:$0xe] =	wrdreg s0;
	s0 =	sshrl.u32 s24, $0x3  }
0x20: {  	s9 =	simm.s32 $0x180;
	[dreg:$0xf] =	wrdreg s0;
	s0 =	simm.s32 $0x200  }
.LBB2_1:
0x21: {  	s17 =	sshrl.u32 s25, $0x3  }
0x22: {  	[spmem:s17], [sflag:s8] =	dma.local [hbm:s6], $0x800  }
0x23: {  	_ =	swait.ge [sflag:s30], $0x800  }
0x24: {  	[sflag:s30] =	ssyncset.done $0x0  }
0x25: {  	s7 =	rddreg [dreg:$0xd];
	[sflag:s30] =	ssyncadd.s32 $0xFFFFF800  }
0x26: {  	[spmem:s7], [sflag:s8] =	dma.local [hbm:s6], $0x800  }
0x27: {  	_ =	swait.ge [sflag:s30], $0x800  }
0x28: {  	[sflag:s30] =	ssyncset.done $0x0  }
0x29: {  	s19 =	rddreg [dreg:$0xe];
	[sflag:s30] =	ssyncadd.s32 $0xFFFFF800  }
0x2a: {  	[spmem:s19], [sflag:s8] =	dma.local [hbm:s6], $0x800  }
0x2b: {  	_ =	swait.ge [sflag:s30], $0x800  }
0x2c: {  	[sflag:s30] =	ssyncset.done $0x0  }
0x2d: {  	s24 =	rddreg [dreg:$0xf];
	[sflag:s30] =	ssyncadd.s32 $0xFFFFF800  }
0x2e: {  	[spmem:s24], [sflag:s8] =	dma.local [hbm:s6], $0x800  }
0x2f: {  	_ =	swait.ge [sflag:s30], $0x800  }
0x30: {  	[sflag:s30] =	ssyncset.done $0x0  }
0x31: {  	[sflag:s30] =	ssyncadd.s32 $0xFFFFF800  }
0x32: {  	[spmem:s28], [sflag:s8] =	dma.local [hbm:s6], $0x800  }
0x33: {  	_ =	swait.ge [sflag:s30], $0x800  }
0x34: {  	[sflag:s30] =	ssyncset.done $0x0  }
0x35: {  	[sflag:s30] =	ssyncadd.s32 $0xFFFFF800  }
0x36: {  	[bflag:$0x0] =	sbarrier.arrive $0xFFFF  }
0x37: {  	[tilespmem:s3], [sflag:$0x4] =	stream.linear.gather [hbm4b:s26+s3], $0x80, $0x38;
	[tilespmem:$0x1CA00] =	vst v63  }
0x38: {  	_ =	swait.ge [sflag:s30], $0x80  }
0x39: {  	[sflag:s30] =	ssyncset.done $0x0  }
0x3a: {  	[sflag:s30] =	ssyncadd.s32 $0xFFFFFF80  }
0x3b: {  	[tilespmem:s0], [sflag:$0x1] =	stream.indirect.gather [hbm4b:s4+s31], $0x80, s3, s31, $0xb8;
	[tilespmem:$0x1CA00] =	vst v63  }
0x3c: {  	_ = 	snop  }
0x3d: {  	[tilespmem:s31], [sflag:$0x4] =	stream.linear.gather [hbm4b:s29+s3], $0x80, $0x38;
	[tilespmem:$0x1CA00] =	vst v63  }
0x3e: {  	_ =	swait.ge [sflag:s30], $0x80  }
0x3f: {  	[sflag:s30] =	ssyncset.done $0x0  }
0x40: {  	[sflag:s30] =	ssyncadd.s32 $0xFFFFFF80  }
0x41: {  	[tilespmem:s2], [sflag:$0x2] =	stream.indirect.gather [hbm4b:s4+s31], $0x80, s31, s31, $0xb8;
	[tilespmem:$0x1CA00] =	vst v63  }
0x42: {  	_ =	swait.ge [sflag:s10], $0x4000  }
0x43: {  	[sflag:s10] =	ssyncset.done $0x0  }
0x44: {  	s18 =	sadd.s32 $0x0, s21;
	[sflag:s10] =	ssyncadd.s32 $0xFFFFC000  }
0x45: {  	[tilespmem:s11], [sflag:$0x4] =	stream.linear.gather [hbm4b:s18+s3], $0x80, $0x38;
	[tilespmem:$0x1CA00] =	vst v63  }
0x46: {  	_ =	swait.ge [sflag:s30], $0x80  }
0x47: {  	[sflag:s30] =	ssyncset.done $0x0  }
0x48: {  	[sflag:s30] =	ssyncadd.s32 $0xFFFFFF80  }
0x49: {  	[spmem:s1] =	stream.indirect.scatter.add.f32 [tilespmem:s0], [sflag:$0x4], $0x80, s11, s31, $0xb8;
	[tilespmem:$0x1CA00] =	vst v63  }
0x4a: {  	_ =	swait.ge [sflag:s30], $0x4000  }
0x4b: {  	s7 =	sshrl.u32 s23, $0x3;
	[sflag:s30] =	ssyncset.done $0x0  }
0x4c: {  	s18 =	sadd.s32 s5, s7;
	[sflag:s30] =	ssyncadd.s32 $0xFFFFC000  }
0x4d: {  	[tilespmem:s3], [sflag:$0x4] =	stream.linear.gather [hbm4b:s18+s3], $0x80, $0x38;
	[tilespmem:$0x1CA00] =	vst v63  }
0x4e: {  	_ =	swait.ge [sflag:s30], $0x80  }
0x4f: {  	[sflag:s30] =	ssyncset.done $0x0  }
0x50: {  	[sflag:s30] =	ssyncadd.s32 $0xFFFFFF80  }
0x51: {  	[tilespmem:s0], [sflag:$0x1] =	stream.indirect.gather [hbm4b:s4+s31], $0x80, s3, s31, $0xb8;
	[tilespmem:$0x1CA00] =	vst v63  }
0x52: {  	_ =	swait.ge [sflag:s12], $0x4000  }
0x53: {  	[sflag:s12] =	ssyncset.done $0x0  }
0x54: {  	s19 =	sadd.s32 $0x0, s20;
	[sflag:s12] =	ssyncadd.s32 $0xFFFFC000  }
0x55: {  	[tilespmem:s11], [sflag:$0x4] =	stream.linear.gather [hbm4b:s19+s3], $0x80, $0x38;
	[tilespmem:$0x1CA00] =	vst v63  }
0x56: {  	_ =	swait.ge [sflag:s30], $0x80  }
0x57: {  	[sflag:s30] =	ssyncset.done $0x0  }
0x58: {  	[sflag:s30] =	ssyncadd.s32 $0xFFFFFF80  }
0x59: {  	[spmem:s1] =	stream.indirect.scatter.add.f32 [tilespmem:s2], [sflag:$0x4], $0x80, s11, s31, $0xb8;
	[tilespmem:$0x1CA00] =	vst v63  }
0x5a: {  	_ =	swait.ge [sflag:s30], $0x4000  }
0x5b: {  	[sflag:s30] =	ssyncset.done $0x0  }
0x5c: {  	s24 =	sadd.s32 $0x0, s22;
	[sflag:s30] =	ssyncadd.s32 $0xFFFFC000  }
0x5d: {  	[tilespmem:s31], [sflag:$0x4] =	stream.linear.gather [hbm4b:s24+s3], $0x80, $0x38;
	[tilespmem:$0x1CA00] =	vst v63  }
0x5e: {  	_ =	swait.ge [sflag:s30], $0x80  }
0x5f: {  	[sflag:s30] =	ssyncset.done $0x0  }
0x60: {  	s18 =	simm.s32 $0x20;
	s19 =	sadd.s32 $0x100, s23;
	[sflag:s30] =	ssyncadd.s32 $0xFFFFFF80  }
.LBB2_2:
0x61: {  	[tilespmem:s2], [sflag:$0x2] =	stream.indirect.gather [hbm4b:s4+s31], $0x80, s31, s31, $0xb8;
	[tilespmem:$0x1CA00] =	vst v63  }
0x62: {  	s24 =	smov.u32 s18  }
0x63: {  	p0 =	sne.s32 s18, $0x480;
	s18 =	sadd.s32 $0x20, s18;
	_ =	swait.ge [sflag:s10], $0x4000  }
0x64: {  	[sflag:s10] =	ssyncset.done $0x0  }
0x65: {  	s7 =	sadd.s32 s24, s21;
	[sflag:s10] =	ssyncadd.s32 $0xFFFFC000  }
0x66: {  	[tilespmem:s11], [sflag:$0x4] =	stream.linear.gather [hbm4b:s7+s3], $0x80, $0x38;
	[tilespmem:$0x1CA00] =	vst v63  }
0x67: {  	_ =	swait.ge [sflag:s30], $0x80  }
0x68: {  	[sflag:s30] =	ssyncset.done $0x0  }
0x69: {  	[sflag:s30] =	ssyncadd.s32 $0xFFFFFF80  }
0x6a: {  	[spmem:s1] =	stream.indirect.scatter.add.f32 [tilespmem:s0], [sflag:$0x4], $0x80, s11, s31, $0xb8;
	[tilespmem:$0x1CA00] =	vst v63  }
0x6b: {  	_ =	swait.ge [sflag:s30], $0x4000  }
0x6c: {  	s7 =	sshrl.u32 s19, $0x3;
	[sflag:s30] =	ssyncset.done $0x0  }
0x6d: {  	s7 =	sadd.s32 s5, s7;
	[sflag:s30] =	ssyncadd.s32 $0xFFFFC000  }
0x6e: {  	[tilespmem:s3], [sflag:$0x4] =	stream.linear.gather [hbm4b:s7+s3], $0x80, $0x38;
	[tilespmem:$0x1CA00] =	vst v63  }
0x6f: {  	_ =	swait.ge [sflag:s30], $0x80  }
0x70: {  	[sflag:s30] =	ssyncset.done $0x0  }
0x71: {  	[sflag:s30] =	ssyncadd.s32 $0xFFFFFF80  }
0x72: {  	[tilespmem:s0], [sflag:$0x1] =	stream.indirect.gather [hbm4b:s4+s31], $0x80, s3, s31, $0xb8;
	[tilespmem:$0x1CA00] =	vst v63  }
0x73: {  	_ =	swait.ge [sflag:s12], $0x4000  }
0x74: {  	[sflag:s12] =	ssyncset.done $0x0  }
0x75: {  	s7 =	sadd.s32 s24, s20;
	[sflag:s12] =	ssyncadd.s32 $0xFFFFC000  }
0x76: {  	[tilespmem:s11], [sflag:$0x4] =	stream.linear.gather [hbm4b:s7+s3], $0x80, $0x38;
	[tilespmem:$0x1CA00] =	vst v63  }
0x77: {  	_ =	swait.ge [sflag:s30], $0x80  }
0x78: {  	[sflag:s30] =	ssyncset.done $0x0  }
0x79: {  	[sflag:s30] =	ssyncadd.s32 $0xFFFFFF80  }
0x7a: {  	[spmem:s1] =	stream.indirect.scatter.add.f32 [tilespmem:s2], [sflag:$0x4], $0x80, s11, s31, $0xb8;
	[tilespmem:$0x1CA00] =	vst v63  }
0x7b: {  	_ =	swait.ge [sflag:s30], $0x4000  }
0x7c: {  	[sflag:s30] =	ssyncset.done $0x0  }
.Ltmp0:
0x7d: {  	s7 =	sadd.s32 s24, s22;
	[sflag:s30] =	ssyncadd.s32 $0xFFFFC000;
	(pc) =	sbr.rel @p0 .LBB2_2-.Ltmp0, $4  }
0x7e: {  	[tilespmem:s31], [sflag:$0x4] =	stream.linear.gather [hbm4b:s7+s3], $0x80, $0x38;
	[tilespmem:$0x1CA00] =	vst v63  }
0x7f: {  	_ =	swait.ge [sflag:s30], $0x80  }
0x80: {  	[sflag:s30] =	ssyncset.done $0x0  }
0x81: {  	s19 =	sadd.s32 $0x100, s19;
	[sflag:s30] =	ssyncadd.s32 $0xFFFFFF80  }
0x82: {  	[tilespmem:s2], [sflag:$0x2] =	stream.indirect.gather [hbm4b:s4+s31], $0x80, s31, s31, $0xb8;
	[tilespmem:$0x1CA00] =	vst v63  }
0x83: {  	_ =	swait.ge [sflag:s10], $0x4000  }
0x84: {  	[sflag:s10] =	ssyncset.done $0x0  }
0x85: {  	s7 =	rddreg [dreg:$0x3];
	[sflag:s10] =	ssyncadd.s32 $0xFFFFC000  }
0x86: {  	[tilespmem:s11], [sflag:$0x4] =	stream.linear.gather [hbm4b:s7+s3], $0x80, $0x38;
	[tilespmem:$0x1CA00] =	vst v63  }
0x87: {  	_ =	swait.ge [sflag:s30], $0x80  }
0x88: {  	[sflag:s30] =	ssyncset.done $0x0  }
0x89: {  	[sflag:s30] =	ssyncadd.s32 $0xFFFFFF80  }
0x8a: {  	[spmem:s1] =	stream.indirect.scatter.add.f32 [tilespmem:s0], [sflag:$0x4], $0x80, s11, s31, $0xb8;
	[tilespmem:$0x1CA00] =	vst v63  }
0x8b: {  	_ =	swait.ge [sflag:s30], $0x4000  }
0x8c: {  	[sflag:s30] =	ssyncset.done $0x0  }
0x8d: {  	s18 =	rddreg [dreg:$0x4];
	[sflag:s30] =	ssyncadd.s32 $0xFFFFC000  }
0x8e: {  	[tilespmem:s3], [sflag:$0x4] =	stream.linear.gather [hbm4b:s18+s3], $0x80, $0x38;
	[tilespmem:$0x1CA00] =	vst v63  }
0x8f: {  	_ =	swait.ge [sflag:s30], $0x80  }
0x90: {  	[sflag:s30] =	ssyncset.done $0x0  }
0x91: {  	[sflag:s30] =	ssyncadd.s32 $0xFFFFFF80  }
0x92: {  	[tilespmem:s0], [sflag:$0x1] =	stream.indirect.gather [hbm4b:s4+s31], $0x80, s3, s31, $0xb8;
	[tilespmem:$0x1CA00] =	vst v63  }
0x93: {  	_ =	swait.ge [sflag:s12], $0x4000  }
0x94: {  	[sflag:s12] =	ssyncset.done $0x0  }
0x95: {  	s19 =	rddreg [dreg:$0x5];
	[sflag:s12] =	ssyncadd.s32 $0xFFFFC000  }
0x96: {  	[tilespmem:s11], [sflag:$0x4] =	stream.linear.gather [hbm4b:s19+s3], $0x80, $0x38;
	[tilespmem:$0x1CA00] =	vst v63  }
0x97: {  	_ =	swait.ge [sflag:s30], $0x80  }
0x98: {  	[sflag:s30] =	ssyncset.done $0x0  }
0x99: {  	[sflag:s30] =	ssyncadd.s32 $0xFFFFFF80  }
0x9a: {  	[spmem:s1] =	stream.indirect.scatter.add.f32 [tilespmem:s2], [sflag:$0x4], $0x80, s11, s31, $0xb8;
	[tilespmem:$0x1CA00] =	vst v63  }
0x9b: {  	_ =	swait.ge [sflag:s30], $0x4000  }
0x9c: {  	[sflag:s30] =	ssyncset.done $0x0  }
0x9d: {  	s24 =	rddreg [dreg:$0x6];
	[sflag:s30] =	ssyncadd.s32 $0xFFFFC000  }
0x9e: {  	[tilespmem:s31], [sflag:$0x4] =	stream.linear.gather [hbm4b:s24+s3], $0x80, $0x38;
	[tilespmem:$0x1CA00] =	vst v63  }
0x9f: {  	_ =	swait.ge [sflag:s30], $0x80  }
0xa0: {  	[sflag:s30] =	ssyncset.done $0x0  }
0xa1: {  	[sflag:s30] =	ssyncadd.s32 $0xFFFFFF80  }
0xa2: {  	[tilespmem:s2], [sflag:$0x2] =	stream.indirect.gather [hbm4b:s4+s31], $0x80, s31, s31, $0xb8;
	[tilespmem:$0x1CA00] =	vst v63  }
0xa3: {  	_ =	swait.ge [sflag:s10], $0x4000  }
0xa4: {  	[sflag:s10] =	ssyncset.done $0x0  }
0xa5: {  	s18 =	rddreg [dreg:$0x7];
	[sflag:s10] =	ssyncadd.s32 $0xFFFFC000  }
0xa6: {  	[tilespmem:s11], [sflag:$0x4] =	stream.linear.gather [hbm4b:s18+s3], $0x80, $0x38;
	[tilespmem:$0x1CA00] =	vst v63  }
0xa7: {  	_ =	swait.ge [sflag:s30], $0x80  }
0xa8: {  	[sflag:s30] =	ssyncset.done $0x0  }
0xa9: {  	[sflag:s30] =	ssyncadd.s32 $0xFFFFFF80  }
0xaa: {  	[spmem:s1] =	stream.indirect.scatter.add.f32 [tilespmem:s0], [sflag:$0x4], $0x80, s11, s31, $0xb8;
	[tilespmem:$0x1CA00] =	vst v63  }
0xab: {  	_ =	swait.ge [sflag:s30], $0x4000  }
0xac: {  	[sflag:s30] =	ssyncset.done $0x0  }
0xad: {  	[sflag:s30] =	ssyncadd.s32 $0xFFFFC000  }
0xae: {  	_ =	swait.ge [sflag:s12], $0x4000  }
0xaf: {  	[sflag:s12] =	ssyncset.done $0x0  }
0xb0: {  	s19 =	rddreg [dreg:$0x8];
	[sflag:s12] =	ssyncadd.s32 $0xFFFFC000  }
0xb1: {  	[tilespmem:s11], [sflag:$0x4] =	stream.linear.gather [hbm4b:s19+s3], $0x80, $0x38;
	[tilespmem:$0x1CA00] =	vst v63  }
0xb2: {  	_ =	swait.ge [sflag:s30], $0x80  }
0xb3: {  	[sflag:s30] =	ssyncset.done $0x0  }
0xb4: {  	[sflag:s30] =	ssyncadd.s32 $0xFFFFFF80  }
0xb5: {  	[spmem:s1] =	stream.indirect.scatter.add.f32 [tilespmem:s2], [sflag:$0x4], $0x80, s11, s31, $0xb8;
	[tilespmem:$0x1CA00] =	vst v63  }
0xb6: {  	_ =	swait.ge [sflag:s30], $0x4000  }
0xb7: {  	[sflag:s30] =	ssyncset.done $0x0  }
0xb8: {  	s24 =	rddreg [dreg:$0x9];
	[sflag:s30] =	ssyncadd.s32 $0xFFFFC000  }
0xb9: {  	[tilespmem:s9], [sflag:$0x4] =	stream.linear.gather [hbm4b:s24+s3], $0x10, $0x38;
	[tilespmem:$0x1CA00] =	vst v63  }
0xba: {  	_ =	swait.ge [sflag:s30], $0x10  }
0xbb: {  	[sflag:s30] =	ssyncset.done $0x0  }
0xbc: {  	[sflag:s30] =	ssyncadd.s32 $0xFFFFFFF0  }
0xbd: {  	[tilespmem:s14], [sflag:$0x3] =	stream.indirect.gather [hbm4b:s4+s13], $0x80, s9, s13, $0xb8;
	[tilespmem:$0x1CA00] =	vst v63  }
0xbe: {  	_ =	swait.ge [sflag:s15], $0x800  }
0xbf: {  	[sflag:s15] =	ssyncset.done $0x0  }
0xc0: {  	s18 =	rddreg [dreg:$0xa];
	[sflag:s15] =	ssyncadd.s32 $0xFFFFF800  }
0xc1: {  	[tilespmem:s9], [sflag:$0x4] =	stream.linear.gather [hbm4b:s18+s3], $0x10, $0x38;
	[tilespmem:$0x1CA00] =	vst v63  }
0xc2: {  	_ =	swait.ge [sflag:s30], $0x10  }
0xc3: {  	[sflag:s30] =	ssyncset.done $0x0  }
0xc4: {  	[sflag:s30] =	ssyncadd.s32 $0xFFFFFFF0  }
0xc5: {  	[spmem:s1] =	stream.indirect.scatter.add.f32 [tilespmem:s14], [sflag:$0x4], $0x80, s9, s13, $0xb8;
	[tilespmem:$0x1CA00] =	vst v63  }
0xc6: {  	_ =	swait.ge [sflag:s30], $0x800  }
0xc7: {  	[sflag:s30] =	ssyncset.done $0x0  }
0xc8: {  	[sflag:s30] =	ssyncadd.s32 $0xFFFFF800  }
0xc9: {  	[bflag:$0x0] =	sbarrier.arrive $0xFFFF  }
0xca: {  	s19 =	rddreg [dreg:$0xb]  }
0xcb: {  	[hbm:s19], [sflag:s8] =	dma.local [spmem:s17], $0x2800  }
0xcc: {  	_ =	swait.ge [sflag:s30], $0x2800  }
0xcd: {  	s16 =	sadd.s32 $0x1, s16;
	s24 =	rddreg [dreg:$0xc]  }
0xce: {  	p0 =	sne.s32 s16, s24  }
.Ltmp1:
0xcf: {  	_ = 	snop;
	(pc) =	sbr.rel @p0 .LBB2_1-.Ltmp1, $3  }
0xd0: {  	_ =	sdelay $0x1  }
0xd1: {  	[sflag:s30] =	ssyncset.done $0x0  }
0xd2: {  	[sflag:s30] =	ssyncadd.s32 $0xFFFFD800  }
0xd3: {  	_ =	sfence.sel $0x180000  }
0xd4: {  	[bflag:$0x0] =	sbarrier.arrive $0xFFFF  }
0xd5: {  	_ =	strace $0x9000004D  }
0xd6: {  	s0 =	stileid.u32;
	[bflag:$0x2] =	sbarrier.arrive $0xFFFF  }
0xd7: {  	p0 =	sne.s32 s0, $0x0;
	s0 =	rddreg [dreg:$0x2]  }
0xd8: {  	s0 =	sadd.s32 @!p0 $0x100000, s0  }
0xd9: {  	[sflag:s0] =	ssyncadd.tile.s32 @!p0 $0x1;
	_ =	shalt  }
.Lfunc_end2:
_tile_overlayer_lowered:
.L_overlay_start_2:
0xda: {  	(tag) =	ssettag $0x2  }
0xdb: {  	s0 =	rddreg [dreg:$0x0];
	s2 =	stileid.u32  }
0xdc: {  	s1 =	rddreg [dreg:$0x1];
	p0 =	sne.s32 s2, $0x0  }
0xdd: {  	s3 =	rddreg [dreg:$0x2];
	[bflag:$0x3] =	sbarrier.arrive $0xFFFF;
	s2 =	simm.s32 @!p0 $0x1C04  }
0xde: {  	[timem:s3], [sflag:s2] =	dma.local @!p0 [hbm:s0], s1  }
0xdf: {  	s0 =	simm.s32 @!p0 $0x4  }
0xe0: {  	_ =	swait.ge @!p0 [sflag:s0], s1  }
0xe1: {  	s1 =	ssub.s32 @!p0 $0x0, s1;
	[sflag:s0] =	ssyncset.done @!p0 $0x0  }
0xe2: {  	[sflag:s0] =	ssyncadd.s32 @!p0 s1  }
0xe3: {  	[bflag:$0x3] =	sbarrier.arrive $0xFFFF  }
0xe4: {  	_ =	shalt  }

// kernel: kernel.20.cloned.1.call-start
scs
__scs_entry_jumppad:
0x0: {  	(pc) =	sbr.rel $0x88, $3  }
0x1: {  	(tag) =	ssettag $0x0;
	lr =	simm.s32 $0x1  }
0x2: {  	[smem:$0x3F96] =	sst lr;
	_ =	strace $0xD0000000  }
0x3: {  	_ = 	snop  }
0x4: {  	_ = 	snop  }
0x5: {  	_ = 	snop  }
0x6: {  	_ = 	snop  }
0x7: {  	_ = 	snop  }
__scs_overlays_trampoline_lowered:
0x8: {  	[smem:$0x3FA5] =	sst s0  }
0x9: {  	[smem:$0x3FA6] =	sst s1  }
0xa: {  	[smem:$0x3FA7] =	sst s2  }
0xb: {  	[smem:$0x3FA8] =	sst s3  }
0xc: {  	[smem:$0x3FA9] =	sst s4  }
0xd: {  	[smem:$0x3FAA] =	sst s5  }
0xe: {  	[smem:$0x3FAB] =	sst s6  }
0xf: {  	[smem:$0x3FAC] =	sst s7  }
0x10: {  	[smem:$0x3FAD] =	sst s8  }
0x11: {  	[smem:$0x3FAE] =	sst s9;
	s0 =	simm.s32 @!p0 $0x0  }
0x12: {  	s1 =	sld [smem:$0x3F94];
	s0 =	simm.s32 @p0 $0x1  }
0x13: {  	[smem:$0x3FAF] =	sst s0;
	s0 =	simm.s32 @!p1 $0x0  }
0x14: {  	s2 =	sld [smem:$0x3F93];
	s0 =	simm.s32 @p1 $0x1  }
0x15: {  	[smem:$0x3FB0] =	sst s0;
	s0 =	simm.s32 @!p2 $0x0  }
0x16: {  	s3 =	sld [smem:$0x3FDB];
	s0 =	simm.s32 @p2 $0x1  }
0x17: {  	s4 =	simm.s32 $0x1BF5;
	[smem:$0x3FB2] =	sst s0  }
0x18: {  	s0 =	sld [smem:$0x3F95];
	_ =	swait.ge [sflag:s4], $0x0  }
0x19: {  	s7 =	sld [smem:$0x3F96]  }
0x1a: {  	s8 =	sadd.s32 $0xFFFFE003, lr  }
0x1b: {  	s9 =	sadd.s32 $0xFFFFFEF7, lr;
	s5 =	simm.s32 $0xFFFFFFFF;
	p2 =	slt.u32 s8, $0xFFFFF086  }
0x1c: {  	p1 =	slt.u32 s9, $0xF7A;
	s5 =	simm.s32 @!p2 $0x0  }
0x1d: {  	s5 =	simm.s32 @p1 $0x1;
	p0 =	seq.s32 s7, s2  }
0x1e: {  	s7 =	smul.u32 @!p0 $0xF7A, s2;
	p2 =	seq.s32 @!p0 s5, $0x0  }
0x1f: {  	s9 =	smul.u32 $0xF7A, s1;
	s8 =	simm.s32 @!p0 $0x1BF5;
	p2 =	por !p2, p0  }
0x20: {  	[sflag:s8] =	ssyncset.s32 @!p0 $0xFFFFF086;
	s6 =	sadd.s32 @!p0 s3, s7;
	s7 =	simm.s32 @!p0 $0x108  }
0x21: {  	s3 =	sadd.s32 s3, s9;
	s6 =	sadd.s32 @!p0 $0x88, s6;
	s7 =	simm.s32 @p2 $0x1082  }
0x22: {  	[simem:s7], [sflag:s8] =	dma.local @!p0 [hbm:s6], $0xF7A  }
0x23: {  	s9 =	sor.u32 $0xD0000000, s2;
	s6 =	simm.s32 $0x108;
	_ =	swait.ge @!p0 [sflag:s8], $0x0  }
0x24: {  	s3 =	sadd.s32 $0x88, s3;
	s6 =	simm.s32 @!p1 $0x1082;
	[sflag:s4] =	ssyncset.s32 $0xFFFFF086  }
0x25: {  	[simem:s6], [sflag:s4] =	dma.local [hbm:s3], $0xF7A  }
0x26: {  	[smem:$0x3F96] =	sst s1;
	(tag) =	ssettag s2;
	_ =	strace s9  }
0x27: {  	s1 =	sld [smem:$0x3FA6]  }
0x28: {  	s2 =	sld [smem:$0x3FA7]  }
0x29: {  	s4 =	sld [smem:$0x3FA9]  }
0x2a: {  	p0 =	seq.s32 s5, $0x0;
	s5 =	sld [smem:$0x3FAA]  }
0x2b: {  	s6 =	sld [smem:$0x3FAB]  }
0x2c: {  	s7 =	sld [smem:$0x3FAC]  }
0x2d: {  	s3 =	simm.s32 $0x108;
	s8 =	sld [smem:$0x3FAD]  }
0x2e: {  	s3 =	simm.s32 @!p0 $0x1082;
	s9 =	sld [smem:$0x3FAE]  }
0x2f: {  	lr =	sadd.s32 s0, s3;
	s0 =	sld [smem:$0x3FA5]  }
0x30: {  	s3 =	sld [smem:$0x3FA8]  }
0x31: {  	[smem:$0x3FB1] =	sst s10  }
0x32: {  	s10 =	sld [smem:$0x3FAF];
	_ =	sdelay $0x3  }
0x33: {  	p0 =	seq.s32 s10, $0x1;
	s10 =	sld [smem:$0x3FB1];
	_ =	sdelay $0x3  }
0x34: {  	[smem:$0x3FB1] =	sst s10  }
0x35: {  	s10 =	sld [smem:$0x3FB0];
	_ =	sdelay $0x3  }
0x36: {  	p1 =	seq.s32 s10, $0x1;
	s10 =	sld [smem:$0x3FB1];
	_ =	sdelay $0x3  }
0x37: {  	[smem:$0x3FB1] =	sst s10  }
0x38: {  	s10 =	sld [smem:$0x3FB2]  }
0x39: {  	_ = 	snop;
	(pc) =	sbr.ind lr, $3  }
0x3a: {  	_ = 	snop  }
0x3b: {  	_ = 	snop  }
0x3c: {  	p2 =	seq.s32 s10, $0x1;
	s10 =	sld [smem:$0x3FB1]  }
0x3d: {  	_ =	shalt  }
0x3e: {  	_ =	shalt  }
0x3f: {  	_ =	shalt  }
0x40: {  	_ =	shalt  }
0x41: {  	_ =	shalt  }
0x42: {  	_ =	shalt  }
0x43: {  	_ =	shalt  }
0x44: {  	_ =	shalt  }
0x45: {  	_ =	shalt  }
0x46: {  	_ =	shalt  }
0x47: {  	_ =	shalt  }
0x48: {  	_ =	shalt  }
0x49: {  	_ =	shalt  }
0x4a: {  	_ =	shalt  }
0x4b: {  	_ =	shalt  }
0x4c: {  	_ =	shalt  }
0x4d: {  	_ =	shalt  }
0x4e: {  	_ =	shalt  }
0x4f: {  	_ =	shalt  }
0x50: {  	_ =	shalt  }
0x51: {  	_ =	shalt  }
0x52: {  	_ =	shalt  }
0x53: {  	_ =	shalt  }
0x54: {  	_ =	shalt  }
0x55: {  	_ =	shalt  }
0x56: {  	_ =	shalt  }
0x57: {  	_ =	shalt  }
0x58: {  	_ =	shalt  }
0x59: {  	_ =	shalt  }
0x5a: {  	_ =	shalt  }
0x5b: {  	_ =	shalt  }
0x5c: {  	_ =	shalt  }
0x5d: {  	_ =	shalt  }
0x5e: {  	_ =	shalt  }
0x5f: {  	_ =	shalt  }
0x60: {  	_ =	shalt  }
0x61: {  	_ =	shalt  }
0x62: {  	_ =	shalt  }
0x63: {  	_ =	shalt  }
0x64: {  	_ =	shalt  }
0x65: {  	_ =	shalt  }
0x66: {  	_ =	shalt  }
0x67: {  	_ =	shalt  }
0x68: {  	_ =	shalt  }
0x69: {  	_ =	shalt  }
0x6a: {  	_ =	shalt  }
0x6b: {  	_ =	shalt  }
0x6c: {  	_ =	shalt  }
0x6d: {  	_ =	shalt  }
0x6e: {  	_ =	shalt  }
0x6f: {  	_ =	shalt  }
0x70: {  	_ =	shalt  }
0x71: {  	_ =	shalt  }
0x72: {  	_ =	shalt  }
0x73: {  	_ =	shalt  }
0x74: {  	_ =	shalt  }
0x75: {  	_ =	shalt  }
0x76: {  	_ =	shalt  }
0x77: {  	_ =	shalt  }
0x78: {  	_ =	shalt  }
0x79: {  	_ =	shalt  }
0x7a: {  	_ =	shalt  }
0x7b: {  	_ =	shalt  }
0x7c: {  	_ =	shalt  }
0x7d: {  	_ =	shalt  }
0x7e: {  	_ =	shalt  }
0x7f: {  	_ =	shalt  }
0x80: {  	_ =	shalt  }
0x81: {  	_ =	shalt  }
0x82: {  	_ =	shalt  }
0x83: {  	_ =	shalt  }
0x84: {  	_ =	shalt  }
0x85: {  	_ =	shalt  }
0x86: {  	_ =	shalt  }
0x87: {  	_ =	shalt  }
.Lfunc_end0:
.L_simem_size_0:
called_computation.3_lowered:
.L_overlay_start_0:
0x88: {  	s2 =	sld [smem:$0x3FD9]  }
0x89: {  	s3 =	sld [smem:$0x3FFE];
	_ =	sdelay $0x1  }
0x8a: {  	s1 =	srdreg.scid  }
0x8b: {  	s0 =	sand.u32 $0x1, s1  }
0x8c: {  	s16 =	sshll.u32 s0, $0xA;
	s2 =	sadd.s32 s3, s2  }
0x8d: {  	s2 =	sadd.s32 s2, s16  }
0x8e: {  	[smem:$0x3FBD] =	sst s2  }
0x8f: {  	_ = 	snop  }
0x90: {  	(tm) =	ssettm $0x1  }
0x91: {  	s17 =	sld [smem:$0x3FFB];
	_ =	sdelay $0x3  }
0x92: {  	_ =	strace s17  }
0x93: {  	s2 =	sld [smem:$0x3FFC];
	_ =	sdelay $0x3  }
0x94: {  	_ =	strace s2  }
0x95: {  	s2 =	sld [smem:$0x3FFD];
	_ =	sdelay $0x3  }
0x96: {  	_ =	strace s2  }
0x97: {  	_ =	strace $0x8FFFFFFF  }
0x98: {  	s18 =	sld [smem:$0x3FDB];
	_ =	sdelay $0x1  }
0x99: {  	s19 =	simm.s32 $_scs_section_size  }
0x9a: {  	s4 =	simm.s32 $_size__tile_overlayer_lowered;
	s5 =	simm.s32 $_tile_overlayer_lowered  }
0x9b: {  	s22 =	simm.s32 $0x1BFF;
	s21 =	sshll.u32 s5, $0x1;
	s2 =	sadd.s32 s19, s18  }
0x9c: {  	s6 =	simm.s32 $0x0;
	s20 =	sshll.u32 s4, $0x1;
	s4 =	sadd.s32 s21, s2  }
0x9d: {  	[timem:s6], [sflag:s22] =	dma.local [hbm:s4], s20  }
0x9e: {  	_ =	swait.ge [sflag:s22], s20  }
0x9f: {  	s3 =	ssub.s32 $0x0, s20;
	[sflag:s22] =	ssyncset.done $0x0  }
0xa0: {  	[sflag:s22] =	ssyncadd.s32 s3;
	_ =	sdelay $0x1  }
0xa1: {  	s23 =	simm.s32 $0x1B8B  }
0xa2: {  	_ =	swait.ge [sflag:s23], $0x1  }
0xa3: {  	[sflag:s23] =	ssyncset.done $0x0  }
0xa4: {  	s25 =	simm.s32 $0x1B8E;
	s24 =	sld [smem:$0x3FFE];
	[sflag:s23] =	ssyncadd.s32 $0xFFFFFFFF  }
0xa5: {  	s26 =	simm.s32 $execute0_lowered;
	[smem:$0x3FD2] =	sst s25  }
0xa6: {  	s4 =	sshll.u32 s26, $0x1;
	_ =	strace $0x8000004F;
	[dreg:$0x1] =	wrdreg $0xFFFFFFFF  }
0xa7: {  	s28 =	simm.s32 $_size_execute0_lowered;
	s2 =	sadd.s32 s2, s4;
	[dreg:$0x0] =	wrdreg $0x0  }
0xa8: {  	s4 =	sshll.u32 s28, $0x1;
	[dreg:$0x2] =	wrdreg s2  }
0xa9: {  	[dreg:$0x3] =	wrdreg s4  }
0xaa: {  	[dreg:$0x4] =	wrdreg $0xC0  }
0xab: {  	_ =	task [dreg:s6], $0x5FFFF  }
0xac: {  	[dreg:$0x1] =	wrdreg $0xFFFFFFFF  }
0xad: {  	[dreg:$0x0] =	wrdreg $0x60  }
0xae: {  	[dreg:$0x2] =	wrdreg s24  }
0xaf: {  	[dreg:$0x3] =	wrdreg $0x8A000  }
0xb0: {  	[dreg:$0x4] =	wrdreg $0x9  }
0xb1: {  	_ =	task.clear_ibuf [dreg:s6], $0x5FFFF;
	_ =	strace $0x9000004F  }
0xb2: {  	s29 =	simm.s32 $0x9;
	_ =	strace $0x80000051  }
0xb3: {  	_ =	swait.ge [sflag:s29], $0x1  }
0xb4: {  	[sflag:s29] =	ssyncadd.s32 $0xFFFFFFFF  }
0xb5: {  	_ =	strace $0x90000051  }
0xb6: {  	_ =	sfence  }
0xb7: {  	s30 =	sld [smem:$0x0];
	_ =	sdelay $0x2  }
0xb8: {  	s31 =	sshll.u32 s1, $0xD;
	s1 =	sshrl.u32 s1, $0x2  }
0xb9: {  	s3 =	sand.u32 $0x4000, s31;
	s1 =	sadd.s32 s1, s30  }
0xba: {  	s0 =	sor.u32 s3, s0;
	s1 =	sshll.u32 s1, $0x11  }
0xbb: {  	s0 =	sor.u32 s1, s0  }
0xbc: {  	s0 =	sadd.s32 $0x8F2B, s0  }
0xbd: {  	[sflag:s0] =	ssyncadd.remote.s32 $0x1  }
0xbe: {  	_ =	sfence.sel $0xFFFF  }
0xbf: {  	[dreg:$0x0] =	wrdreg $0xFFFFFFFF;
	(pc) =	sbr.abs _section_cstart, $3  }
0xc0: {  	[dreg:$0x1] =	wrdreg $0xFFFFFFFF  }
0xc1: {  	_ =	task.clear_ibuf [dreg:s6], $0x2FFFF;
	_ =	strace $0x9FFFFFFF  }
0xc2: {  	(tm) =	ssettm $0x7FFFFFFF  }
0xc3: {  	_ =	shalt  }
tec
execute0_lowered:
.L_overlay_start_1:
0x0: {  	(tag) =	ssettag $0x1  }
0x1: {  	s0 =	rddreg [dreg:$0x0]  }
0x2: {  	s1 =	rddreg [dreg:$0x1]  }
0x3: {  	s2 =	srdreg.scid;
	s3 =	simm.s32 $0x0;
	s14 =	stileid.u32  }
0x4: {  	s30 =	simm.s32 $0x4;
	s31 =	simm.s32 $0x80;
	s2 =	sand.u32 $0x1, s2  }
0x5: {  	[smem:$0x7FF] =	sst s3;
	s7 =	smul.u32 $0x14000, s14;
	s4 =	sadd.s32 $0x17200, s0  }
0x6: {  	s5 =	sadd.s32 $0xCC00, s0;
	s9 =	sadd.s32 $0x2E00, s0;
	s11 =	smul.u32 $0x50000, s14  }
0x7: {  	s21 =	sshll.u32 s14, $0x6;
	s6 =	smul.u32 $0x140000, s2;
	_ =	strace $0x80000050  }
0x8: {  	s8 =	sshll.u32 s2, $0x4;
	s10 =	ssub.s32 $0x2, s2;
	s2 =	smul.u32 $0x27100, s2  }
0x9: {  	s8 =	sor.u32 s14, s8;
	s19 =	sshrl.u32 s10, $0x1;
	s20 =	sshrl.u32 s11, $0x2  }
0xa: {  	s14 =	smul.u32 $0x2710, s14;
	s7 =	sadd.s32 s7, s6;
	s6 =	sadd.s32 $0x16A00, s0  }
0xb: {  	s12 =	smul.u32 $0x2710, s8;
	s10 =	ssub.s32 s10, s19;
	s8 =	sor.u32 $0x1C04, s21  }
0xc: {  	s7 =	sshrl.u32 s7, $0x3;
	s2 =	sadd.s32 s14, s2;
	s10 =	smax.u32 s10, $0x1  }
0xd: {  	s0 =	sadd.s32 s7, s0;
	s7 =	sadd.s32 s20, s1;
	s22 =	sshrl.u32 s12, $0x3  }
0xe: {  	[dreg:$0xc] =	wrdreg s10;
	s14 =	sadd.s32 $0x180, s2;
	s10 =	simm.s32 $0x1  }
0xf: {  	s15 =	sadd.s32 s5, s22;
	s12 =	sadd.s32 s9, s22;
	s0 =	sadd.s32 $0x3E400, s0  }
0x10: {  	s13 =	sadd.s32 $0x4C0, s22;
	s16 =	sadd.s32 $0x4A0, s12;
	[dreg:$0xb] =	wrdreg s0  }
0x11: {  	s24 =	sadd.s32 $0x4D0, s22;
	s23 =	sadd.s32 s5, s13;
	[dreg:$0x3] =	wrdreg s16  }
0x12: {  	s11 =	sadd.s32 $0x4E0, s22;
	s12 =	sadd.s32 $0x4B0, s12;
	[dreg:$0x4] =	wrdreg s23  }
0x13: {  	s17 =	sadd.s32 $0x8000, s7;
	s25 =	sadd.s32 s5, s24;
	[dreg:$0x5] =	wrdreg s12  }
0x14: {  	s18 =	sshrl.u32 s14, $0x3;
	s13 =	sadd.s32 s9, s13;
	[dreg:$0x6] =	wrdreg s25  }
0x15: {  	s14 =	simm.s32 $0x8200;
	s26 =	sadd.s32 s5, s11;
	[dreg:$0x7] =	wrdreg s13  }
0x16: {  	s11 =	sadd.s32 s9, s11;
	s22 =	sadd.s32 s18, s5;
	[dreg:$0x9] =	wrdreg s26  }
0x17: {  	s29 =	sadd.s32 $0x10, s15;
	s12 =	sadd.s32 s9, s24;
	[dreg:$0xa] =	wrdreg s11  }
0x18: {  	s13 =	sadd.s32 $0x4000, s7;
	s16 =	sshrl.u32 s2, $0x3;
	s23 =	sadd.s32 $0x100, s2  }
0x19: {  	s24 =	sadd.s32 $0xC000, s7;
	s25 =	smov.u32 s7;
	s26 =	sadd.s32 $0x10000, s7  }
0x1a: {  	s11 =	simm.s32 $0x100;
	[dreg:$0x8] =	wrdreg s12;
	s12 =	sadd.s32 $0x80, s2  }
0x1b: {  	s21 =	sadd.s32 s16, s9;
	s19 =	sshrl.u32 s13, $0x3;
	s28 =	sshrl.u32 s26, $0x3  }
0x1c: {  	s26 =	smov.u32 s15;
	s2 =	simm.s32 $0x4200;
	s13 =	simm.s32 $0x10  }
0x1d: {  	s15 =	simm.s32 $0x3;
	s16 =	simm.s32 $0x0;
	s0 =	sshrl.u32 s12, $0x3  }
0x1e: {  	[dreg:$0xd] =	wrdreg s19;
	s20 =	sadd.s32 s0, s9;
	s0 =	sshrl.u32 s17, $0x3  }
0x1f: {  	s12 =	simm.s32 $0x2;
	[dreg:$0xe] =	wrdreg s0;
	s0 =	sshrl.u32 s24, $0x3  }
0x20: {  	s9 =	simm.s32 $0x180;
	[dreg:$0xf] =	wrdreg s0;
	s0 =	simm.s32 $0x200  }
.LBB2_1:
0x21: {  	s17 =	sshrl.u32 s25, $0x3  }
0x22: {  	[spmem:s17], [sflag:s8] =	dma.local [hbm:s6], $0x800  }
0x23: {  	_ =	swait.ge [sflag:s30], $0x800  }
0x24: {  	[sflag:s30] =	ssyncset.done $0x0  }
0x25: {  	s7 =	rddreg [dreg:$0xd];
	[sflag:s30] =	ssyncadd.s32 $0xFFFFF800  }
0x26: {  	[spmem:s7], [sflag:s8] =	dma.local [hbm:s6], $0x800  }
0x27: {  	_ =	swait.ge [sflag:s30], $0x800  }
0x28: {  	[sflag:s30] =	ssyncset.done $0x0  }
0x29: {  	s19 =	rddreg [dreg:$0xe];
	[sflag:s30] =	ssyncadd.s32 $0xFFFFF800  }
0x2a: {  	[spmem:s19], [sflag:s8] =	dma.local [hbm:s6], $0x800  }
0x2b: {  	_ =	swait.ge [sflag:s30], $0x800  }
0x2c: {  	[sflag:s30] =	ssyncset.done $0x0  }
0x2d: {  	s24 =	rddreg [dreg:$0xf];
	[sflag:s30] =	ssyncadd.s32 $0xFFFFF800  }
0x2e: {  	[spmem:s24], [sflag:s8] =	dma.local [hbm:s6], $0x800  }
0x2f: {  	_ =	swait.ge [sflag:s30], $0x800  }
0x30: {  	[sflag:s30] =	ssyncset.done $0x0  }
0x31: {  	[sflag:s30] =	ssyncadd.s32 $0xFFFFF800  }
0x32: {  	[spmem:s28], [sflag:s8] =	dma.local [hbm:s6], $0x800  }
0x33: {  	_ =	swait.ge [sflag:s30], $0x800  }
0x34: {  	[sflag:s30] =	ssyncset.done $0x0  }
0x35: {  	[sflag:s30] =	ssyncadd.s32 $0xFFFFF800  }
0x36: {  	[bflag:$0x0] =	sbarrier.arrive $0xFFFF  }
0x37: {  	[tilespmem:s3], [sflag:$0x4] =	stream.linear.gather [hbm4b:s26+s3], $0x80, $0x38;
	[tilespmem:$0x1CA00] =	vst v63  }
0x38: {  	_ =	swait.ge [sflag:s30], $0x80  }
0x39: {  	[sflag:s30] =	ssyncset.done $0x0  }
0x3a: {  	[sflag:s30] =	ssyncadd.s32 $0xFFFFFF80  }
0x3b: {  	[tilespmem:s0], [sflag:$0x1] =	stream.indirect.gather [hbm4b:s4+s31], $0x80, s3, s31, $0xb8;
	[tilespmem:$0x1CA00] =	vst v63  }
0x3c: {  	_ = 	snop  }
0x3d: {  	[tilespmem:s31], [sflag:$0x4] =	stream.linear.gather [hbm4b:s29+s3], $0x80, $0x38;
	[tilespmem:$0x1CA00] =	vst v63  }
0x3e: {  	_ =	swait.ge [sflag:s30], $0x80  }
0x3f: {  	[sflag:s30] =	ssyncset.done $0x0  }
0x40: {  	[sflag:s30] =	ssyncadd.s32 $0xFFFFFF80  }
0x41: {  	[tilespmem:s2], [sflag:$0x2] =	stream.indirect.gather [hbm4b:s4+s31], $0x80, s31, s31, $0xb8;
	[tilespmem:$0x1CA00] =	vst v63  }
0x42: {  	_ =	swait.ge [sflag:s10], $0x4000  }
0x43: {  	[sflag:s10] =	ssyncset.done $0x0  }
0x44: {  	s18 =	sadd.s32 $0x0, s21;
	[sflag:s10] =	ssyncadd.s32 $0xFFFFC000  }
0x45: {  	[tilespmem:s11], [sflag:$0x4] =	stream.linear.gather [hbm4b:s18+s3], $0x80, $0x38;
	[tilespmem:$0x1CA00] =	vst v63  }
0x46: {  	_ =	swait.ge [sflag:s30], $0x80  }
0x47: {  	[sflag:s30] =	ssyncset.done $0x0  }
0x48: {  	[sflag:s30] =	ssyncadd.s32 $0xFFFFFF80  }
0x49: {  	[spmem:s1] =	stream.indirect.scatter.add.f32 [tilespmem:s0], [sflag:$0x4], $0x80, s11, s31, $0xb8;
	[tilespmem:$0x1CA00] =	vst v63  }
0x4a: {  	_ =	swait.ge [sflag:s30], $0x4000  }
0x4b: {  	s7 =	sshrl.u32 s23, $0x3;
	[sflag:s30] =	ssyncset.done $0x0  }
0x4c: {  	s18 =	sadd.s32 s5, s7;
	[sflag:s30] =	ssyncadd.s32 $0xFFFFC000  }
0x4d: {  	[tilespmem:s3], [sflag:$0x4] =	stream.linear.gather [hbm4b:s18+s3], $0x80, $0x38;
	[tilespmem:$0x1CA00] =	vst v63  }
0x4e: {  	_ =	swait.ge [sflag:s30], $0x80  }
0x4f: {  	[sflag:s30] =	ssyncset.done $0x0  }
0x50: {  	[sflag:s30] =	ssyncadd.s32 $0xFFFFFF80  }
0x51: {  	[tilespmem:s0], [sflag:$0x1] =	stream.indirect.gather [hbm4b:s4+s31], $0x80, s3, s31, $0xb8;
	[tilespmem:$0x1CA00] =	vst v63  }
0x52: {  	_ =	swait.ge [sflag:s12], $0x4000  }
0x53: {  	[sflag:s12] =	ssyncset.done $0x0  }
0x54: {  	s19 =	sadd.s32 $0x0, s20;
	[sflag:s12] =	ssyncadd.s32 $0xFFFFC000  }
0x55: {  	[tilespmem:s11], [sflag:$0x4] =	stream.linear.gather [hbm4b:s19+s3], $0x80, $0x38;
	[tilespmem:$0x1CA00] =	vst v63  }
0x56: {  	_ =	swait.ge [sflag:s30], $0x80  }
0x57: {  	[sflag:s30] =	ssyncset.done $0x0  }
0x58: {  	[sflag:s30] =	ssyncadd.s32 $0xFFFFFF80  }
0x59: {  	[spmem:s1] =	stream.indirect.scatter.add.f32 [tilespmem:s2], [sflag:$0x4], $0x80, s11, s31, $0xb8;
	[tilespmem:$0x1CA00] =	vst v63  }
0x5a: {  	_ =	swait.ge [sflag:s30], $0x4000  }
0x5b: {  	[sflag:s30] =	ssyncset.done $0x0  }
0x5c: {  	s24 =	sadd.s32 $0x0, s22;
	[sflag:s30] =	ssyncadd.s32 $0xFFFFC000  }
0x5d: {  	[tilespmem:s31], [sflag:$0x4] =	stream.linear.gather [hbm4b:s24+s3], $0x80, $0x38;
	[tilespmem:$0x1CA00] =	vst v63  }
0x5e: {  	_ =	swait.ge [sflag:s30], $0x80  }
0x5f: {  	[sflag:s30] =	ssyncset.done $0x0  }
0x60: {  	s18 =	simm.s32 $0x20;
	s19 =	sadd.s32 $0x100, s23;
	[sflag:s30] =	ssyncadd.s32 $0xFFFFFF80  }
.LBB2_2:
0x61: {  	[tilespmem:s2], [sflag:$0x2] =	stream.indirect.gather [hbm4b:s4+s31], $0x80, s31, s31, $0xb8;
	[tilespmem:$0x1CA00] =	vst v63  }
0x62: {  	s24 =	smov.u32 s18  }
0x63: {  	p0 =	sne.s32 s18, $0x480;
	s18 =	sadd.s32 $0x20, s18;
	_ =	swait.ge [sflag:s10], $0x4000  }
0x64: {  	[sflag:s10] =	ssyncset.done $0x0  }
0x65: {  	s7 =	sadd.s32 s24, s21;
	[sflag:s10] =	ssyncadd.s32 $0xFFFFC000  }
0x66: {  	[tilespmem:s11], [sflag:$0x4] =	stream.linear.gather [hbm4b:s7+s3], $0x80, $0x38;
	[tilespmem:$0x1CA00] =	vst v63  }
0x67: {  	_ =	swait.ge [sflag:s30], $0x80  }
0x68: {  	[sflag:s30] =	ssyncset.done $0x0  }
0x69: {  	[sflag:s30] =	ssyncadd.s32 $0xFFFFFF80  }
0x6a: {  	[spmem:s1] =	stream.indirect.scatter.add.f32 [tilespmem:s0], [sflag:$0x4], $0x80, s11, s31, $0xb8;
	[tilespmem:$0x1CA00] =	vst v63  }
0x6b: {  	_ =	swait.ge [sflag:s30], $0x4000  }
0x6c: {  	s7 =	sshrl.u32 s19, $0x3;
	[sflag:s30] =	ssyncset.done $0x0  }
0x6d: {  	s7 =	sadd.s32 s5, s7;
	[sflag:s30] =	ssyncadd.s32 $0xFFFFC000  }
0x6e: {  	[tilespmem:s3], [sflag:$0x4] =	stream.linear.gather [hbm4b:s7+s3], $0x80, $0x38;
	[tilespmem:$0x1CA00] =	vst v63  }
0x6f: {  	_ =	swait.ge [sflag:s30], $0x80  }
0x70: {  	[sflag:s30] =	ssyncset.done $0x0  }
0x71: {  	[sflag:s30] =	ssyncadd.s32 $0xFFFFFF80  }
0x72: {  	[tilespmem:s0], [sflag:$0x1] =	stream.indirect.gather [hbm4b:s4+s31], $0x80, s3, s31, $0xb8;
	[tilespmem:$0x1CA00] =	vst v63  }
0x73: {  	_ =	swait.ge [sflag:s12], $0x4000  }
0x74: {  	[sflag:s12] =	ssyncset.done $0x0  }
0x75: {  	s7 =	sadd.s32 s24, s20;
	[sflag:s12] =	ssyncadd.s32 $0xFFFFC000  }
0x76: {  	[tilespmem:s11], [sflag:$0x4] =	stream.linear.gather [hbm4b:s7+s3], $0x80, $0x38;
	[tilespmem:$0x1CA00] =	vst v63  }
0x77: {  	_ =	swait.ge [sflag:s30], $0x80  }
0x78: {  	[sflag:s30] =	ssyncset.done $0x0  }
0x79: {  	[sflag:s30] =	ssyncadd.s32 $0xFFFFFF80  }
0x7a: {  	[spmem:s1] =	stream.indirect.scatter.add.f32 [tilespmem:s2], [sflag:$0x4], $0x80, s11, s31, $0xb8;
	[tilespmem:$0x1CA00] =	vst v63  }
0x7b: {  	_ =	swait.ge [sflag:s30], $0x4000  }
0x7c: {  	[sflag:s30] =	ssyncset.done $0x0  }
.Ltmp0:
0x7d: {  	s7 =	sadd.s32 s24, s22;
	[sflag:s30] =	ssyncadd.s32 $0xFFFFC000;
	(pc) =	sbr.rel @p0 .LBB2_2-.Ltmp0, $4  }
0x7e: {  	[tilespmem:s31], [sflag:$0x4] =	stream.linear.gather [hbm4b:s7+s3], $0x80, $0x38;
	[tilespmem:$0x1CA00] =	vst v63  }
0x7f: {  	_ =	swait.ge [sflag:s30], $0x80  }
0x80: {  	[sflag:s30] =	ssyncset.done $0x0  }
0x81: {  	s19 =	sadd.s32 $0x100, s19;
	[sflag:s30] =	ssyncadd.s32 $0xFFFFFF80  }
0x82: {  	[tilespmem:s2], [sflag:$0x2] =	stream.indirect.gather [hbm4b:s4+s31], $0x80, s31, s31, $0xb8;
	[tilespmem:$0x1CA00] =	vst v63  }
0x83: {  	_ =	swait.ge [sflag:s10], $0x4000  }
0x84: {  	[sflag:s10] =	ssyncset.done $0x0  }
0x85: {  	s7 =	rddreg [dreg:$0x3];
	[sflag:s10] =	ssyncadd.s32 $0xFFFFC000  }
0x86: {  	[tilespmem:s11], [sflag:$0x4] =	stream.linear.gather [hbm4b:s7+s3], $0x80, $0x38;
	[tilespmem:$0x1CA00] =	vst v63  }
0x87: {  	_ =	swait.ge [sflag:s30], $0x80  }
0x88: {  	[sflag:s30] =	ssyncset.done $0x0  }
0x89: {  	[sflag:s30] =	ssyncadd.s32 $0xFFFFFF80  }
0x8a: {  	[spmem:s1] =	stream.indirect.scatter.add.f32 [tilespmem:s0], [sflag:$0x4], $0x80, s11, s31, $0xb8;
	[tilespmem:$0x1CA00] =	vst v63  }
0x8b: {  	_ =	swait.ge [sflag:s30], $0x4000  }
0x8c: {  	[sflag:s30] =	ssyncset.done $0x0  }
0x8d: {  	s18 =	rddreg [dreg:$0x4];
	[sflag:s30] =	ssyncadd.s32 $0xFFFFC000  }
0x8e: {  	[tilespmem:s3], [sflag:$0x4] =	stream.linear.gather [hbm4b:s18+s3], $0x80, $0x38;
	[tilespmem:$0x1CA00] =	vst v63  }
0x8f: {  	_ =	swait.ge [sflag:s30], $0x80  }
0x90: {  	[sflag:s30] =	ssyncset.done $0x0  }
0x91: {  	[sflag:s30] =	ssyncadd.s32 $0xFFFFFF80  }
0x92: {  	[tilespmem:s0], [sflag:$0x1] =	stream.indirect.gather [hbm4b:s4+s31], $0x80, s3, s31, $0xb8;
	[tilespmem:$0x1CA00] =	vst v63  }
0x93: {  	_ =	swait.ge [sflag:s12], $0x4000  }
0x94: {  	[sflag:s12] =	ssyncset.done $0x0  }
0x95: {  	s19 =	rddreg [dreg:$0x5];
	[sflag:s12] =	ssyncadd.s32 $0xFFFFC000  }
0x96: {  	[tilespmem:s11], [sflag:$0x4] =	stream.linear.gather [hbm4b:s19+s3], $0x80, $0x38;
	[tilespmem:$0x1CA00] =	vst v63  }
0x97: {  	_ =	swait.ge [sflag:s30], $0x80  }
0x98: {  	[sflag:s30] =	ssyncset.done $0x0  }
0x99: {  	[sflag:s30] =	ssyncadd.s32 $0xFFFFFF80  }
0x9a: {  	[spmem:s1] =	stream.indirect.scatter.add.f32 [tilespmem:s2], [sflag:$0x4], $0x80, s11, s31, $0xb8;
	[tilespmem:$0x1CA00] =	vst v63  }
0x9b: {  	_ =	swait.ge [sflag:s30], $0x4000  }
0x9c: {  	[sflag:s30] =	ssyncset.done $0x0  }
0x9d: {  	s24 =	rddreg [dreg:$0x6];
	[sflag:s30] =	ssyncadd.s32 $0xFFFFC000  }
0x9e: {  	[tilespmem:s31], [sflag:$0x4] =	stream.linear.gather [hbm4b:s24+s3], $0x80, $0x38;
	[tilespmem:$0x1CA00] =	vst v63  }
0x9f: {  	_ =	swait.ge [sflag:s30], $0x80  }
0xa0: {  	[sflag:s30] =	ssyncset.done $0x0  }
0xa1: {  	[sflag:s30] =	ssyncadd.s32 $0xFFFFFF80  }
0xa2: {  	[tilespmem:s2], [sflag:$0x2] =	stream.indirect.gather [hbm4b:s4+s31], $0x80, s31, s31, $0xb8;
	[tilespmem:$0x1CA00] =	vst v63  }
0xa3: {  	_ =	swait.ge [sflag:s10], $0x4000  }
0xa4: {  	[sflag:s10] =	ssyncset.done $0x0  }
0xa5: {  	s18 =	rddreg [dreg:$0x7];
	[sflag:s10] =	ssyncadd.s32 $0xFFFFC000  }
0xa6: {  	[tilespmem:s11], [sflag:$0x4] =	stream.linear.gather [hbm4b:s18+s3], $0x80, $0x38;
	[tilespmem:$0x1CA00] =	vst v63  }
0xa7: {  	_ =	swait.ge [sflag:s30], $0x80  }
0xa8: {  	[sflag:s30] =	ssyncset.done $0x0  }
0xa9: {  	[sflag:s30] =	ssyncadd.s32 $0xFFFFFF80  }
0xaa: {  	[spmem:s1] =	stream.indirect.scatter.add.f32 [tilespmem:s0], [sflag:$0x4], $0x80, s11, s31, $0xb8;
	[tilespmem:$0x1CA00] =	vst v63  }
0xab: {  	_ =	swait.ge [sflag:s30], $0x4000  }
0xac: {  	[sflag:s30] =	ssyncset.done $0x0  }
0xad: {  	[sflag:s30] =	ssyncadd.s32 $0xFFFFC000  }
0xae: {  	_ =	swait.ge [sflag:s12], $0x4000  }
0xaf: {  	[sflag:s12] =	ssyncset.done $0x0  }
0xb0: {  	s19 =	rddreg [dreg:$0x8];
	[sflag:s12] =	ssyncadd.s32 $0xFFFFC000  }
0xb1: {  	[tilespmem:s11], [sflag:$0x4] =	stream.linear.gather [hbm4b:s19+s3], $0x80, $0x38;
	[tilespmem:$0x1CA00] =	vst v63  }
0xb2: {  	_ =	swait.ge [sflag:s30], $0x80  }
0xb3: {  	[sflag:s30] =	ssyncset.done $0x0  }
0xb4: {  	[sflag:s30] =	ssyncadd.s32 $0xFFFFFF80  }
0xb5: {  	[spmem:s1] =	stream.indirect.scatter.add.f32 [tilespmem:s2], [sflag:$0x4], $0x80, s11, s31, $0xb8;
	[tilespmem:$0x1CA00] =	vst v63  }
0xb6: {  	_ =	swait.ge [sflag:s30], $0x4000  }
0xb7: {  	[sflag:s30] =	ssyncset.done $0x0  }
0xb8: {  	s24 =	rddreg [dreg:$0x9];
	[sflag:s30] =	ssyncadd.s32 $0xFFFFC000  }
0xb9: {  	[tilespmem:s9], [sflag:$0x4] =	stream.linear.gather [hbm4b:s24+s3], $0x10, $0x38;
	[tilespmem:$0x1CA00] =	vst v63  }
0xba: {  	_ =	swait.ge [sflag:s30], $0x10  }
0xbb: {  	[sflag:s30] =	ssyncset.done $0x0  }
0xbc: {  	[sflag:s30] =	ssyncadd.s32 $0xFFFFFFF0  }
0xbd: {  	[tilespmem:s14], [sflag:$0x3] =	stream.indirect.gather [hbm4b:s4+s13], $0x80, s9, s13, $0xb8;
	[tilespmem:$0x1CA00] =	vst v63  }
0xbe: {  	_ =	swait.ge [sflag:s15], $0x800  }
0xbf: {  	[sflag:s15] =	ssyncset.done $0x0  }
0xc0: {  	s18 =	rddreg [dreg:$0xa];
	[sflag:s15] =	ssyncadd.s32 $0xFFFFF800  }
0xc1: {  	[tilespmem:s9], [sflag:$0x4] =	stream.linear.gather [hbm4b:s18+s3], $0x10, $0x38;
	[tilespmem:$0x1CA00] =	vst v63  }
0xc2: {  	_ =	swait.ge [sflag:s30], $0x10  }
0xc3: {  	[sflag:s30] =	ssyncset.done $0x0  }
0xc4: {  	[sflag:s30] =	ssyncadd.s32 $0xFFFFFFF0  }
0xc5: {  	[spmem:s1] =	stream.indirect.scatter.add.f32 [tilespmem:s14], [sflag:$0x4], $0x80, s9, s13, $0xb8;
	[tilespmem:$0x1CA00] =	vst v63  }
0xc6: {  	_ =	swait.ge [sflag:s30], $0x800  }
0xc7: {  	[sflag:s30] =	ssyncset.done $0x0  }
0xc8: {  	[sflag:s30] =	ssyncadd.s32 $0xFFFFF800  }
0xc9: {  	[bflag:$0x0] =	sbarrier.arrive $0xFFFF  }
0xca: {  	s19 =	rddreg [dreg:$0xb]  }
0xcb: {  	[hbm:s19], [sflag:s8] =	dma.local [spmem:s17], $0x2800  }
0xcc: {  	_ =	swait.ge [sflag:s30], $0x2800  }
0xcd: {  	s16 =	sadd.s32 $0x1, s16;
	s24 =	rddreg [dreg:$0xc]  }
0xce: {  	p0 =	sne.s32 s16, s24  }
.Ltmp1:
0xcf: {  	_ = 	snop;
	(pc) =	sbr.rel @p0 .LBB2_1-.Ltmp1, $3  }
0xd0: {  	_ =	sdelay $0x1  }
0xd1: {  	[sflag:s30] =	ssyncset.done $0x0  }
0xd2: {  	[sflag:s30] =	ssyncadd.s32 $0xFFFFD800  }
0xd3: {  	_ =	sfence.sel $0x180000  }
0xd4: {  	[bflag:$0x0] =	sbarrier.arrive $0xFFFF  }
0xd5: {  	_ =	strace $0x90000050  }
0xd6: {  	s0 =	stileid.u32;
	[bflag:$0x2] =	sbarrier.arrive $0xFFFF  }
0xd7: {  	p0 =	sne.s32 s0, $0x0;
	s0 =	rddreg [dreg:$0x2]  }
0xd8: {  	s0 =	sadd.s32 @!p0 $0x100000, s0  }
0xd9: {  	[sflag:s0] =	ssyncadd.tile.s32 @!p0 $0x1;
	_ =	shalt  }
.Lfunc_end2:
_tile_overlayer_lowered:
.L_overlay_start_2:
0xda: {  	(tag) =	ssettag $0x2  }
0xdb: {  	s0 =	rddreg [dreg:$0x0];
	s2 =	stileid.u32  }
0xdc: {  	s1 =	rddreg [dreg:$0x1];
	p0 =	sne.s32 s2, $0x0  }
0xdd: {  	s3 =	rddreg [dreg:$0x2];
	[bflag:$0x3] =	sbarrier.arrive $0xFFFF;
	s2 =	simm.s32 @!p0 $0x1C04  }
0xde: {  	[timem:s3], [sflag:s2] =	dma.local @!p0 [hbm:s0], s1  }
0xdf: {  	s0 =	simm.s32 @!p0 $0x4  }
0xe0: {  	_ =	swait.ge @!p0 [sflag:s0], s1  }
0xe1: {  	s1 =	ssub.s32 @!p0 $0x0, s1;
	[sflag:s0] =	ssyncset.done @!p0 $0x0  }
0xe2: {  	[sflag:s0] =	ssyncadd.s32 @!p0 s1  }
0xe3: {  	[bflag:$0x3] =	sbarrier.arrive $0xFFFF  }
0xe4: {  	_ =	shalt  }

</sc_bundles>
